<compile_context>
chip_gen: v7x
topology: tpu7x:2x2x1
jax: 0.10.2.dev20260603
libtpu: 0.0.44.dev20260713+nightly
codegen_flags: <defaults>
</compile_context>

<pallas_src>
import dataclasses

import jax
import jax.numpy as jnp
from jax import lax
from jax.experimental import pallas as pl
from jax.experimental.pallas import tpu as pltpu
from jax.experimental.pallas import tpu_sc as plsc

N = 10000
E = 320000
D = 128

NUM_CORES = 2
NUM_SUBCORES = 16
NUM_WORKERS = NUM_CORES * NUM_SUBCORES
EDGES_PER_WORKER = E // NUM_WORKERS
CHUNK = 40
NUM_CHUNKS = EDGES_PER_WORKER // CHUNK
TOTAL_CHUNKS = E // CHUNK

import numpy as _np
_PV = _np.empty((D,), dtype=_np.int32)
for _k in range(D // 32):
    for _i in range(16):
        _PV[32 * _k + 2 * _i] = 32 * _k + _i
        _PV[32 * _k + 2 * _i + 1] = 32 * _k + 16 + _i
DUMP_SUBCORES = 10
DUMP_ROWS = N // DUMP_SUBCORES

EDGE_BLK = 3200
NUM_EDGE_BLKS = E // EDGE_BLK

_DN = (((1,), (1,)), ((), ()))


def _node_transform_body(h_ref, uw, ub, vw, vb, bw, bb, cw, cb,
                         uh_ref, vh_ref, bh_ref, ch_ref):
    h = h_ref[...]
    uh_ref[...] = lax.dot_general(h, uw[...], _DN,
                                  preferred_element_type=jnp.float32) + ub[...]
    vh_ref[...] = (lax.dot_general(h, vw[...], _DN,
                                   preferred_element_type=jnp.float32)
                   + vb[...]).astype(jnp.bfloat16)
    bh_ref[...] = lax.dot_general(h, bw[...], _DN,
                                  preferred_element_type=jnp.float32) + bb[...]
    ch_ref[...] = (lax.dot_general(h, cw[...], _DN,
                                   preferred_element_type=jnp.float32)
                   + cb[...]).astype(jnp.bfloat16)


def _node_transform(h_in, U_w, U_b, V_w, V_b, B_w, B_b, C_w, C_b):
    out = jax.ShapeDtypeStruct((N, D), jnp.float32)
    out16 = jax.ShapeDtypeStruct((N, D), jnp.bfloat16)
    return pl.pallas_call(
        _node_transform_body,
        out_shape=(out, out16, out, out16),
    )(h_in, U_w, U_b, V_w, V_b, B_w, B_b, C_w, C_b)


def _sc_edge_body(e_hbm, src_hbm, dst_hbm, vc_hbm, bh_hbm,
                  g_hbm, agg_hbm,
                  idx_s0, idx_d0, e0, vc0, bh0, go0,
                  idx_s1, idx_d1, e1, vc1, bh1, go1, m0,
                  idx_c0, idx_c1,
                  sem_in0, sem_in1, sem_g0, sem_g1, sem_w0, sem_w1, sem_sc,
                  sem_ic0, sem_ic1,
                  agg_sh):
    c = lax.axis_index("c")
    s = lax.axis_index("s")
    wid = c * NUM_SUBCORES + s
    base0 = wid * EDGES_PER_WORKER
    cbase0 = wid * NUM_CHUNKS

    sets = ((idx_s0, idx_d0, e0, vc0, bh0, go0, m0, sem_in0, sem_g0, sem_w0,
             idx_c0, sem_ic0),
            (idx_s1, idx_d1, e1, vc1, bh1, go1, m0, sem_in1, sem_g1, sem_w1,
             idx_c1, sem_ic1))

    def wait_scatter():
        pltpu.make_async_copy(m0, agg_sh.at[idx_c0], sem_sc).wait()

    @pl.loop(0, CHUNK)
    def _(r):
        for k in range(D // 16):
            m0[r, pl.ds(k * 16, 16)] = jnp.zeros((16,), jnp.float32)

    @pl.when(s < DUMP_SUBCORES)
    def _():
        for j in range(DUMP_ROWS // CHUNK):
            pltpu.sync_copy(
                m0, agg_sh.at[pl.ds(s * DUMP_ROWS + j * CHUNK, CHUNK)])

    plsc.subcore_barrier()

    def issue_in(t, S):
        (idx_s, idx_d, e_b, _, _, _, _, sem_in, _, _, _, _) = S
        base = base0 + t * CHUNK
        pltpu.async_copy(src_hbm.at[pl.ds(base, CHUNK)], idx_s, sem_in)
        pltpu.async_copy(dst_hbm.at[pl.ds(base, CHUNK)], idx_d, sem_in)
        pltpu.async_copy(e_hbm.at[pl.ds(base, CHUNK)], e_b, sem_in)

    def wait_in(t, S):
        (idx_s, idx_d, e_b, _, _, _, _, sem_in, _, _, _, _) = S
        base = base0 + t * CHUNK
        pltpu.make_async_copy(src_hbm.at[pl.ds(base, CHUNK)], idx_s,
                              sem_in).wait()
        pltpu.make_async_copy(dst_hbm.at[pl.ds(base, CHUNK)], idx_d,
                              sem_in).wait()
        pltpu.make_async_copy(e_hbm.at[pl.ds(base, CHUNK)], e_b,
                              sem_in).wait()

    def issue_gathers(S):
        (idx_s, idx_d, _, vc_b, bh_b, _, _, _, sem_g, _, _, _) = S
        pltpu.async_copy(vc_hbm.at[idx_d], vc_b, sem_g)
        pltpu.async_copy(bh_hbm.at[idx_s], bh_b, sem_g)

    def wait_gw(t, S):
        (_, _, _, _, _, go_b, _, _, _, sem_w, _, _) = S
        base = base0 + t * CHUNK
        pltpu.make_async_copy(go_b, g_hbm.at[pl.ds(base, CHUNK)],
                              sem_w).wait()

    def finish_chunk(t, S):
        (idx_s, idx_d, e_b, vc_b, bh_b, go_b, m_b, _, sem_g, sem_w,
         idx_c, sem_ic) = S
        base = base0 + t * CHUNK
        pltpu.async_copy(src_hbm.at[pl.ds(base, CHUNK)], idx_c, sem_ic)
        pltpu.make_async_copy(vc_hbm.at[idx_d], vc_b, sem_g).wait()
        pltpu.make_async_copy(bh_hbm.at[idx_s], bh_b, sem_g).wait()

        @pl.when(t >= 1)
        def _():
            wait_scatter()

        @pl.loop(0, CHUNK)
        def _(r):
            for k in range(D // 32):
                vv = plsc.bitcast(vc_b[r, pl.ds(k * 16, 16)], jnp.bfloat16)
                va, vb = plsc.unpack(vv, format=plsc.PackFormat.INTERLEAVED)
                cv = plsc.bitcast(vc_b[r, pl.ds(64 + k * 16, 16)],
                                  jnp.bfloat16)
                ca, cb = plsc.unpack(cv, format=plsc.PackFormat.INTERLEAVED)
                s1 = pl.ds(32 * k, 16)
                s2 = pl.ds(32 * k + 16, 16)
                m_b[r, s1] = va * (1.0 / (1.0 + jnp.exp(-e_b[r, s1])))
                m_b[r, s2] = vb * (1.0 / (1.0 + jnp.exp(-e_b[r, s2])))
                go_b[r, s1] = ca + bh_b[r, s1]
                go_b[r, s2] = cb + bh_b[r, s2]

        pltpu.async_copy(go_b, g_hbm.at[pl.ds(base, CHUNK)], sem_w)
        pltpu.make_async_copy(src_hbm.at[pl.ds(base, CHUNK)], idx_c,
                              sem_ic).wait()
        pltpu.async_copy(m_b, agg_sh.at[idx_c], sem_sc, add=True)

    issue_in(0, sets[0])
    issue_in(1, sets[1])
    wait_in(0, sets[0])
    issue_gathers(sets[0])

    @pl.loop(0, NUM_CHUNKS, step=2)
    def _(t):
        for p in range(2):
            tt = t + p
            S = sets[p]
            So = sets[1 - p]

            @pl.when(tt + 1 < NUM_CHUNKS)
            def _():
                @pl.when(tt > 0)
                def _():
                    wait_gw(tt - 1, So)
                wait_in(tt + 1, So)
                issue_gathers(So)

            finish_chunk(tt, S)

            @pl.when(tt + 2 < NUM_CHUNKS)
            def _():
                issue_in(tt + 2, S)

    wait_gw(NUM_CHUNKS - 2, sets[0])
    wait_gw(NUM_CHUNKS - 1, sets[1])
    wait_scatter()

    plsc.subcore_barrier()

    @pl.when(s < DUMP_SUBCORES)
    def _():
        pltpu.sync_copy(
            agg_sh.at[pl.ds(s * DUMP_ROWS, DUMP_ROWS)],
            agg_hbm.at[c, pl.ds(s * DUMP_ROWS, DUMP_ROWS)])


def _sc_edge_pass(e_in, src, dst, vc, bh):
    mesh = plsc.VectorSubcoreMesh(core_axis_name="c", subcore_axis_name="s",
                                  num_cores=NUM_CORES,
                                  num_subcores=NUM_SUBCORES)
    buf_set = [
        pltpu.VMEM((CHUNK,), jnp.int32),
        pltpu.VMEM((CHUNK,), jnp.int32),
        pltpu.VMEM((CHUNK, D), jnp.float32),
        pltpu.VMEM((CHUNK, D), jnp.int32),
        pltpu.VMEM((CHUNK, D), jnp.float32),
        pltpu.VMEM((CHUNK, D), jnp.float32),
    ]
    cp = pltpu.CompilerParams()
    if "needs_layout_passes" in pltpu.CompilerParams.__dataclass_fields__:
        cp = dataclasses.replace(cp, needs_layout_passes=False)
    kernel = pl.kernel(
        _sc_edge_body,
        out_type=(jax.ShapeDtypeStruct((E, D), jnp.float32),
                  jax.ShapeDtypeStruct((NUM_CORES, N, D), jnp.float32)),
        mesh=mesh,
        compiler_params=cp,
        scratch_types=buf_set + buf_set + [
            pltpu.VMEM((CHUNK, D), jnp.float32),
            pltpu.VMEM((CHUNK,), jnp.int32),
            pltpu.VMEM((CHUNK,), jnp.int32),
            pltpu.SemaphoreType.DMA,
            pltpu.SemaphoreType.DMA,
            pltpu.SemaphoreType.DMA,
            pltpu.SemaphoreType.DMA,
            pltpu.SemaphoreType.DMA,
            pltpu.SemaphoreType.DMA,
            pltpu.SemaphoreType.DMA,
            pltpu.SemaphoreType.DMA,
            pltpu.SemaphoreType.DMA,
            pltpu.VMEM_SHARED((N, D), jnp.float32),
        ],
    )
    return kernel(e_in, src, dst, vc, bh)


def _e_stats_body(e_ref, g_ref, aw, ab, out_ref):
    i = pl.program_id(0)
    ae = lax.dot_general(e_ref[...], aw[...], _DN,
                         preferred_element_type=jnp.float32) + ab[...]
    pre = ae + g_ref[...].astype(jnp.float32)
    ssum = jnp.sum(pre, axis=0)
    ssq = jnp.sum(pre * pre, axis=0)

    @pl.when(i == 0)
    def _():
        out_ref[...] = jnp.zeros_like(out_ref)

    out_ref[0, :] += ssum
    out_ref[1, :] += ssq


def _e_stats(e_in, g, A_w, A_b):
    return pl.pallas_call(
        _e_stats_body,
        grid=(NUM_EDGE_BLKS,),
        in_specs=[
            pl.BlockSpec((EDGE_BLK, D), lambda i: (i, 0)),
            pl.BlockSpec((EDGE_BLK, D), lambda i: (i, 0)),
            pl.BlockSpec((D, D), lambda i: (0, 0)),
            pl.BlockSpec((D,), lambda i: (0,)),
        ],
        out_specs=pl.BlockSpec((8, D), lambda i: (0, 0)),
        out_shape=jax.ShapeDtypeStruct((8, D), jnp.float32),
    )(e_in, g, A_w, A_b)


def _e_final_body(e_ref, g_ref, aw, ab, stats_ref, gamma_ref, beta_ref,
                  out_ref):
    ae = lax.dot_general(e_ref[...], aw[...], _DN,
                         preferred_element_type=jnp.float32) + ab[...]
    pre = ae + g_ref[...].astype(jnp.float32)
    mu = stats_ref[0, :] * (1.0 / E)
    var = stats_ref[1, :] * (1.0 / E) - mu * mu
    inv = gamma_ref[...] * lax.rsqrt(var + 1e-5)
    bn = (pre - mu) * inv + beta_ref[...]
    out_ref[...] = e_ref[...] + jnp.maximum(bn, 0.0)


def _e_final(e_in, g, A_w, A_b, stats, e_gamma, e_beta):
    return pl.pallas_call(
        _e_final_body,
        grid=(NUM_EDGE_BLKS,),
        in_specs=[
            pl.BlockSpec((EDGE_BLK, D), lambda i: (i, 0)),
            pl.BlockSpec((EDGE_BLK, D), lambda i: (i, 0)),
            pl.BlockSpec((D, D), lambda i: (0, 0)),
            pl.BlockSpec((D,), lambda i: (0,)),
            pl.BlockSpec((8, D), lambda i: (0, 0)),
            pl.BlockSpec((D,), lambda i: (0,)),
            pl.BlockSpec((D,), lambda i: (0,)),
        ],
        out_specs=pl.BlockSpec((EDGE_BLK, D), lambda i: (i, 0)),
        out_shape=jax.ShapeDtypeStruct((E, D), jnp.float32),
    )(e_in, g, A_w, A_b, stats, e_gamma, e_beta)


def _h_final_body(h_ref, uh_ref, a0_ref, a1_ref, gamma_ref, beta_ref,
                  out_ref):
    t = uh_ref[...] + a0_ref[...] + a1_ref[...]
    mu = jnp.mean(t, axis=0)
    var = jnp.mean(t * t, axis=0) - mu * mu
    inv = gamma_ref[...] * lax.rsqrt(var + 1e-5)
    bn = (t - mu) * inv + beta_ref[...]
    out_ref[...] = h_ref[...] + jnp.maximum(bn, 0.0)


def _h_final(h_in, uh, agg, h_gamma, h_beta):
    return pl.pallas_call(
        _h_final_body,
        out_shape=jax.ShapeDtypeStruct((N, D), jnp.float32),
    )(h_in, uh, agg[0], agg[1], h_gamma, h_beta)


@jax.jit
def kernel(h_in, e_in, edge_index, U_w, U_b, V_w, V_b, A_w, A_b, B_w, B_b,
           C_w, C_b, h_gamma, h_beta, e_gamma, e_beta):
    src = edge_index[0]
    dst = edge_index[1]
    pv = jnp.asarray(_PV)
    uh, vh, bh, ch = _node_transform(h_in, U_w, U_b,
                                     V_w[pv], V_b[pv],
                                     B_w, B_b, C_w[pv], C_b[pv])
    vc = jnp.concatenate(
        [lax.bitcast_convert_type(vh.reshape(N, D // 2, 2), jnp.int32),
         lax.bitcast_convert_type(ch.reshape(N, D // 2, 2), jnp.int32)],
        axis=1)
    g, agg = _sc_edge_pass(e_in, src, dst, vc, bh)
    stats = _e_stats(e_in, g, A_w, A_b)
    e_out = _e_final(e_in, g, A_w, A_b, stats, e_gamma, e_beta)
    h_out = _h_final(h_in, uh, agg, h_gamma, h_beta)
    return (h_out, e_out)

# --- scband reference (transcript-rebuilt; emitter-appended) ---
"""Pipeline reference for scband-gnnlayer-2619930051568 (READ-ONLY COPY).

The authoritative reference and input builder live on the scoring server;
editing this copy changes nothing except your own understanding.
"""

import jax, jax.numpy as jnp
import numpy as np

N = 10000
E = 320000
D = 128


def _linear_params(key, d, scale):
    kw, kb = jax.random.split(key)
    W = jax.random.uniform(kw, (d, d), minval=-scale, maxval=scale, dtype=jnp.float32)
    b = jax.random.uniform(kb, (d,), minval=-scale, maxval=scale, dtype=jnp.float32)
    return W, b


def setup_inputs(seed: int = 0) -> dict:
    key = jax.random.key(seed)
    ks = jax.random.split(key, 12)
    h_in = jax.random.normal(ks[0], (N, D), dtype=jnp.float32)
    e_in = jax.random.normal(ks[1], (E, D), dtype=jnp.float32)
    edge_index = jax.random.randint(ks[2], (2, E), 0, N, dtype=jnp.int32)
    scale = 1.0 / np.sqrt(D)
    U_w, U_b = _linear_params(ks[3], D, scale)
    V_w, V_b = _linear_params(ks[4], D, scale)
    A_w, A_b = _linear_params(ks[5], D, scale)
    B_w, B_b = _linear_params(ks[6], D, scale)
    C_w, C_b = _linear_params(ks[7], D, scale)
    h_gamma = jnp.ones((D,), dtype=jnp.float32)
    h_beta = jnp.zeros((D,), dtype=jnp.float32)
    e_gamma = jnp.ones((D,), dtype=jnp.float32)
    e_beta = jnp.zeros((D,), dtype=jnp.float32)
    return {
        "h_in": h_in, "e_in": e_in, "edge_index": edge_index,
        "U_w": U_w, "U_b": U_b, "V_w": V_w, "V_b": V_b,
        "A_w": A_w, "A_b": A_b, "B_w": B_w, "B_b": B_b,
        "C_w": C_w, "C_b": C_b,
        "h_gamma": h_gamma, "h_beta": h_beta,
        "e_gamma": e_gamma, "e_beta": e_beta,
    }


def _batch_norm(x, gamma, beta, eps=1e-5):
    mean = jnp.mean(x, axis=0)
    var = jnp.var(x, axis=0)
    return gamma * (x - mean) / jnp.sqrt(var + eps) + beta


def reference(h_in, e_in, edge_index, U_w, U_b, V_w, V_b, A_w, A_b, B_w, B_b, C_w, C_b, h_gamma, h_beta, e_gamma, e_beta):
    Uh = h_in @ U_w.T + U_b
    Vh = h_in @ V_w.T + V_b
    Ae = e_in @ A_w.T + A_b
    Bh = h_in @ B_w.T + B_b
    Ch = h_in @ C_w.T + C_b
    sigmoid_e = jax.nn.sigmoid(e_in)  # edge_gates=True
    msgs = sigmoid_e * Vh[edge_index[1]]
    aggregated_h = jax.ops.segment_sum(msgs, edge_index[0], num_segments=h_in.shape[0])
    h = h_in + jax.nn.relu(_batch_norm(Uh + aggregated_h, h_gamma, h_beta))
    Bhi = Bh[edge_index[0]]
    Chi = Ch[edge_index[1]]
    e = e_in + jax.nn.relu(_batch_norm(Ae + Bhi + Chi, e_gamma, e_beta))
    return (h, e)

if __name__ == "__main__":
    import jax
    _d = setup_inputs()
    print(jax.jit(kernel)(*tuple(_d.values())))

</pallas_src>

<mosaic_0001>
#map = affine_map<(d0, d1) -> (0, 0)>
#map1 = affine_map<(d0, d1) -> (0)>
#map2 = affine_map<(d0, d1) -> (0, 0, 0)>
module attributes {stable_mosaic.version = 14 : i64} {
  func.func @_sc_edge_body(%arg0: i32, %arg1: i32, %arg2: memref<320000x128xf32, #tpu.memory_space<hbm>>, %arg3: memref<320000xi32, #tpu.memory_space<hbm>>, %arg4: memref<320000xi32, #tpu.memory_space<hbm>>, %arg5: memref<10000x128xi32, #tpu.memory_space<hbm>>, %arg6: memref<10000x128xf32, #tpu.memory_space<hbm>>, %arg7: memref<320000x128xf32, #tpu.memory_space<hbm>>, %arg8: memref<2x10000x128xf32, #tpu.memory_space<hbm>>, %arg9: memref<40xi32, #tpu.memory_space<vmem>>, %arg10: memref<40xi32, #tpu.memory_space<vmem>>, %arg11: memref<40x128xf32, #tpu.memory_space<vmem>>, %arg12: memref<40x128xi32, #tpu.memory_space<vmem>>, %arg13: memref<40x128xf32, #tpu.memory_space<vmem>>, %arg14: memref<40x128xf32, #tpu.memory_space<vmem>>, %arg15: memref<40xi32, #tpu.memory_space<vmem>>, %arg16: memref<40xi32, #tpu.memory_space<vmem>>, %arg17: memref<40x128xf32, #tpu.memory_space<vmem>>, %arg18: memref<40x128xi32, #tpu.memory_space<vmem>>, %arg19: memref<40x128xf32, #tpu.memory_space<vmem>>, %arg20: memref<40x128xf32, #tpu.memory_space<vmem>>, %arg21: memref<40x128xf32, #tpu.memory_space<vmem>>, %arg22: memref<40xi32, #tpu.memory_space<vmem>>, %arg23: memref<40xi32, #tpu.memory_space<vmem>>, %arg24: memref<!tpu.dma_semaphore, #tpu.memory_space<semaphore_mem>>, %arg25: memref<!tpu.dma_semaphore, #tpu.memory_space<semaphore_mem>>, %arg26: memref<!tpu.dma_semaphore, #tpu.memory_space<semaphore_mem>>, %arg27: memref<!tpu.dma_semaphore, #tpu.memory_space<semaphore_mem>>, %arg28: memref<!tpu.dma_semaphore, #tpu.memory_space<semaphore_mem>>, %arg29: memref<!tpu.dma_semaphore, #tpu.memory_space<semaphore_mem>>, %arg30: memref<!tpu.dma_semaphore, #tpu.memory_space<semaphore_mem>>, %arg31: memref<!tpu.dma_semaphore, #tpu.memory_space<semaphore_mem>>, %arg32: memref<!tpu.dma_semaphore, #tpu.memory_space<semaphore_mem>>, %arg33: memref<10000x128xf32, #tpu.memory_space<vmem_shared>>) attributes {dimension_semantics = [#tpu.dimension_semantics<core_parallel>, #tpu.dimension_semantics<subcore_parallel>], iteration_bounds = array<i64: 2, 16>, scalar_prefetch = 0 : i64, scratch_operands = 25 : i64, tpu.core_type = #tpu.core_type<sc_vector_subcore>, window_params = [{transform_indices = #map}, {transform_indices = #map1}, {transform_indices = #map1}, {transform_indices = #map}, {transform_indices = #map}, {transform_indices = #map}, {transform_indices = #map2}]} {
    %mul3A = arith.constant 16 : i32
    %mul3A_0 = arith.muli %arg0, %mul3A : i32
    %add3A = arith.addi %mul3A_0, %arg1 : i32
    %mul3A_1 = arith.constant 10000 : i32
    %mul3A_2 = arith.muli %add3A, %mul3A_1 : i32
    %mul3A_3 = arith.constant 250 : i32
    %mul3A_4 = arith.muli %add3A, %mul3A_3 : i32
    %scan3A = arith.constant 0 : i32
    %scan3A_5 = arith.constant 40 : i32
    %scan3A_6 = arith.addi %scan3A, %scan3A_5 : i32
    %scan3A_7 = arith.constant 1 : i32
    scf.for %scan3A_71 = %scan3A to %scan3A_6 step %scan3A_7  : i32 {
      %mul3A_72 = arith.constant 1 : i32
      %mul3A_73 = arith.muli %scan3A_71, %mul3A_72 : i32
      %add3A_74 = arith.constant 0 : i32
      %add3A_75 = arith.addi %add3A_74, %mul3A_73 : i32
      %broadcast_in_dim3A = arith.constant 0.000000e+00 : f32
      %broadcast_in_dim3A_76 = vector.broadcast %broadcast_in_dim3A : f32 to vector<16xf32>
      %swap3A = arith.index_cast %add3A_75 : i32 to index
      %swap3A_77 = arith.constant 0 : index
      %swap3A_78 = tpu.vector_load %arg21[%swap3A, %swap3A_77] {strides = array<i32>} : memref<40x128xf32, #tpu.memory_space<vmem>>, vector<16xf32>,
      tpu.vector_store %arg21[%swap3A, %swap3A_77], %broadcast_in_dim3A_76 {strides = array<i32>} : memref<40x128xf32, #tpu.memory_space<vmem>>, vector<16xf32>,
      %broadcast_in_dim3A_79 = arith.constant 0.000000e+00 : f32
      %broadcast_in_dim3A_80 = vector.broadcast %broadcast_in_dim3A_79 : f32 to vector<16xf32>
      %swap3A_81 = arith.index_cast %add3A_75 : i32 to index
      %swap3A_82 = arith.constant 16 : index
      %swap3A_83 = tpu.vector_load %arg21[%swap3A_81, %swap3A_82] {strides = array<i32>} : memref<40x128xf32, #tpu.memory_space<vmem>>, vector<16xf32>,
      tpu.vector_store %arg21[%swap3A_81, %swap3A_82], %broadcast_in_dim3A_80 {strides = array<i32>} : memref<40x128xf32, #tpu.memory_space<vmem>>, vector<16xf32>,
      %broadcast_in_dim3A_84 = arith.constant 0.000000e+00 : f32
      %broadcast_in_dim3A_85 = vector.broadcast %broadcast_in_dim3A_84 : f32 to vector<16xf32>
      %swap3A_86 = arith.index_cast %add3A_75 : i32 to index
      %swap3A_87 = arith.constant 32 : index
      %swap3A_88 = tpu.vector_load %arg21[%swap3A_86, %swap3A_87] {strides = array<i32>} : memref<40x128xf32, #tpu.memory_space<vmem>>, vector<16xf32>,
      tpu.vector_store %arg21[%swap3A_86, %swap3A_87], %broadcast_in_dim3A_85 {strides = array<i32>} : memref<40x128xf32, #tpu.memory_space<vmem>>, vector<16xf32>,
      %broadcast_in_dim3A_89 = arith.constant 0.000000e+00 : f32
      %broadcast_in_dim3A_90 = vector.broadcast %broadcast_in_dim3A_89 : f32 to vector<16xf32>
      %swap3A_91 = arith.index_cast %add3A_75 : i32 to index
      %swap3A_92 = arith.constant 48 : index
      %swap3A_93 = tpu.vector_load %arg21[%swap3A_91, %swap3A_92] {strides = array<i32>} : memref<40x128xf32, #tpu.memory_space<vmem>>, vector<16xf32>,
      tpu.vector_store %arg21[%swap3A_91, %swap3A_92], %broadcast_in_dim3A_90 {strides = array<i32>} : memref<40x128xf32, #tpu.memory_space<vmem>>, vector<16xf32>,
      %broadcast_in_dim3A_94 = arith.constant 0.000000e+00 : f32
      %broadcast_in_dim3A_95 = vector.broadcast %broadcast_in_dim3A_94 : f32 to vector<16xf32>
      %swap3A_96 = arith.index_cast %add3A_75 : i32 to index
      %swap3A_97 = arith.constant 64 : index
      %swap3A_98 = tpu.vector_load %arg21[%swap3A_96, %swap3A_97] {strides = array<i32>} : memref<40x128xf32, #tpu.memory_space<vmem>>, vector<16xf32>,
      tpu.vector_store %arg21[%swap3A_96, %swap3A_97], %broadcast_in_dim3A_95 {strides = array<i32>} : memref<40x128xf32, #tpu.memory_space<vmem>>, vector<16xf32>,
      %broadcast_in_dim3A_99 = arith.constant 0.000000e+00 : f32
      %broadcast_in_dim3A_100 = vector.broadcast %broadcast_in_dim3A_99 : f32 to vector<16xf32>
      %swap3A_101 = arith.index_cast %add3A_75 : i32 to index
      %swap3A_102 = arith.constant 80 : index
      %swap3A_103 = tpu.vector_load %arg21[%swap3A_101, %swap3A_102] {strides = array<i32>} : memref<40x128xf32, #tpu.memory_space<vmem>>, vector<16xf32>,
      tpu.vector_store %arg21[%swap3A_101, %swap3A_102], %broadcast_in_dim3A_100 {strides = array<i32>} : memref<40x128xf32, #tpu.memory_space<vmem>>, vector<16xf32>,
      %broadcast_in_dim3A_104 = arith.constant 0.000000e+00 : f32
      %broadcast_in_dim3A_105 = vector.broadcast %broadcast_in_dim3A_104 : f32 to vector<16xf32>
      %swap3A_106 = arith.index_cast %add3A_75 : i32 to index
      %swap3A_107 = arith.constant 96 : index
      %swap3A_108 = tpu.vector_load %arg21[%swap3A_106, %swap3A_107] {strides = array<i32>} : memref<40x128xf32, #tpu.memory_space<vmem>>, vector<16xf32>,
      tpu.vector_store %arg21[%swap3A_106, %swap3A_107], %broadcast_in_dim3A_105 {strides = array<i32>} : memref<40x128xf32, #tpu.memory_space<vmem>>, vector<16xf32>,
      %broadcast_in_dim3A_109 = arith.constant 0.000000e+00 : f32
      %broadcast_in_dim3A_110 = vector.broadcast %broadcast_in_dim3A_109 : f32 to vector<16xf32>
      %swap3A_111 = arith.index_cast %add3A_75 : i32 to index
      %swap3A_112 = arith.constant 112 : index
      %swap3A_113 = tpu.vector_load %arg21[%swap3A_111, %swap3A_112] {strides = array<i32>} : memref<40x128xf32, #tpu.memory_space<vmem>>, vector<16xf32>,
      tpu.vector_store %arg21[%swap3A_111, %swap3A_112], %broadcast_in_dim3A_110 {strides = array<i32>} : memref<40x128xf32, #tpu.memory_space<vmem>>, vector<16xf32>,
    }
    %scan3A_8 = arith.constant 40 : i32
    %lt3A = arith.constant 10 : i32
    %lt3A_9 = arith.cmpi slt, %arg1, %lt3A : i32
    %convert_element_type3A = arith.extui %lt3A_9 : i1 to i32
    %cond3A = arith.constant 0 : i32
    %cond3A_10 = arith.cmpi ne, %convert_element_type3A, %cond3A : i32
    scf.if %cond3A_10 {
      %mul3A_71 = arith.constant 1000 : i32
      %mul3A_72 = arith.muli %arg1, %mul3A_71 : i32
      %add3A_73 = arith.constant 0 : i32
      %add3A_74 = arith.addi %mul3A_72, %add3A_73 : i32
      "tpu.region"() ({
        %run_scoped3A = tpu.sem_alloc : memref<!tpu.dma_semaphore, #tpu.memory_space<semaphore_mem>>
        %dma_start3A_171 = arith.constant 0 : i32
        %dma_start3A_172 = tpu.memref_slice %arg33[%add3A_74, %dma_start3A_171] : memref<10000x128xf32, #tpu.memory_space<vmem_shared>> -> memref<40x128xf32, #tpu.memory_space<vmem_shared>>
        %dma_start3A_173 = arith.constant 0 : i32
        %dma_start3A_174 = tpu.memref_slice %arg33[%add3A_74, %dma_start3A_173] : memref<10000x128xf32, #tpu.memory_space<vmem_shared>> -> memref<40x128xf32, #tpu.memory_space<vmem_shared>>
        tpu.enqueue_dma source(%arg21 : memref<40x128xf32, #tpu.memory_space<vmem>>) target(%dma_start3A_174 : memref<40x128xf32, #tpu.memory_space<vmem_shared>>) target_semaphore(%run_scoped3A : memref<!tpu.dma_semaphore, #tpu.memory_space<semaphore_mem>>)
        %dma_wait3A_175 = arith.constant 0 : i32
        %dma_wait3A_176 = tpu.memref_slice %arg33[%add3A_74, %dma_wait3A_175] : memref<10000x128xf32, #tpu.memory_space<vmem_shared>> -> memref<40x128xf32, #tpu.memory_space<vmem_shared>>
        %dma_wait3A_177 = arith.constant 0 : i32
        %dma_wait3A_178 = tpu.memref_slice %arg33[%add3A_74, %dma_wait3A_177] : memref<10000x128xf32, #tpu.memory_space<vmem_shared>> -> memref<40x128xf32, #tpu.memory_space<vmem_shared>>
        tpu.wait_dma2 semaphore(%run_scoped3A : memref<!tpu.dma_semaphore, #tpu.memory_space<semaphore_mem>>) src(%arg21 : memref<40x128xf32, #tpu.memory_space<vmem>>) dst(%dma_wait3A_178 : memref<40x128xf32, #tpu.memory_space<vmem_shared>>)
        tpu.yield
      }) : () -> ()
      %mul3A_75 = arith.constant 1000 : i32
      %mul3A_76 = arith.muli %arg1, %mul3A_75 : i32
      %add3A_77 = arith.constant 40 : i32
      %add3A_78 = arith.addi %mul3A_76, %add3A_77 : i32
      "tpu.region"() ({
        %run_scoped3A = tpu.sem_alloc : memref<!tpu.dma_semaphore, #tpu.memory_space<semaphore_mem>>
        %dma_start3A_171 = arith.constant 0 : i32
        %dma_start3A_172 = tpu.memref_slice %arg33[%add3A_78, %dma_start3A_171] : memref<10000x128xf32, #tpu.memory_space<vmem_shared>> -> memref<40x128xf32, #tpu.memory_space<vmem_shared>>
        %dma_start3A_173 = arith.constant 0 : i32
        %dma_start3A_174 = tpu.memref_slice %arg33[%add3A_78, %dma_start3A_173] : memref<10000x128xf32, #tpu.memory_space<vmem_shared>> -> memref<40x128xf32, #tpu.memory_space<vmem_shared>>
        tpu.enqueue_dma source(%arg21 : memref<40x128xf32, #tpu.memory_space<vmem>>) target(%dma_start3A_174 : memref<40x128xf32, #tpu.memory_space<vmem_shared>>) target_semaphore(%run_scoped3A : memref<!tpu.dma_semaphore, #tpu.memory_space<semaphore_mem>>)
        %dma_wait3A_175 = arith.constant 0 : i32
        %dma_wait3A_176 = tpu.memref_slice %arg33[%add3A_78, %dma_wait3A_175] : memref<10000x128xf32, #tpu.memory_space<vmem_shared>> -> memref<40x128xf32, #tpu.memory_space<vmem_shared>>
        %dma_wait3A_177 = arith.constant 0 : i32
        %dma_wait3A_178 = tpu.memref_slice %arg33[%add3A_78, %dma_wait3A_177] : memref<10000x128xf32, #tpu.memory_space<vmem_shared>> -> memref<40x128xf32, #tpu.memory_space<vmem_shared>>
        tpu.wait_dma2 semaphore(%run_scoped3A : memref<!tpu.dma_semaphore, #tpu.memory_space<semaphore_mem>>) src(%arg21 : memref<40x128xf32, #tpu.memory_space<vmem>>) dst(%dma_wait3A_178 : memref<40x128xf32, #tpu.memory_space<vmem_shared>>)
        tpu.yield
      }) : () -> ()
      %mul3A_79 = arith.constant 1000 : i32
      %mul3A_80 = arith.muli %arg1, %mul3A_79 : i32
      %add3A_81 = arith.constant 80 : i32
      %add3A_82 = arith.addi %mul3A_80, %add3A_81 : i32
      "tpu.region"() ({
        %run_scoped3A = tpu.sem_alloc : memref<!tpu.dma_semaphore, #tpu.memory_space<semaphore_mem>>
        %dma_start3A_171 = arith.constant 0 : i32
        %dma_start3A_172 = tpu.memref_slice %arg33[%add3A_82, %dma_start3A_171] : memref<10000x128xf32, #tpu.memory_space<vmem_shared>> -> memref<40x128xf32, #tpu.memory_space<vmem_shared>>
        %dma_start3A_173 = arith.constant 0 : i32
        %dma_start3A_174 = tpu.memref_slice %arg33[%add3A_82, %dma_start3A_173] : memref<10000x128xf32, #tpu.memory_space<vmem_shared>> -> memref<40x128xf32, #tpu.memory_space<vmem_shared>>
        tpu.enqueue_dma source(%arg21 : memref<40x128xf32, #tpu.memory_space<vmem>>) target(%dma_start3A_174 : memref<40x128xf32, #tpu.memory_space<vmem_shared>>) target_semaphore(%run_scoped3A : memref<!tpu.dma_semaphore, #tpu.memory_space<semaphore_mem>>)
        %dma_wait3A_175 = arith.constant 0 : i32
        %dma_wait3A_176 = tpu.memref_slice %arg33[%add3A_82, %dma_wait3A_175] : memref<10000x128xf32, #tpu.memory_space<vmem_shared>> -> memref<40x128xf32, #tpu.memory_space<vmem_shared>>
        %dma_wait3A_177 = arith.constant 0 : i32
        %dma_wait3A_178 = tpu.memref_slice %arg33[%add3A_82, %dma_wait3A_177] : memref<10000x128xf32, #tpu.memory_space<vmem_shared>> -> memref<40x128xf32, #tpu.memory_space<vmem_shared>>
        tpu.wait_dma2 semaphore(%run_scoped3A : memref<!tpu.dma_semaphore, #tpu.memory_space<semaphore_mem>>) src(%arg21 : memref<40x128xf32, #tpu.memory_space<vmem>>) dst(%dma_wait3A_178 : memref<40x128xf32, #tpu.memory_space<vmem_shared>>)
        tpu.yield
      }) : () -> ()
      %mul3A_83 = arith.constant 1000 : i32
      %mul3A_84 = arith.muli %arg1, %mul3A_83 : i32
      %add3A_85 = arith.constant 120 : i32
      %add3A_86 = arith.addi %mul3A_84, %add3A_85 : i32
      "tpu.region"() ({
        %run_scoped3A = tpu.sem_alloc : memref<!tpu.dma_semaphore, #tpu.memory_space<semaphore_mem>>
        %dma_start3A_171 = arith.constant 0 : i32
        %dma_start3A_172 = tpu.memref_slice %arg33[%add3A_86, %dma_start3A_171] : memref<10000x128xf32, #tpu.memory_space<vmem_shared>> -> memref<40x128xf32, #tpu.memory_space<vmem_shared>>
        %dma_start3A_173 = arith.constant 0 : i32
        %dma_start3A_174 = tpu.memref_slice %arg33[%add3A_86, %dma_start3A_173] : memref<10000x128xf32, #tpu.memory_space<vmem_shared>> -> memref<40x128xf32, #tpu.memory_space<vmem_shared>>
        tpu.enqueue_dma source(%arg21 : memref<40x128xf32, #tpu.memory_space<vmem>>) target(%dma_start3A_174 : memref<40x128xf32, #tpu.memory_space<vmem_shared>>) target_semaphore(%run_scoped3A : memref<!tpu.dma_semaphore, #tpu.memory_space<semaphore_mem>>)
        %dma_wait3A_175 = arith.constant 0 : i32
        %dma_wait3A_176 = tpu.memref_slice %arg33[%add3A_86, %dma_wait3A_175] : memref<10000x128xf32, #tpu.memory_space<vmem_shared>> -> memref<40x128xf32, #tpu.memory_space<vmem_shared>>
        %dma_wait3A_177 = arith.constant 0 : i32
        %dma_wait3A_178 = tpu.memref_slice %arg33[%add3A_86, %dma_wait3A_177] : memref<10000x128xf32, #tpu.memory_space<vmem_shared>> -> memref<40x128xf32, #tpu.memory_space<vmem_shared>>
        tpu.wait_dma2 semaphore(%run_scoped3A : memref<!tpu.dma_semaphore, #tpu.memory_space<semaphore_mem>>) src(%arg21 : memref<40x128xf32, #tpu.memory_space<vmem>>) dst(%dma_wait3A_178 : memref<40x128xf32, #tpu.memory_space<vmem_shared>>)
        tpu.yield
      }) : () -> ()
      %mul3A_87 = arith.constant 1000 : i32
      %mul3A_88 = arith.muli %arg1, %mul3A_87 : i32
      %add3A_89 = arith.constant 160 : i32
      %add3A_90 = arith.addi %mul3A_88, %add3A_89 : i32
      "tpu.region"() ({
        %run_scoped3A = tpu.sem_alloc : memref<!tpu.dma_semaphore, #tpu.memory_space<semaphore_mem>>
        %dma_start3A_171 = arith.constant 0 : i32
        %dma_start3A_172 = tpu.memref_slice %arg33[%add3A_90, %dma_start3A_171] : memref<10000x128xf32, #tpu.memory_space<vmem_shared>> -> memref<40x128xf32, #tpu.memory_space<vmem_shared>>
        %dma_start3A_173 = arith.constant 0 : i32
        %dma_start3A_174 = tpu.memref_slice %arg33[%add3A_90, %dma_start3A_173] : memref<10000x128xf32, #tpu.memory_space<vmem_shared>> -> memref<40x128xf32, #tpu.memory_space<vmem_shared>>
        tpu.enqueue_dma source(%arg21 : memref<40x128xf32, #tpu.memory_space<vmem>>) target(%dma_start3A_174 : memref<40x128xf32, #tpu.memory_space<vmem_shared>>) target_semaphore(%run_scoped3A : memref<!tpu.dma_semaphore, #tpu.memory_space<semaphore_mem>>)
        %dma_wait3A_175 = arith.constant 0 : i32
        %dma_wait3A_176 = tpu.memref_slice %arg33[%add3A_90, %dma_wait3A_175] : memref<10000x128xf32, #tpu.memory_space<vmem_shared>> -> memref<40x128xf32, #tpu.memory_space<vmem_shared>>
        %dma_wait3A_177 = arith.constant 0 : i32
        %dma_wait3A_178 = tpu.memref_slice %arg33[%add3A_90, %dma_wait3A_177] : memref<10000x128xf32, #tpu.memory_space<vmem_shared>> -> memref<40x128xf32, #tpu.memory_space<vmem_shared>>
        tpu.wait_dma2 semaphore(%run_scoped3A : memref<!tpu.dma_semaphore, #tpu.memory_space<semaphore_mem>>) src(%arg21 : memref<40x128xf32, #tpu.memory_space<vmem>>) dst(%dma_wait3A_178 : memref<40x128xf32, #tpu.memory_space<vmem_shared>>)
        tpu.yield
      }) : () -> ()
      %mul3A_91 = arith.constant 1000 : i32
      %mul3A_92 = arith.muli %arg1, %mul3A_91 : i32
      %add3A_93 = arith.constant 200 : i32
      %add3A_94 = arith.addi %mul3A_92, %add3A_93 : i32
      "tpu.region"() ({
        %run_scoped3A = tpu.sem_alloc : memref<!tpu.dma_semaphore, #tpu.memory_space<semaphore_mem>>
        %dma_start3A_171 = arith.constant 0 : i32
        %dma_start3A_172 = tpu.memref_slice %arg33[%add3A_94, %dma_start3A_171] : memref<10000x128xf32, #tpu.memory_space<vmem_shared>> -> memref<40x128xf32, #tpu.memory_space<vmem_shared>>
        %dma_start3A_173 = arith.constant 0 : i32
        %dma_start3A_174 = tpu.memref_slice %arg33[%add3A_94, %dma_start3A_173] : memref<10000x128xf32, #tpu.memory_space<vmem_shared>> -> memref<40x128xf32, #tpu.memory_space<vmem_shared>>
        tpu.enqueue_dma source(%arg21 : memref<40x128xf32, #tpu.memory_space<vmem>>) target(%dma_start3A_174 : memref<40x128xf32, #tpu.memory_space<vmem_shared>>) target_semaphore(%run_scoped3A : memref<!tpu.dma_semaphore, #tpu.memory_space<semaphore_mem>>)
        %dma_wait3A_175 = arith.constant 0 : i32
        %dma_wait3A_176 = tpu.memref_slice %arg33[%add3A_94, %dma_wait3A_175] : memref<10000x128xf32, #tpu.memory_space<vmem_shared>> -> memref<40x128xf32, #tpu.memory_space<vmem_shared>>
        %dma_wait3A_177 = arith.constant 0 : i32
        %dma_wait3A_178 = tpu.memref_slice %arg33[%add3A_94, %dma_wait3A_177] : memref<10000x128xf32, #tpu.memory_space<vmem_shared>> -> memref<40x128xf32, #tpu.memory_space<vmem_shared>>
        tpu.wait_dma2 semaphore(%run_scoped3A : memref<!tpu.dma_semaphore, #tpu.memory_space<semaphore_mem>>) src(%arg21 : memref<40x128xf32, #tpu.memory_space<vmem>>) dst(%dma_wait3A_178 : memref<40x128xf32, #tpu.memory_space<vmem_shared>>)
        tpu.yield
      }) : () -> ()
      %mul3A_95 = arith.constant 1000 : i32
      %mul3A_96 = arith.muli %arg1, %mul3A_95 : i32
      %add3A_97 = arith.constant 240 : i32
      %add3A_98 = arith.addi %mul3A_96, %add3A_97 : i32
      "tpu.region"() ({
        %run_scoped3A = tpu.sem_alloc : memref<!tpu.dma_semaphore, #tpu.memory_space<semaphore_mem>>
        %dma_start3A_171 = arith.constant 0 : i32
        %dma_start3A_172 = tpu.memref_slice %arg33[%add3A_98, %dma_start3A_171] : memref<10000x128xf32, #tpu.memory_space<vmem_shared>> -> memref<40x128xf32, #tpu.memory_space<vmem_shared>>
        %dma_start3A_173 = arith.constant 0 : i32
        %dma_start3A_174 = tpu.memref_slice %arg33[%add3A_98, %dma_start3A_173] : memref<10000x128xf32, #tpu.memory_space<vmem_shared>> -> memref<40x128xf32, #tpu.memory_space<vmem_shared>>
        tpu.enqueue_dma source(%arg21 : memref<40x128xf32, #tpu.memory_space<vmem>>) target(%dma_start3A_174 : memref<40x128xf32, #tpu.memory_space<vmem_shared>>) target_semaphore(%run_scoped3A : memref<!tpu.dma_semaphore, #tpu.memory_space<semaphore_mem>>)
        %dma_wait3A_175 = arith.constant 0 : i32
        %dma_wait3A_176 = tpu.memref_slice %arg33[%add3A_98, %dma_wait3A_175] : memref<10000x128xf32, #tpu.memory_space<vmem_shared>> -> memref<40x128xf32, #tpu.memory_space<vmem_shared>>
        %dma_wait3A_177 = arith.constant 0 : i32
        %dma_wait3A_178 = tpu.memref_slice %arg33[%add3A_98, %dma_wait3A_177] : memref<10000x128xf32, #tpu.memory_space<vmem_shared>> -> memref<40x128xf32, #tpu.memory_space<vmem_shared>>
        tpu.wait_dma2 semaphore(%run_scoped3A : memref<!tpu.dma_semaphore, #tpu.memory_space<semaphore_mem>>) src(%arg21 : memref<40x128xf32, #tpu.memory_space<vmem>>) dst(%dma_wait3A_178 : memref<40x128xf32, #tpu.memory_space<vmem_shared>>)
        tpu.yield
      }) : () -> ()
      %mul3A_99 = arith.constant 1000 : i32
      %mul3A_100 = arith.muli %arg1, %mul3A_99 : i32
      %add3A_101 = arith.constant 280 : i32
      %add3A_102 = arith.addi %mul3A_100, %add3A_101 : i32
      "tpu.region"() ({
        %run_scoped3A = tpu.sem_alloc : memref<!tpu.dma_semaphore, #tpu.memory_space<semaphore_mem>>
        %dma_start3A_171 = arith.constant 0 : i32
        %dma_start3A_172 = tpu.memref_slice %arg33[%add3A_102, %dma_start3A_171] : memref<10000x128xf32, #tpu.memory_space<vmem_shared>> -> memref<40x128xf32, #tpu.memory_space<vmem_shared>>
        %dma_start3A_173 = arith.constant 0 : i32
        %dma_start3A_174 = tpu.memref_slice %arg33[%add3A_102, %dma_start3A_173] : memref<10000x128xf32, #tpu.memory_space<vmem_shared>> -> memref<40x128xf32, #tpu.memory_space<vmem_shared>>
        tpu.enqueue_dma source(%arg21 : memref<40x128xf32, #tpu.memory_space<vmem>>) target(%dma_start3A_174 : memref<40x128xf32, #tpu.memory_space<vmem_shared>>) target_semaphore(%run_scoped3A : memref<!tpu.dma_semaphore, #tpu.memory_space<semaphore_mem>>)
        %dma_wait3A_175 = arith.constant 0 : i32
        %dma_wait3A_176 = tpu.memref_slice %arg33[%add3A_102, %dma_wait3A_175] : memref<10000x128xf32, #tpu.memory_space<vmem_shared>> -> memref<40x128xf32, #tpu.memory_space<vmem_shared>>
        %dma_wait3A_177 = arith.constant 0 : i32
        %dma_wait3A_178 = tpu.memref_slice %arg33[%add3A_102, %dma_wait3A_177] : memref<10000x128xf32, #tpu.memory_space<vmem_shared>> -> memref<40x128xf32, #tpu.memory_space<vmem_shared>>
        tpu.wait_dma2 semaphore(%run_scoped3A : memref<!tpu.dma_semaphore, #tpu.memory_space<semaphore_mem>>) src(%arg21 : memref<40x128xf32, #tpu.memory_space<vmem>>) dst(%dma_wait3A_178 : memref<40x128xf32, #tpu.memory_space<vmem_shared>>)
        tpu.yield
      }) : () -> ()
      %mul3A_103 = arith.constant 1000 : i32
      %mul3A_104 = arith.muli %arg1, %mul3A_103 : i32
      %add3A_105 = arith.constant 320 : i32
      %add3A_106 = arith.addi %mul3A_104, %add3A_105 : i32
      "tpu.region"() ({
        %run_scoped3A = tpu.sem_alloc : memref<!tpu.dma_semaphore, #tpu.memory_space<semaphore_mem>>
        %dma_start3A_171 = arith.constant 0 : i32
        %dma_start3A_172 = tpu.memref_slice %arg33[%add3A_106, %dma_start3A_171] : memref<10000x128xf32, #tpu.memory_space<vmem_shared>> -> memref<40x128xf32, #tpu.memory_space<vmem_shared>>
        %dma_start3A_173 = arith.constant 0 : i32
        %dma_start3A_174 = tpu.memref_slice %arg33[%add3A_106, %dma_start3A_173] : memref<10000x128xf32, #tpu.memory_space<vmem_shared>> -> memref<40x128xf32, #tpu.memory_space<vmem_shared>>
        tpu.enqueue_dma source(%arg21 : memref<40x128xf32, #tpu.memory_space<vmem>>) target(%dma_start3A_174 : memref<40x128xf32, #tpu.memory_space<vmem_shared>>) target_semaphore(%run_scoped3A : memref<!tpu.dma_semaphore, #tpu.memory_space<semaphore_mem>>)
        %dma_wait3A_175 = arith.constant 0 : i32
        %dma_wait3A_176 = tpu.memref_slice %arg33[%add3A_106, %dma_wait3A_175] : memref<10000x128xf32, #tpu.memory_space<vmem_shared>> -> memref<40x128xf32, #tpu.memory_space<vmem_shared>>
        %dma_wait3A_177 = arith.constant 0 : i32
        %dma_wait3A_178 = tpu.memref_slice %arg33[%add3A_106, %dma_wait3A_177] : memref<10000x128xf32, #tpu.memory_space<vmem_shared>> -> memref<40x128xf32, #tpu.memory_space<vmem_shared>>
        tpu.wait_dma2 semaphore(%run_scoped3A : memref<!tpu.dma_semaphore, #tpu.memory_space<semaphore_mem>>) src(%arg21 : memref<40x128xf32, #tpu.memory_space<vmem>>) dst(%dma_wait3A_178 : memref<40x128xf32, #tpu.memory_space<vmem_shared>>)
        tpu.yield
      }) : () -> ()
      %mul3A_107 = arith.constant 1000 : i32
      %mul3A_108 = arith.muli %arg1, %mul3A_107 : i32
      %add3A_109 = arith.constant 360 : i32
      %add3A_110 = arith.addi %mul3A_108, %add3A_109 : i32
      "tpu.region"() ({
        %run_scoped3A = tpu.sem_alloc : memref<!tpu.dma_semaphore, #tpu.memory_space<semaphore_mem>>
        %dma_start3A_171 = arith.constant 0 : i32
        %dma_start3A_172 = tpu.memref_slice %arg33[%add3A_110, %dma_start3A_171] : memref<10000x128xf32, #tpu.memory_space<vmem_shared>> -> memref<40x128xf32, #tpu.memory_space<vmem_shared>>
        %dma_start3A_173 = arith.constant 0 : i32
        %dma_start3A_174 = tpu.memref_slice %arg33[%add3A_110, %dma_start3A_173] : memref<10000x128xf32, #tpu.memory_space<vmem_shared>> -> memref<40x128xf32, #tpu.memory_space<vmem_shared>>
        tpu.enqueue_dma source(%arg21 : memref<40x128xf32, #tpu.memory_space<vmem>>) target(%dma_start3A_174 : memref<40x128xf32, #tpu.memory_space<vmem_shared>>) target_semaphore(%run_scoped3A : memref<!tpu.dma_semaphore, #tpu.memory_space<semaphore_mem>>)
        %dma_wait3A_175 = arith.constant 0 : i32
        %dma_wait3A_176 = tpu.memref_slice %arg33[%add3A_110, %dma_wait3A_175] : memref<10000x128xf32, #tpu.memory_space<vmem_shared>> -> memref<40x128xf32, #tpu.memory_space<vmem_shared>>
        %dma_wait3A_177 = arith.constant 0 : i32
        %dma_wait3A_178 = tpu.memref_slice %arg33[%add3A_110, %dma_wait3A_177] : memref<10000x128xf32, #tpu.memory_space<vmem_shared>> -> memref<40x128xf32, #tpu.memory_space<vmem_shared>>
        tpu.wait_dma2 semaphore(%run_scoped3A : memref<!tpu.dma_semaphore, #tpu.memory_space<semaphore_mem>>) src(%arg21 : memref<40x128xf32, #tpu.memory_space<vmem>>) dst(%dma_wait3A_178 : memref<40x128xf32, #tpu.memory_space<vmem_shared>>)
        tpu.yield
      }) : () -> ()
      %mul3A_111 = arith.constant 1000 : i32
      %mul3A_112 = arith.muli %arg1, %mul3A_111 : i32
      %add3A_113 = arith.constant 400 : i32
      %add3A_114 = arith.addi %mul3A_112, %add3A_113 : i32
      "tpu.region"() ({
        %run_scoped3A = tpu.sem_alloc : memref<!tpu.dma_semaphore, #tpu.memory_space<semaphore_mem>>
        %dma_start3A_171 = arith.constant 0 : i32
        %dma_start3A_172 = tpu.memref_slice %arg33[%add3A_114, %dma_start3A_171] : memref<10000x128xf32, #tpu.memory_space<vmem_shared>> -> memref<40x128xf32, #tpu.memory_space<vmem_shared>>
        %dma_start3A_173 = arith.constant 0 : i32
        %dma_start3A_174 = tpu.memref_slice %arg33[%add3A_114, %dma_start3A_173] : memref<10000x128xf32, #tpu.memory_space<vmem_shared>> -> memref<40x128xf32, #tpu.memory_space<vmem_shared>>
        tpu.enqueue_dma source(%arg21 : memref<40x128xf32, #tpu.memory_space<vmem>>) target(%dma_start3A_174 : memref<40x128xf32, #tpu.memory_space<vmem_shared>>) target_semaphore(%run_scoped3A : memref<!tpu.dma_semaphore, #tpu.memory_space<semaphore_mem>>)
        %dma_wait3A_175 = arith.constant 0 : i32
        %dma_wait3A_176 = tpu.memref_slice %arg33[%add3A_114, %dma_wait3A_175] : memref<10000x128xf32, #tpu.memory_space<vmem_shared>> -> memref<40x128xf32, #tpu.memory_space<vmem_shared>>
        %dma_wait3A_177 = arith.constant 0 : i32
        %dma_wait3A_178 = tpu.memref_slice %arg33[%add3A_114, %dma_wait3A_177] : memref<10000x128xf32, #tpu.memory_space<vmem_shared>> -> memref<40x128xf32, #tpu.memory_space<vmem_shared>>
        tpu.wait_dma2 semaphore(%run_scoped3A : memref<!tpu.dma_semaphore, #tpu.memory_space<semaphore_mem>>) src(%arg21 : memref<40x128xf32, #tpu.memory_space<vmem>>) dst(%dma_wait3A_178 : memref<40x128xf32, #tpu.memory_space<vmem_shared>>)
        tpu.yield
      }) : () -> ()
      %mul3A_115 = arith.constant 1000 : i32
      %mul3A_116 = arith.muli %arg1, %mul3A_115 : i32
      %add3A_117 = arith.constant 440 : i32
      %add3A_118 = arith.addi %mul3A_116, %add3A_117 : i32
      "tpu.region"() ({
        %run_scoped3A = tpu.sem_alloc : memref<!tpu.dma_semaphore, #tpu.memory_space<semaphore_mem>>
        %dma_start3A_171 = arith.constant 0 : i32
        %dma_start3A_172 = tpu.memref_slice %arg33[%add3A_118, %dma_start3A_171] : memref<10000x128xf32, #tpu.memory_space<vmem_shared>> -> memref<40x128xf32, #tpu.memory_space<vmem_shared>>
        %dma_start3A_173 = arith.constant 0 : i32
        %dma_start3A_174 = tpu.memref_slice %arg33[%add3A_118, %dma_start3A_173] : memref<10000x128xf32, #tpu.memory_space<vmem_shared>> -> memref<40x128xf32, #tpu.memory_space<vmem_shared>>
        tpu.enqueue_dma source(%arg21 : memref<40x128xf32, #tpu.memory_space<vmem>>) target(%dma_start3A_174 : memref<40x128xf32, #tpu.memory_space<vmem_shared>>) target_semaphore(%run_scoped3A : memref<!tpu.dma_semaphore, #tpu.memory_space<semaphore_mem>>)
        %dma_wait3A_175 = arith.constant 0 : i32
        %dma_wait3A_176 = tpu.memref_slice %arg33[%add3A_118, %dma_wait3A_175] : memref<10000x128xf32, #tpu.memory_space<vmem_shared>> -> memref<40x128xf32, #tpu.memory_space<vmem_shared>>
        %dma_wait3A_177 = arith.constant 0 : i32
        %dma_wait3A_178 = tpu.memref_slice %arg33[%add3A_118, %dma_wait3A_177] : memref<10000x128xf32, #tpu.memory_space<vmem_shared>> -> memref<40x128xf32, #tpu.memory_space<vmem_shared>>
        tpu.wait_dma2 semaphore(%run_scoped3A : memref<!tpu.dma_semaphore, #tpu.memory_space<semaphore_mem>>) src(%arg21 : memref<40x128xf32, #tpu.memory_space<vmem>>) dst(%dma_wait3A_178 : memref<40x128xf32, #tpu.memory_space<vmem_shared>>)
        tpu.yield
      }) : () -> ()
      %mul3A_119 = arith.constant 1000 : i32
      %mul3A_120 = arith.muli %arg1, %mul3A_119 : i32
      %add3A_121 = arith.constant 480 : i32
      %add3A_122 = arith.addi %mul3A_120, %add3A_121 : i32
      "tpu.region"() ({
        %run_scoped3A = tpu.sem_alloc : memref<!tpu.dma_semaphore, #tpu.memory_space<semaphore_mem>>
        %dma_start3A_171 = arith.constant 0 : i32
        %dma_start3A_172 = tpu.memref_slice %arg33[%add3A_122, %dma_start3A_171] : memref<10000x128xf32, #tpu.memory_space<vmem_shared>> -> memref<40x128xf32, #tpu.memory_space<vmem_shared>>
        %dma_start3A_173 = arith.constant 0 : i32
        %dma_start3A_174 = tpu.memref_slice %arg33[%add3A_122, %dma_start3A_173] : memref<10000x128xf32, #tpu.memory_space<vmem_shared>> -> memref<40x128xf32, #tpu.memory_space<vmem_shared>>
        tpu.enqueue_dma source(%arg21 : memref<40x128xf32, #tpu.memory_space<vmem>>) target(%dma_start3A_174 : memref<40x128xf32, #tpu.memory_space<vmem_shared>>) target_semaphore(%run_scoped3A : memref<!tpu.dma_semaphore, #tpu.memory_space<semaphore_mem>>)
        %dma_wait3A_175 = arith.constant 0 : i32
        %dma_wait3A_176 = tpu.memref_slice %arg33[%add3A_122, %dma_wait3A_175] : memref<10000x128xf32, #tpu.memory_space<vmem_shared>> -> memref<40x128xf32, #tpu.memory_space<vmem_shared>>
        %dma_wait3A_177 = arith.constant 0 : i32
        %dma_wait3A_178 = tpu.memref_slice %arg33[%add3A_122, %dma_wait3A_177] : memref<10000x128xf32, #tpu.memory_space<vmem_shared>> -> memref<40x128xf32, #tpu.memory_space<vmem_shared>>
        tpu.wait_dma2 semaphore(%run_scoped3A : memref<!tpu.dma_semaphore, #tpu.memory_space<semaphore_mem>>) src(%arg21 : memref<40x128xf32, #tpu.memory_space<vmem>>) dst(%dma_wait3A_178 : memref<40x128xf32, #tpu.memory_space<vmem_shared>>)
        tpu.yield
      }) : () -> ()
      %mul3A_123 = arith.constant 1000 : i32
      %mul3A_124 = arith.muli %arg1, %mul3A_123 : i32
      %add3A_125 = arith.constant 520 : i32
      %add3A_126 = arith.addi %mul3A_124, %add3A_125 : i32
      "tpu.region"() ({
        %run_scoped3A = tpu.sem_alloc : memref<!tpu.dma_semaphore, #tpu.memory_space<semaphore_mem>>
        %dma_start3A_171 = arith.constant 0 : i32
        %dma_start3A_172 = tpu.memref_slice %arg33[%add3A_126, %dma_start3A_171] : memref<10000x128xf32, #tpu.memory_space<vmem_shared>> -> memref<40x128xf32, #tpu.memory_space<vmem_shared>>
        %dma_start3A_173 = arith.constant 0 : i32
        %dma_start3A_174 = tpu.memref_slice %arg33[%add3A_126, %dma_start3A_173] : memref<10000x128xf32, #tpu.memory_space<vmem_shared>> -> memref<40x128xf32, #tpu.memory_space<vmem_shared>>
        tpu.enqueue_dma source(%arg21 : memref<40x128xf32, #tpu.memory_space<vmem>>) target(%dma_start3A_174 : memref<40x128xf32, #tpu.memory_space<vmem_shared>>) target_semaphore(%run_scoped3A : memref<!tpu.dma_semaphore, #tpu.memory_space<semaphore_mem>>)
        %dma_wait3A_175 = arith.constant 0 : i32
        %dma_wait3A_176 = tpu.memref_slice %arg33[%add3A_126, %dma_wait3A_175] : memref<10000x128xf32, #tpu.memory_space<vmem_shared>> -> memref<40x128xf32, #tpu.memory_space<vmem_shared>>
        %dma_wait3A_177 = arith.constant 0 : i32
        %dma_wait3A_178 = tpu.memref_slice %arg33[%add3A_126, %dma_wait3A_177] : memref<10000x128xf32, #tpu.memory_space<vmem_shared>> -> memref<40x128xf32, #tpu.memory_space<vmem_shared>>
        tpu.wait_dma2 semaphore(%run_scoped3A : memref<!tpu.dma_semaphore, #tpu.memory_space<semaphore_mem>>) src(%arg21 : memref<40x128xf32, #tpu.memory_space<vmem>>) dst(%dma_wait3A_178 : memref<40x128xf32, #tpu.memory_space<vmem_shared>>)
        tpu.yield
      }) : () -> ()
      %mul3A_127 = arith.constant 1000 : i32
      %mul3A_128 = arith.muli %arg1, %mul3A_127 : i32
      %add3A_129 = arith.constant 560 : i32
      %add3A_130 = arith.addi %mul3A_128, %add3A_129 : i32
      "tpu.region"() ({
        %run_scoped3A = tpu.sem_alloc : memref<!tpu.dma_semaphore, #tpu.memory_space<semaphore_mem>>
        %dma_start3A_171 = arith.constant 0 : i32
        %dma_start3A_172 = tpu.memref_slice %arg33[%add3A_130, %dma_start3A_171] : memref<10000x128xf32, #tpu.memory_space<vmem_shared>> -> memref<40x128xf32, #tpu.memory_space<vmem_shared>>
        %dma_start3A_173 = arith.constant 0 : i32
        %dma_start3A_174 = tpu.memref_slice %arg33[%add3A_130, %dma_start3A_173] : memref<10000x128xf32, #tpu.memory_space<vmem_shared>> -> memref<40x128xf32, #tpu.memory_space<vmem_shared>>
        tpu.enqueue_dma source(%arg21 : memref<40x128xf32, #tpu.memory_space<vmem>>) target(%dma_start3A_174 : memref<40x128xf32, #tpu.memory_space<vmem_shared>>) target_semaphore(%run_scoped3A : memref<!tpu.dma_semaphore, #tpu.memory_space<semaphore_mem>>)
        %dma_wait3A_175 = arith.constant 0 : i32
        %dma_wait3A_176 = tpu.memref_slice %arg33[%add3A_130, %dma_wait3A_175] : memref<10000x128xf32, #tpu.memory_space<vmem_shared>> -> memref<40x128xf32, #tpu.memory_space<vmem_shared>>
        %dma_wait3A_177 = arith.constant 0 : i32
        %dma_wait3A_178 = tpu.memref_slice %arg33[%add3A_130, %dma_wait3A_177] : memref<10000x128xf32, #tpu.memory_space<vmem_shared>> -> memref<40x128xf32, #tpu.memory_space<vmem_shared>>
        tpu.wait_dma2 semaphore(%run_scoped3A : memref<!tpu.dma_semaphore, #tpu.memory_space<semaphore_mem>>) src(%arg21 : memref<40x128xf32, #tpu.memory_space<vmem>>) dst(%dma_wait3A_178 : memref<40x128xf32, #tpu.memory_space<vmem_shared>>)
        tpu.yield
      }) : () -> ()
      %mul3A_131 = arith.constant 1000 : i32
      %mul3A_132 = arith.muli %arg1, %mul3A_131 : i32
      %add3A_133 = arith.constant 600 : i32
      %add3A_134 = arith.addi %mul3A_132, %add3A_133 : i32
      "tpu.region"() ({
        %run_scoped3A = tpu.sem_alloc : memref<!tpu.dma_semaphore, #tpu.memory_space<semaphore_mem>>
        %dma_start3A_171 = arith.constant 0 : i32
        %dma_start3A_172 = tpu.memref_slice %arg33[%add3A_134, %dma_start3A_171] : memref<10000x128xf32, #tpu.memory_space<vmem_shared>> -> memref<40x128xf32, #tpu.memory_space<vmem_shared>>
        %dma_start3A_173 = arith.constant 0 : i32
        %dma_start3A_174 = tpu.memref_slice %arg33[%add3A_134, %dma_start3A_173] : memref<10000x128xf32, #tpu.memory_space<vmem_shared>> -> memref<40x128xf32, #tpu.memory_space<vmem_shared>>
        tpu.enqueue_dma source(%arg21 : memref<40x128xf32, #tpu.memory_space<vmem>>) target(%dma_start3A_174 : memref<40x128xf32, #tpu.memory_space<vmem_shared>>) target_semaphore(%run_scoped3A : memref<!tpu.dma_semaphore, #tpu.memory_space<semaphore_mem>>)
        %dma_wait3A_175 = arith.constant 0 : i32
        %dma_wait3A_176 = tpu.memref_slice %arg33[%add3A_134, %dma_wait3A_175] : memref<10000x128xf32, #tpu.memory_space<vmem_shared>> -> memref<40x128xf32, #tpu.memory_space<vmem_shared>>
        %dma_wait3A_177 = arith.constant 0 : i32
        %dma_wait3A_178 = tpu.memref_slice %arg33[%add3A_134, %dma_wait3A_177] : memref<10000x128xf32, #tpu.memory_space<vmem_shared>> -> memref<40x128xf32, #tpu.memory_space<vmem_shared>>
        tpu.wait_dma2 semaphore(%run_scoped3A : memref<!tpu.dma_semaphore, #tpu.memory_space<semaphore_mem>>) src(%arg21 : memref<40x128xf32, #tpu.memory_space<vmem>>) dst(%dma_wait3A_178 : memref<40x128xf32, #tpu.memory_space<vmem_shared>>)
        tpu.yield
      }) : () -> ()
      %mul3A_135 = arith.constant 1000 : i32
      %mul3A_136 = arith.muli %arg1, %mul3A_135 : i32
      %add3A_137 = arith.constant 640 : i32
      %add3A_138 = arith.addi %mul3A_136, %add3A_137 : i32
      "tpu.region"() ({
        %run_scoped3A = tpu.sem_alloc : memref<!tpu.dma_semaphore, #tpu.memory_space<semaphore_mem>>
        %dma_start3A_171 = arith.constant 0 : i32
        %dma_start3A_172 = tpu.memref_slice %arg33[%add3A_138, %dma_start3A_171] : memref<10000x128xf32, #tpu.memory_space<vmem_shared>> -> memref<40x128xf32, #tpu.memory_space<vmem_shared>>
        %dma_start3A_173 = arith.constant 0 : i32
        %dma_start3A_174 = tpu.memref_slice %arg33[%add3A_138, %dma_start3A_173] : memref<10000x128xf32, #tpu.memory_space<vmem_shared>> -> memref<40x128xf32, #tpu.memory_space<vmem_shared>>
        tpu.enqueue_dma source(%arg21 : memref<40x128xf32, #tpu.memory_space<vmem>>) target(%dma_start3A_174 : memref<40x128xf32, #tpu.memory_space<vmem_shared>>) target_semaphore(%run_scoped3A : memref<!tpu.dma_semaphore, #tpu.memory_space<semaphore_mem>>)
        %dma_wait3A_175 = arith.constant 0 : i32
        %dma_wait3A_176 = tpu.memref_slice %arg33[%add3A_138, %dma_wait3A_175] : memref<10000x128xf32, #tpu.memory_space<vmem_shared>> -> memref<40x128xf32, #tpu.memory_space<vmem_shared>>
        %dma_wait3A_177 = arith.constant 0 : i32
        %dma_wait3A_178 = tpu.memref_slice %arg33[%add3A_138, %dma_wait3A_177] : memref<10000x128xf32, #tpu.memory_space<vmem_shared>> -> memref<40x128xf32, #tpu.memory_space<vmem_shared>>
        tpu.wait_dma2 semaphore(%run_scoped3A : memref<!tpu.dma_semaphore, #tpu.memory_space<semaphore_mem>>) src(%arg21 : memref<40x128xf32, #tpu.memory_space<vmem>>) dst(%dma_wait3A_178 : memref<40x128xf32, #tpu.memory_space<vmem_shared>>)
        tpu.yield
      }) : () -> ()
      %mul3A_139 = arith.constant 1000 : i32
      %mul3A_140 = arith.muli %arg1, %mul3A_139 : i32
      %add3A_141 = arith.constant 680 : i32
      %add3A_142 = arith.addi %mul3A_140, %add3A_141 : i32
      "tpu.region"() ({
        %run_scoped3A = tpu.sem_alloc : memref<!tpu.dma_semaphore, #tpu.memory_space<semaphore_mem>>
        %dma_start3A_171 = arith.constant 0 : i32
        %dma_start3A_172 = tpu.memref_slice %arg33[%add3A_142, %dma_start3A_171] : memref<10000x128xf32, #tpu.memory_space<vmem_shared>> -> memref<40x128xf32, #tpu.memory_space<vmem_shared>>
        %dma_start3A_173 = arith.constant 0 : i32
        %dma_start3A_174 = tpu.memref_slice %arg33[%add3A_142, %dma_start3A_173] : memref<10000x128xf32, #tpu.memory_space<vmem_shared>> -> memref<40x128xf32, #tpu.memory_space<vmem_shared>>
        tpu.enqueue_dma source(%arg21 : memref<40x128xf32, #tpu.memory_space<vmem>>) target(%dma_start3A_174 : memref<40x128xf32, #tpu.memory_space<vmem_shared>>) target_semaphore(%run_scoped3A : memref<!tpu.dma_semaphore, #tpu.memory_space<semaphore_mem>>)
        %dma_wait3A_175 = arith.constant 0 : i32
        %dma_wait3A_176 = tpu.memref_slice %arg33[%add3A_142, %dma_wait3A_175] : memref<10000x128xf32, #tpu.memory_space<vmem_shared>> -> memref<40x128xf32, #tpu.memory_space<vmem_shared>>
        %dma_wait3A_177 = arith.constant 0 : i32
        %dma_wait3A_178 = tpu.memref_slice %arg33[%add3A_142, %dma_wait3A_177] : memref<10000x128xf32, #tpu.memory_space<vmem_shared>> -> memref<40x128xf32, #tpu.memory_space<vmem_shared>>
        tpu.wait_dma2 semaphore(%run_scoped3A : memref<!tpu.dma_semaphore, #tpu.memory_space<semaphore_mem>>) src(%arg21 : memref<40x128xf32, #tpu.memory_space<vmem>>) dst(%dma_wait3A_178 : memref<40x128xf32, #tpu.memory_space<vmem_shared>>)
        tpu.yield
      }) : () -> ()
      %mul3A_143 = arith.constant 1000 : i32
      %mul3A_144 = arith.muli %arg1, %mul3A_143 : i32
      %add3A_145 = arith.constant 720 : i32
      %add3A_146 = arith.addi %mul3A_144, %add3A_145 : i32
      "tpu.region"() ({
        %run_scoped3A = tpu.sem_alloc : memref<!tpu.dma_semaphore, #tpu.memory_space<semaphore_mem>>
        %dma_start3A_171 = arith.constant 0 : i32
        %dma_start3A_172 = tpu.memref_slice %arg33[%add3A_146, %dma_start3A_171] : memref<10000x128xf32, #tpu.memory_space<vmem_shared>> -> memref<40x128xf32, #tpu.memory_space<vmem_shared>>
        %dma_start3A_173 = arith.constant 0 : i32
        %dma_start3A_174 = tpu.memref_slice %arg33[%add3A_146, %dma_start3A_173] : memref<10000x128xf32, #tpu.memory_space<vmem_shared>> -> memref<40x128xf32, #tpu.memory_space<vmem_shared>>
        tpu.enqueue_dma source(%arg21 : memref<40x128xf32, #tpu.memory_space<vmem>>) target(%dma_start3A_174 : memref<40x128xf32, #tpu.memory_space<vmem_shared>>) target_semaphore(%run_scoped3A : memref<!tpu.dma_semaphore, #tpu.memory_space<semaphore_mem>>)
        %dma_wait3A_175 = arith.constant 0 : i32
        %dma_wait3A_176 = tpu.memref_slice %arg33[%add3A_146, %dma_wait3A_175] : memref<10000x128xf32, #tpu.memory_space<vmem_shared>> -> memref<40x128xf32, #tpu.memory_space<vmem_shared>>
        %dma_wait3A_177 = arith.constant 0 : i32
        %dma_wait3A_178 = tpu.memref_slice %arg33[%add3A_146, %dma_wait3A_177] : memref<10000x128xf32, #tpu.memory_space<vmem_shared>> -> memref<40x128xf32, #tpu.memory_space<vmem_shared>>
        tpu.wait_dma2 semaphore(%run_scoped3A : memref<!tpu.dma_semaphore, #tpu.memory_space<semaphore_mem>>) src(%arg21 : memref<40x128xf32, #tpu.memory_space<vmem>>) dst(%dma_wait3A_178 : memref<40x128xf32, #tpu.memory_space<vmem_shared>>)
        tpu.yield
      }) : () -> ()
      %mul3A_147 = arith.constant 1000 : i32
      %mul3A_148 = arith.muli %arg1, %mul3A_147 : i32
      %add3A_149 = arith.constant 760 : i32
      %add3A_150 = arith.addi %mul3A_148, %add3A_149 : i32
      "tpu.region"() ({
        %run_scoped3A = tpu.sem_alloc : memref<!tpu.dma_semaphore, #tpu.memory_space<semaphore_mem>>
        %dma_start3A_171 = arith.constant 0 : i32
        %dma_start3A_172 = tpu.memref_slice %arg33[%add3A_150, %dma_start3A_171] : memref<10000x128xf32, #tpu.memory_space<vmem_shared>> -> memref<40x128xf32, #tpu.memory_space<vmem_shared>>
        %dma_start3A_173 = arith.constant 0 : i32
        %dma_start3A_174 = tpu.memref_slice %arg33[%add3A_150, %dma_start3A_173] : memref<10000x128xf32, #tpu.memory_space<vmem_shared>> -> memref<40x128xf32, #tpu.memory_space<vmem_shared>>
        tpu.enqueue_dma source(%arg21 : memref<40x128xf32, #tpu.memory_space<vmem>>) target(%dma_start3A_174 : memref<40x128xf32, #tpu.memory_space<vmem_shared>>) target_semaphore(%run_scoped3A : memref<!tpu.dma_semaphore, #tpu.memory_space<semaphore_mem>>)
        %dma_wait3A_175 = arith.constant 0 : i32
        %dma_wait3A_176 = tpu.memref_slice %arg33[%add3A_150, %dma_wait3A_175] : memref<10000x128xf32, #tpu.memory_space<vmem_shared>> -> memref<40x128xf32, #tpu.memory_space<vmem_shared>>
        %dma_wait3A_177 = arith.constant 0 : i32
        %dma_wait3A_178 = tpu.memref_slice %arg33[%add3A_150, %dma_wait3A_177] : memref<10000x128xf32, #tpu.memory_space<vmem_shared>> -> memref<40x128xf32, #tpu.memory_space<vmem_shared>>
        tpu.wait_dma2 semaphore(%run_scoped3A : memref<!tpu.dma_semaphore, #tpu.memory_space<semaphore_mem>>) src(%arg21 : memref<40x128xf32, #tpu.memory_space<vmem>>) dst(%dma_wait3A_178 : memref<40x128xf32, #tpu.memory_space<vmem_shared>>)
        tpu.yield
      }) : () -> ()
      %mul3A_151 = arith.constant 1000 : i32
      %mul3A_152 = arith.muli %arg1, %mul3A_151 : i32
      %add3A_153 = arith.constant 800 : i32
      %add3A_154 = arith.addi %mul3A_152, %add3A_153 : i32
      "tpu.region"() ({
        %run_scoped3A = tpu.sem_alloc : memref<!tpu.dma_semaphore, #tpu.memory_space<semaphore_mem>>
        %dma_start3A_171 = arith.constant 0 : i32
        %dma_start3A_172 = tpu.memref_slice %arg33[%add3A_154, %dma_start3A_171] : memref<10000x128xf32, #tpu.memory_space<vmem_shared>> -> memref<40x128xf32, #tpu.memory_space<vmem_shared>>
        %dma_start3A_173 = arith.constant 0 : i32
        %dma_start3A_174 = tpu.memref_slice %arg33[%add3A_154, %dma_start3A_173] : memref<10000x128xf32, #tpu.memory_space<vmem_shared>> -> memref<40x128xf32, #tpu.memory_space<vmem_shared>>
        tpu.enqueue_dma source(%arg21 : memref<40x128xf32, #tpu.memory_space<vmem>>) target(%dma_start3A_174 : memref<40x128xf32, #tpu.memory_space<vmem_shared>>) target_semaphore(%run_scoped3A : memref<!tpu.dma_semaphore, #tpu.memory_space<semaphore_mem>>)
        %dma_wait3A_175 = arith.constant 0 : i32
        %dma_wait3A_176 = tpu.memref_slice %arg33[%add3A_154, %dma_wait3A_175] : memref<10000x128xf32, #tpu.memory_space<vmem_shared>> -> memref<40x128xf32, #tpu.memory_space<vmem_shared>>
        %dma_wait3A_177 = arith.constant 0 : i32
        %dma_wait3A_178 = tpu.memref_slice %arg33[%add3A_154, %dma_wait3A_177] : memref<10000x128xf32, #tpu.memory_space<vmem_shared>> -> memref<40x128xf32, #tpu.memory_space<vmem_shared>>
        tpu.wait_dma2 semaphore(%run_scoped3A : memref<!tpu.dma_semaphore, #tpu.memory_space<semaphore_mem>>) src(%arg21 : memref<40x128xf32, #tpu.memory_space<vmem>>) dst(%dma_wait3A_178 : memref<40x128xf32, #tpu.memory_space<vmem_shared>>)
        tpu.yield
      }) : () -> ()
      %mul3A_155 = arith.constant 1000 : i32
      %mul3A_156 = arith.muli %arg1, %mul3A_155 : i32
      %add3A_157 = arith.constant 840 : i32
      %add3A_158 = arith.addi %mul3A_156, %add3A_157 : i32
      "tpu.region"() ({
        %run_scoped3A = tpu.sem_alloc : memref<!tpu.dma_semaphore, #tpu.memory_space<semaphore_mem>>
        %dma_start3A_171 = arith.constant 0 : i32
        %dma_start3A_172 = tpu.memref_slice %arg33[%add3A_158, %dma_start3A_171] : memref<10000x128xf32, #tpu.memory_space<vmem_shared>> -> memref<40x128xf32, #tpu.memory_space<vmem_shared>>
        %dma_start3A_173 = arith.constant 0 : i32
        %dma_start3A_174 = tpu.memref_slice %arg33[%add3A_158, %dma_start3A_173] : memref<10000x128xf32, #tpu.memory_space<vmem_shared>> -> memref<40x128xf32, #tpu.memory_space<vmem_shared>>
        tpu.enqueue_dma source(%arg21 : memref<40x128xf32, #tpu.memory_space<vmem>>) target(%dma_start3A_174 : memref<40x128xf32, #tpu.memory_space<vmem_shared>>) target_semaphore(%run_scoped3A : memref<!tpu.dma_semaphore, #tpu.memory_space<semaphore_mem>>)
        %dma_wait3A_175 = arith.constant 0 : i32
        %dma_wait3A_176 = tpu.memref_slice %arg33[%add3A_158, %dma_wait3A_175] : memref<10000x128xf32, #tpu.memory_space<vmem_shared>> -> memref<40x128xf32, #tpu.memory_space<vmem_shared>>
        %dma_wait3A_177 = arith.constant 0 : i32
        %dma_wait3A_178 = tpu.memref_slice %arg33[%add3A_158, %dma_wait3A_177] : memref<10000x128xf32, #tpu.memory_space<vmem_shared>> -> memref<40x128xf32, #tpu.memory_space<vmem_shared>>
        tpu.wait_dma2 semaphore(%run_scoped3A : memref<!tpu.dma_semaphore, #tpu.memory_space<semaphore_mem>>) src(%arg21 : memref<40x128xf32, #tpu.memory_space<vmem>>) dst(%dma_wait3A_178 : memref<40x128xf32, #tpu.memory_space<vmem_shared>>)
        tpu.yield
      }) : () -> ()
      %mul3A_159 = arith.constant 1000 : i32
      %mul3A_160 = arith.muli %arg1, %mul3A_159 : i32
      %add3A_161 = arith.constant 880 : i32
      %add3A_162 = arith.addi %mul3A_160, %add3A_161 : i32
      "tpu.region"() ({
        %run_scoped3A = tpu.sem_alloc : memref<!tpu.dma_semaphore, #tpu.memory_space<semaphore_mem>>
        %dma_start3A_171 = arith.constant 0 : i32
        %dma_start3A_172 = tpu.memref_slice %arg33[%add3A_162, %dma_start3A_171] : memref<10000x128xf32, #tpu.memory_space<vmem_shared>> -> memref<40x128xf32, #tpu.memory_space<vmem_shared>>
        %dma_start3A_173 = arith.constant 0 : i32
        %dma_start3A_174 = tpu.memref_slice %arg33[%add3A_162, %dma_start3A_173] : memref<10000x128xf32, #tpu.memory_space<vmem_shared>> -> memref<40x128xf32, #tpu.memory_space<vmem_shared>>
        tpu.enqueue_dma source(%arg21 : memref<40x128xf32, #tpu.memory_space<vmem>>) target(%dma_start3A_174 : memref<40x128xf32, #tpu.memory_space<vmem_shared>>) target_semaphore(%run_scoped3A : memref<!tpu.dma_semaphore, #tpu.memory_space<semaphore_mem>>)
        %dma_wait3A_175 = arith.constant 0 : i32
        %dma_wait3A_176 = tpu.memref_slice %arg33[%add3A_162, %dma_wait3A_175] : memref<10000x128xf32, #tpu.memory_space<vmem_shared>> -> memref<40x128xf32, #tpu.memory_space<vmem_shared>>
        %dma_wait3A_177 = arith.constant 0 : i32
        %dma_wait3A_178 = tpu.memref_slice %arg33[%add3A_162, %dma_wait3A_177] : memref<10000x128xf32, #tpu.memory_space<vmem_shared>> -> memref<40x128xf32, #tpu.memory_space<vmem_shared>>
        tpu.wait_dma2 semaphore(%run_scoped3A : memref<!tpu.dma_semaphore, #tpu.memory_space<semaphore_mem>>) src(%arg21 : memref<40x128xf32, #tpu.memory_space<vmem>>) dst(%dma_wait3A_178 : memref<40x128xf32, #tpu.memory_space<vmem_shared>>)
        tpu.yield
      }) : () -> ()
      %mul3A_163 = arith.constant 1000 : i32
      %mul3A_164 = arith.muli %arg1, %mul3A_163 : i32
      %add3A_165 = arith.constant 920 : i32
      %add3A_166 = arith.addi %mul3A_164, %add3A_165 : i32
      "tpu.region"() ({
        %run_scoped3A = tpu.sem_alloc : memref<!tpu.dma_semaphore, #tpu.memory_space<semaphore_mem>>
        %dma_start3A_171 = arith.constant 0 : i32
        %dma_start3A_172 = tpu.memref_slice %arg33[%add3A_166, %dma_start3A_171] : memref<10000x128xf32, #tpu.memory_space<vmem_shared>> -> memref<40x128xf32, #tpu.memory_space<vmem_shared>>
        %dma_start3A_173 = arith.constant 0 : i32
        %dma_start3A_174 = tpu.memref_slice %arg33[%add3A_166, %dma_start3A_173] : memref<10000x128xf32, #tpu.memory_space<vmem_shared>> -> memref<40x128xf32, #tpu.memory_space<vmem_shared>>
        tpu.enqueue_dma source(%arg21 : memref<40x128xf32, #tpu.memory_space<vmem>>) target(%dma_start3A_174 : memref<40x128xf32, #tpu.memory_space<vmem_shared>>) target_semaphore(%run_scoped3A : memref<!tpu.dma_semaphore, #tpu.memory_space<semaphore_mem>>)
        %dma_wait3A_175 = arith.constant 0 : i32
        %dma_wait3A_176 = tpu.memref_slice %arg33[%add3A_166, %dma_wait3A_175] : memref<10000x128xf32, #tpu.memory_space<vmem_shared>> -> memref<40x128xf32, #tpu.memory_space<vmem_shared>>
        %dma_wait3A_177 = arith.constant 0 : i32
        %dma_wait3A_178 = tpu.memref_slice %arg33[%add3A_166, %dma_wait3A_177] : memref<10000x128xf32, #tpu.memory_space<vmem_shared>> -> memref<40x128xf32, #tpu.memory_space<vmem_shared>>
        tpu.wait_dma2 semaphore(%run_scoped3A : memref<!tpu.dma_semaphore, #tpu.memory_space<semaphore_mem>>) src(%arg21 : memref<40x128xf32, #tpu.memory_space<vmem>>) dst(%dma_wait3A_178 : memref<40x128xf32, #tpu.memory_space<vmem_shared>>)
        tpu.yield
      }) : () -> ()
      %mul3A_167 = arith.constant 1000 : i32
      %mul3A_168 = arith.muli %arg1, %mul3A_167 : i32
      %add3A_169 = arith.constant 960 : i32
      %add3A_170 = arith.addi %mul3A_168, %add3A_169 : i32
      "tpu.region"() ({
        %run_scoped3A = tpu.sem_alloc : memref<!tpu.dma_semaphore, #tpu.memory_space<semaphore_mem>>
        %dma_start3A_171 = arith.constant 0 : i32
        %dma_start3A_172 = tpu.memref_slice %arg33[%add3A_170, %dma_start3A_171] : memref<10000x128xf32, #tpu.memory_space<vmem_shared>> -> memref<40x128xf32, #tpu.memory_space<vmem_shared>>
        %dma_start3A_173 = arith.constant 0 : i32
        %dma_start3A_174 = tpu.memref_slice %arg33[%add3A_170, %dma_start3A_173] : memref<10000x128xf32, #tpu.memory_space<vmem_shared>> -> memref<40x128xf32, #tpu.memory_space<vmem_shared>>
        tpu.enqueue_dma source(%arg21 : memref<40x128xf32, #tpu.memory_space<vmem>>) target(%dma_start3A_174 : memref<40x128xf32, #tpu.memory_space<vmem_shared>>) target_semaphore(%run_scoped3A : memref<!tpu.dma_semaphore, #tpu.memory_space<semaphore_mem>>)
        %dma_wait3A_175 = arith.constant 0 : i32
        %dma_wait3A_176 = tpu.memref_slice %arg33[%add3A_170, %dma_wait3A_175] : memref<10000x128xf32, #tpu.memory_space<vmem_shared>> -> memref<40x128xf32, #tpu.memory_space<vmem_shared>>
        %dma_wait3A_177 = arith.constant 0 : i32
        %dma_wait3A_178 = tpu.memref_slice %arg33[%add3A_170, %dma_wait3A_177] : memref<10000x128xf32, #tpu.memory_space<vmem_shared>> -> memref<40x128xf32, #tpu.memory_space<vmem_shared>>
        tpu.wait_dma2 semaphore(%run_scoped3A : memref<!tpu.dma_semaphore, #tpu.memory_space<semaphore_mem>>) src(%arg21 : memref<40x128xf32, #tpu.memory_space<vmem>>) dst(%dma_wait3A_178 : memref<40x128xf32, #tpu.memory_space<vmem_shared>>)
        tpu.yield
      }) : () -> ()
    } else {
    }
    %barrier3A = arith.constant 0 : index
    tpu.barrier barrier_id(%barrier3A)
    %add3A_11 = arith.constant 0 : i32
    %add3A_12 = arith.addi %mul3A_2, %add3A_11 : i32
    %dma_start3A = tpu.memref_slice %arg3[%add3A_12] : memref<320000xi32, #tpu.memory_space<hbm>> -> memref<40xi32, #tpu.memory_space<hbm>>
    %dma_start3A_13 = tpu.memref_slice %arg3[%add3A_12] : memref<320000xi32, #tpu.memory_space<hbm>> -> memref<40xi32, #tpu.memory_space<hbm>>
    tpu.enqueue_dma source(%dma_start3A_13 : memref<40xi32, #tpu.memory_space<hbm>>) target(%arg9 : memref<40xi32, #tpu.memory_space<vmem>>) target_semaphore(%arg24 : memref<!tpu.dma_semaphore, #tpu.memory_space<semaphore_mem>>)
    %dma_start3A_14 = tpu.memref_slice %arg4[%add3A_12] : memref<320000xi32, #tpu.memory_space<hbm>> -> memref<40xi32, #tpu.memory_space<hbm>>
    %dma_start3A_15 = tpu.memref_slice %arg4[%add3A_12] : memref<320000xi32, #tpu.memory_space<hbm>> -> memref<40xi32, #tpu.memory_space<hbm>>
    tpu.enqueue_dma source(%dma_start3A_15 : memref<40xi32, #tpu.memory_space<hbm>>) target(%arg10 : memref<40xi32, #tpu.memory_space<vmem>>) target_semaphore(%arg24 : memref<!tpu.dma_semaphore, #tpu.memory_space<semaphore_mem>>)
    %dma_start3A_16 = arith.constant 0 : i32
    %dma_start3A_17 = tpu.memref_slice %arg2[%add3A_12, %dma_start3A_16] : memref<320000x128xf32, #tpu.memory_space<hbm>> -> memref<40x128xf32, #tpu.memory_space<hbm>>
    %dma_start3A_18 = arith.constant 0 : i32
    %dma_start3A_19 = tpu.memref_slice %arg2[%add3A_12, %dma_start3A_18] : memref<320000x128xf32, #tpu.memory_space<hbm>> -> memref<40x128xf32, #tpu.memory_space<hbm>>
    tpu.enqueue_dma source(%dma_start3A_19 : memref<40x128xf32, #tpu.memory_space<hbm>>) target(%arg11 : memref<40x128xf32, #tpu.memory_space<vmem>>) target_semaphore(%arg24 : memref<!tpu.dma_semaphore, #tpu.memory_space<semaphore_mem>>)
    %add3A_20 = arith.constant 40 : i32
    %add3A_21 = arith.addi %mul3A_2, %add3A_20 : i32
    %dma_start3A_22 = tpu.memref_slice %arg3[%add3A_21] : memref<320000xi32, #tpu.memory_space<hbm>> -> memref<40xi32, #tpu.memory_space<hbm>>
    %dma_start3A_23 = tpu.memref_slice %arg3[%add3A_21] : memref<320000xi32, #tpu.memory_space<hbm>> -> memref<40xi32, #tpu.memory_space<hbm>>
    tpu.enqueue_dma source(%dma_start3A_23 : memref<40xi32, #tpu.memory_space<hbm>>) target(%arg15 : memref<40xi32, #tpu.memory_space<vmem>>) target_semaphore(%arg25 : memref<!tpu.dma_semaphore, #tpu.memory_space<semaphore_mem>>)
    %dma_start3A_24 = tpu.memref_slice %arg4[%add3A_21] : memref<320000xi32, #tpu.memory_space<hbm>> -> memref<40xi32, #tpu.memory_space<hbm>>
    %dma_start3A_25 = tpu.memref_slice %arg4[%add3A_21] : memref<320000xi32, #tpu.memory_space<hbm>> -> memref<40xi32, #tpu.memory_space<hbm>>
    tpu.enqueue_dma source(%dma_start3A_25 : memref<40xi32, #tpu.memory_space<hbm>>) target(%arg16 : memref<40xi32, #tpu.memory_space<vmem>>) target_semaphore(%arg25 : memref<!tpu.dma_semaphore, #tpu.memory_space<semaphore_mem>>)
    %dma_start3A_26 = arith.constant 0 : i32
    %dma_start3A_27 = tpu.memref_slice %arg2[%add3A_21, %dma_start3A_26] : memref<320000x128xf32, #tpu.memory_space<hbm>> -> memref<40x128xf32, #tpu.memory_space<hbm>>
    %dma_start3A_28 = arith.constant 0 : i32
    %dma_start3A_29 = tpu.memref_slice %arg2[%add3A_21, %dma_start3A_28] : memref<320000x128xf32, #tpu.memory_space<hbm>> -> memref<40x128xf32, #tpu.memory_space<hbm>>
    tpu.enqueue_dma source(%dma_start3A_29 : memref<40x128xf32, #tpu.memory_space<hbm>>) target(%arg17 : memref<40x128xf32, #tpu.memory_space<vmem>>) target_semaphore(%arg25 : memref<!tpu.dma_semaphore, #tpu.memory_space<semaphore_mem>>)
    %add3A_30 = arith.constant 0 : i32
    %add3A_31 = arith.addi %mul3A_2, %add3A_30 : i32
    %dma_wait3A = tpu.memref_slice %arg3[%add3A_31] : memref<320000xi32, #tpu.memory_space<hbm>> -> memref<40xi32, #tpu.memory_space<hbm>>
    %dma_wait3A_32 = tpu.memref_slice %arg3[%add3A_31] : memref<320000xi32, #tpu.memory_space<hbm>> -> memref<40xi32, #tpu.memory_space<hbm>>
    tpu.wait_dma2 semaphore(%arg24 : memref<!tpu.dma_semaphore, #tpu.memory_space<semaphore_mem>>) src(%dma_wait3A_32 : memref<40xi32, #tpu.memory_space<hbm>>) dst(%arg9 : memref<40xi32, #tpu.memory_space<vmem>>)
    %dma_wait3A_33 = tpu.memref_slice %arg4[%add3A_31] : memref<320000xi32, #tpu.memory_space<hbm>> -> memref<40xi32, #tpu.memory_space<hbm>>
    %dma_wait3A_34 = tpu.memref_slice %arg4[%add3A_31] : memref<320000xi32, #tpu.memory_space<hbm>> -> memref<40xi32, #tpu.memory_space<hbm>>
    tpu.wait_dma2 semaphore(%arg24 : memref<!tpu.dma_semaphore, #tpu.memory_space<semaphore_mem>>) src(%dma_wait3A_34 : memref<40xi32, #tpu.memory_space<hbm>>) dst(%arg10 : memref<40xi32, #tpu.memory_space<vmem>>)
    %dma_wait3A_35 = arith.constant 0 : i32
    %dma_wait3A_36 = tpu.memref_slice %arg2[%add3A_31, %dma_wait3A_35] : memref<320000x128xf32, #tpu.memory_space<hbm>> -> memref<40x128xf32, #tpu.memory_space<hbm>>
    %dma_wait3A_37 = arith.constant 0 : i32
    %dma_wait3A_38 = tpu.memref_slice %arg2[%add3A_31, %dma_wait3A_37] : memref<320000x128xf32, #tpu.memory_space<hbm>> -> memref<40x128xf32, #tpu.memory_space<hbm>>
    tpu.wait_dma2 semaphore(%arg24 : memref<!tpu.dma_semaphore, #tpu.memory_space<semaphore_mem>>) src(%dma_wait3A_38 : memref<40x128xf32, #tpu.memory_space<hbm>>) dst(%arg11 : memref<40x128xf32, #tpu.memory_space<vmem>>)
    %dma_start3A_39 = arith.constant 0 : i32
    %dma_start3A_40 = arith.constant 0 : i32
    %dma_start3A_41 = tpu.memref_slice %arg5[%dma_start3A_39, %dma_start3A_40] : memref<10000x128xi32, #tpu.memory_space<hbm>> -> memref<10000x128xi32, #tpu.memory_space<hbm>>
    tpu.enqueue_indirect_dma source(%dma_start3A_41 : memref<10000x128xi32, #tpu.memory_space<hbm>>) target(%arg12 : memref<40x128xi32, #tpu.memory_space<vmem>>) offsets(%arg10 : memref<40xi32, #tpu.memory_space<vmem>>) semaphore(%arg26 : memref<!tpu.dma_semaphore, #tpu.memory_space<semaphore_mem>>)
    %dma_start3A_42 = arith.constant 0 : i32
    %dma_start3A_43 = arith.constant 0 : i32
    %dma_start3A_44 = tpu.memref_slice %arg6[%dma_start3A_42, %dma_start3A_43] : memref<10000x128xf32, #tpu.memory_space<hbm>> -> memref<10000x128xf32, #tpu.memory_space<hbm>>
    tpu.enqueue_indirect_dma source(%dma_start3A_44 : memref<10000x128xf32, #tpu.memory_space<hbm>>) target(%arg13 : memref<40x128xf32, #tpu.memory_space<vmem>>) offsets(%arg9 : memref<40xi32, #tpu.memory_space<vmem>>) semaphore(%arg26 : memref<!tpu.dma_semaphore, #tpu.memory_space<semaphore_mem>>)
    %scan3A_45 = arith.constant 0 : i32
    %scan3A_46 = arith.constant 125 : i32
    %scan3A_47 = arith.addi %scan3A_45, %scan3A_46 : i32
    %scan3A_48 = arith.constant 1 : i32
    scf.for %scan3A_71 = %scan3A_45 to %scan3A_47 step %scan3A_48  : i32 {
      %mul3A_72 = arith.constant 2 : i32
      %mul3A_73 = arith.muli %scan3A_71, %mul3A_72 : i32
      %add3A_74 = arith.constant 0 : i32
      %add3A_75 = arith.addi %add3A_74, %mul3A_73 : i32
      %add3A_76 = arith.constant 0 : i32
      %add3A_77 = arith.addi %add3A_75, %add3A_76 : i32
      %add3A_78 = arith.constant 1 : i32
      %add3A_79 = arith.addi %add3A_77, %add3A_78 : i32
      %lt3A_80 = arith.constant 250 : i32
      %lt3A_81 = arith.cmpi slt, %add3A_79, %lt3A_80 : i32
      %convert_element_type3A_82 = arith.extui %lt3A_81 : i1 to i32
      %cond3A_83 = arith.constant 0 : i32
      %cond3A_84 = arith.cmpi ne, %convert_element_type3A_82, %cond3A_83 : i32
      scf.if %cond3A_84 {
        %gt3A = arith.constant 0 : i32
        %gt3A_167 = arith.cmpi sgt, %add3A_77, %gt3A : i32
        %convert_element_type3A_168 = arith.extui %gt3A_167 : i1 to i32
        %cond3A_169 = arith.constant 0 : i32
        %cond3A_170 = arith.cmpi ne, %convert_element_type3A_168, %cond3A_169 : i32
        scf.if %cond3A_170 {
          %sub3A = arith.constant 1 : i32
          %sub3A_190 = arith.subi %add3A_77, %sub3A : i32
          %mul3A_191 = arith.constant 40 : i32
          %mul3A_192 = arith.muli %sub3A_190, %mul3A_191 : i32
          %add3A_193 = arith.addi %mul3A_2, %mul3A_192 : i32
          %dma_wait3A_194 = arith.constant 0 : i32
          %dma_wait3A_195 = tpu.memref_slice %arg7[%add3A_193, %dma_wait3A_194] : memref<320000x128xf32, #tpu.memory_space<hbm>> -> memref<40x128xf32, #tpu.memory_space<hbm>>
          %dma_wait3A_196 = arith.constant 0 : i32
          %dma_wait3A_197 = tpu.memref_slice %arg7[%add3A_193, %dma_wait3A_196] : memref<320000x128xf32, #tpu.memory_space<hbm>> -> memref<40x128xf32, #tpu.memory_space<hbm>>
          tpu.wait_dma2 semaphore(%arg29 : memref<!tpu.dma_semaphore, #tpu.memory_space<semaphore_mem>>) src(%arg20 : memref<40x128xf32, #tpu.memory_space<vmem>>) dst(%dma_wait3A_197 : memref<40x128xf32, #tpu.memory_space<hbm>>)
        } else {
        }
        %add3A_171 = arith.constant 1 : i32
        %add3A_172 = arith.addi %add3A_77, %add3A_171 : i32
        %mul3A_173 = arith.constant 40 : i32
        %mul3A_174 = arith.muli %add3A_172, %mul3A_173 : i32
        %add3A_175 = arith.addi %mul3A_2, %mul3A_174 : i32
        %dma_wait3A_176 = tpu.memref_slice %arg3[%add3A_175] : memref<320000xi32, #tpu.memory_space<hbm>> -> memref<40xi32, #tpu.memory_space<hbm>>
        %dma_wait3A_177 = tpu.memref_slice %arg3[%add3A_175] : memref<320000xi32, #tpu.memory_space<hbm>> -> memref<40xi32, #tpu.memory_space<hbm>>
        tpu.wait_dma2 semaphore(%arg25 : memref<!tpu.dma_semaphore, #tpu.memory_space<semaphore_mem>>) src(%dma_wait3A_177 : memref<40xi32, #tpu.memory_space<hbm>>) dst(%arg15 : memref<40xi32, #tpu.memory_space<vmem>>)
        %dma_wait3A_178 = tpu.memref_slice %arg4[%add3A_175] : memref<320000xi32, #tpu.memory_space<hbm>> -> memref<40xi32, #tpu.memory_space<hbm>>
        %dma_wait3A_179 = tpu.memref_slice %arg4[%add3A_175] : memref<320000xi32, #tpu.memory_space<hbm>> -> memref<40xi32, #tpu.memory_space<hbm>>
        tpu.wait_dma2 semaphore(%arg25 : memref<!tpu.dma_semaphore, #tpu.memory_space<semaphore_mem>>) src(%dma_wait3A_179 : memref<40xi32, #tpu.memory_space<hbm>>) dst(%arg16 : memref<40xi32, #tpu.memory_space<vmem>>)
        %dma_wait3A_180 = arith.constant 0 : i32
        %dma_wait3A_181 = tpu.memref_slice %arg2[%add3A_175, %dma_wait3A_180] : memref<320000x128xf32, #tpu.memory_space<hbm>> -> memref<40x128xf32, #tpu.memory_space<hbm>>
        %dma_wait3A_182 = arith.constant 0 : i32
        %dma_wait3A_183 = tpu.memref_slice %arg2[%add3A_175, %dma_wait3A_182] : memref<320000x128xf32, #tpu.memory_space<hbm>> -> memref<40x128xf32, #tpu.memory_space<hbm>>
        tpu.wait_dma2 semaphore(%arg25 : memref<!tpu.dma_semaphore, #tpu.memory_space<semaphore_mem>>) src(%dma_wait3A_183 : memref<40x128xf32, #tpu.memory_space<hbm>>) dst(%arg17 : memref<40x128xf32, #tpu.memory_space<vmem>>)
        %dma_start3A_184 = arith.constant 0 : i32
        %dma_start3A_185 = arith.constant 0 : i32
        %dma_start3A_186 = tpu.memref_slice %arg5[%dma_start3A_184, %dma_start3A_185] : memref<10000x128xi32, #tpu.memory_space<hbm>> -> memref<10000x128xi32, #tpu.memory_space<hbm>>
        tpu.enqueue_indirect_dma source(%dma_start3A_186 : memref<10000x128xi32, #tpu.memory_space<hbm>>) target(%arg18 : memref<40x128xi32, #tpu.memory_space<vmem>>) offsets(%arg16 : memref<40xi32, #tpu.memory_space<vmem>>) semaphore(%arg27 : memref<!tpu.dma_semaphore, #tpu.memory_space<semaphore_mem>>)
        %dma_start3A_187 = arith.constant 0 : i32
        %dma_start3A_188 = arith.constant 0 : i32
        %dma_start3A_189 = tpu.memref_slice %arg6[%dma_start3A_187, %dma_start3A_188] : memref<10000x128xf32, #tpu.memory_space<hbm>> -> memref<10000x128xf32, #tpu.memory_space<hbm>>
        tpu.enqueue_indirect_dma source(%dma_start3A_189 : memref<10000x128xf32, #tpu.memory_space<hbm>>) target(%arg19 : memref<40x128xf32, #tpu.memory_space<vmem>>) offsets(%arg15 : memref<40xi32, #tpu.memory_space<vmem>>) semaphore(%arg27 : memref<!tpu.dma_semaphore, #tpu.memory_space<semaphore_mem>>)
      } else {
      }
      %mul3A_85 = arith.constant 40 : i32
      %mul3A_86 = arith.muli %add3A_77, %mul3A_85 : i32
      %add3A_87 = arith.addi %mul3A_2, %mul3A_86 : i32
      %dma_start3A_88 = tpu.memref_slice %arg3[%add3A_87] : memref<320000xi32, #tpu.memory_space<hbm>> -> memref<40xi32, #tpu.memory_space<hbm>>
      %dma_start3A_89 = tpu.memref_slice %arg3[%add3A_87] : memref<320000xi32, #tpu.memory_space<hbm>> -> memref<40xi32, #tpu.memory_space<hbm>>
      tpu.enqueue_dma source(%dma_start3A_89 : memref<40xi32, #tpu.memory_space<hbm>>) target(%arg22 : memref<40xi32, #tpu.memory_space<vmem>>) target_semaphore(%arg31 : memref<!tpu.dma_semaphore, #tpu.memory_space<semaphore_mem>>)
      %dma_wait3A_90 = arith.constant 0 : i32
      %dma_wait3A_91 = arith.constant 0 : i32
      %dma_wait3A_92 = tpu.memref_slice %arg5[%dma_wait3A_90, %dma_wait3A_91] : memref<10000x128xi32, #tpu.memory_space<hbm>> -> memref<10000x128xi32, #tpu.memory_space<hbm>>
      tpu.wait_indirect_dma semaphore(%arg26 : memref<!tpu.dma_semaphore, #tpu.memory_space<semaphore_mem>>) src(%dma_wait3A_92 : memref<10000x128xi32, #tpu.memory_space<hbm>>) dst(%arg12 : memref<40x128xi32, #tpu.memory_space<vmem>>)
      %dma_wait3A_93 = arith.constant 0 : i32
      %dma_wait3A_94 = arith.constant 0 : i32
      %dma_wait3A_95 = tpu.memref_slice %arg6[%dma_wait3A_93, %dma_wait3A_94] : memref<10000x128xf32, #tpu.memory_space<hbm>> -> memref<10000x128xf32, #tpu.memory_space<hbm>>
      tpu.wait_indirect_dma semaphore(%arg26 : memref<!tpu.dma_semaphore, #tpu.memory_space<semaphore_mem>>) src(%dma_wait3A_95 : memref<10000x128xf32, #tpu.memory_space<hbm>>) dst(%arg13 : memref<40x128xf32, #tpu.memory_space<vmem>>)
      %ge3A = arith.constant 1 : i32
      %ge3A_96 = arith.cmpi sge, %add3A_77, %ge3A : i32
      %convert_element_type3A_97 = arith.extui %ge3A_96 : i1 to i32
      %cond3A_98 = arith.constant 0 : i32
      %cond3A_99 = arith.cmpi ne, %convert_element_type3A_97, %cond3A_98 : i32
      scf.if %cond3A_99 {
        %dma_wait3A_167 = arith.constant 0 : i32
        %dma_wait3A_168 = arith.constant 0 : i32
        %dma_wait3A_169 = tpu.memref_slice %arg33[%dma_wait3A_167, %dma_wait3A_168] : memref<10000x128xf32, #tpu.memory_space<vmem_shared>> -> memref<10000x128xf32, #tpu.memory_space<vmem_shared>>
        tpu.wait_indirect_dma semaphore(%arg30 : memref<!tpu.dma_semaphore, #tpu.memory_space<semaphore_mem>>) src(%arg21 : memref<40x128xf32, #tpu.memory_space<vmem>>) dst(%dma_wait3A_169 : memref<10000x128xf32, #tpu.memory_space<vmem_shared>>)
      } else {
      }
      %scan3A_100 = arith.constant 0 : i32
      %scan3A_101 = arith.constant 40 : i32
      %scan3A_102 = arith.addi %scan3A_100, %scan3A_101 : i32
      %scan3A_103 = arith.constant 1 : i32
      scf.for %scan3A_167 = %scan3A_100 to %scan3A_102 step %scan3A_103  : i32 {
        %mul3A_168 = arith.constant 1 : i32
        %mul3A_169 = arith.muli %scan3A_167, %mul3A_168 : i32
        %add3A_170 = arith.constant 0 : i32
        %add3A_171 = arith.addi %add3A_170, %mul3A_169 : i32
        %get3A = arith.index_cast %add3A_171 : i32 to index
        %get3A_172 = arith.constant 0 : index
        %get3A_173 = tpu.vector_load %arg12[%get3A, %get3A_172] {strides = array<i32>} : memref<40x128xi32, #tpu.memory_space<vmem>>, vector<16xi32>,
        %bitcast3A = vector.bitcast %get3A_173 : vector<16xi32> to vector<32xbf16>
        %unpack3A = tpu.unpack_subelements %bitcast3A, 0 {pack_format = #tpu.pack_format<interleaved>} : vector<32xbf16> -> vector<16xf32>
        %unpack3A_174 = tpu.unpack_subelements %bitcast3A, 1 {pack_format = #tpu.pack_format<interleaved>} : vector<32xbf16> -> vector<16xf32>
        %get3A_175 = arith.index_cast %add3A_171 : i32 to index
        %get3A_176 = arith.constant 64 : index
        %get3A_177 = tpu.vector_load %arg12[%get3A_175, %get3A_176] {strides = array<i32>} : memref<40x128xi32, #tpu.memory_space<vmem>>, vector<16xi32>,
        %bitcast3A_178 = vector.bitcast %get3A_177 : vector<16xi32> to vector<32xbf16>
        %unpack3A_179 = tpu.unpack_subelements %bitcast3A_178, 0 {pack_format = #tpu.pack_format<interleaved>} : vector<32xbf16> -> vector<16xf32>
        %unpack3A_180 = tpu.unpack_subelements %bitcast3A_178, 1 {pack_format = #tpu.pack_format<interleaved>} : vector<32xbf16> -> vector<16xf32>
        %get3A_181 = arith.index_cast %add3A_171 : i32 to index
        %get3A_182 = arith.constant 0 : index
        %get3A_183 = tpu.vector_load %arg11[%get3A_181, %get3A_182] {strides = array<i32>} : memref<40x128xf32, #tpu.memory_space<vmem>>, vector<16xf32>,
        %neg3A = arith.constant 0.000000e+00 : f32
        %neg3A_184 = vector.broadcast %neg3A : f32 to vector<16xf32>
        %neg3A_185 = arith.subf %neg3A_184, %get3A_183 : vector<16xf32>
        %exp3A = math.exp %neg3A_185 : vector<16xf32>
        %add3A_186 = arith.constant 1.000000e+00 : f32
        %add3A_187 = vector.broadcast %add3A_186 : f32 to vector<16xf32>
        %add3A_188 = arith.addf %add3A_187, %exp3A : vector<16xf32>
        %div3A = arith.constant 1.000000e+00 : f32
        %div3A_189 = vector.broadcast %div3A : f32 to vector<16xf32>
        %div3A_190 = arith.divf %div3A_189, %add3A_188 : vector<16xf32>
        %mul3A_191 = arith.mulf %unpack3A, %div3A_190 : vector<16xf32>
        %swap3A = arith.index_cast %add3A_171 : i32 to index
        %swap3A_192 = arith.constant 0 : index
        %swap3A_193 = tpu.vector_load %arg21[%swap3A, %swap3A_192] {strides = array<i32>} : memref<40x128xf32, #tpu.memory_space<vmem>>, vector<16xf32>,
        tpu.vector_store %arg21[%swap3A, %swap3A_192], %mul3A_191 {strides = array<i32>} : memref<40x128xf32, #tpu.memory_space<vmem>>, vector<16xf32>,
        %get3A_194 = arith.index_cast %add3A_171 : i32 to index
        %get3A_195 = arith.constant 16 : index
        %get3A_196 = tpu.vector_load %arg11[%get3A_194, %get3A_195] {strides = array<i32>} : memref<40x128xf32, #tpu.memory_space<vmem>>, vector<16xf32>,
        %neg3A_197 = arith.constant 0.000000e+00 : f32
        %neg3A_198 = vector.broadcast %neg3A_197 : f32 to vector<16xf32>
        %neg3A_199 = arith.subf %neg3A_198, %get3A_196 : vector<16xf32>
        %exp3A_200 = math.exp %neg3A_199 : vector<16xf32>
        %add3A_201 = arith.constant 1.000000e+00 : f32
        %add3A_202 = vector.broadcast %add3A_201 : f32 to vector<16xf32>
        %add3A_203 = arith.addf %add3A_202, %exp3A_200 : vector<16xf32>
        %div3A_204 = arith.constant 1.000000e+00 : f32
        %div3A_205 = vector.broadcast %div3A_204 : f32 to vector<16xf32>
        %div3A_206 = arith.divf %div3A_205, %add3A_203 : vector<16xf32>
        %mul3A_207 = arith.mulf %unpack3A_174, %div3A_206 : vector<16xf32>
        %swap3A_208 = arith.index_cast %add3A_171 : i32 to index
        %swap3A_209 = arith.constant 16 : index
        %swap3A_210 = tpu.vector_load %arg21[%swap3A_208, %swap3A_209] {strides = array<i32>} : memref<40x128xf32, #tpu.memory_space<vmem>>, vector<16xf32>,
        tpu.vector_store %arg21[%swap3A_208, %swap3A_209], %mul3A_207 {strides = array<i32>} : memref<40x128xf32, #tpu.memory_space<vmem>>, vector<16xf32>,
        %get3A_211 = arith.index_cast %add3A_171 : i32 to index
        %get3A_212 = arith.constant 0 : index
        %get3A_213 = tpu.vector_load %arg13[%get3A_211, %get3A_212] {strides = array<i32>} : memref<40x128xf32, #tpu.memory_space<vmem>>, vector<16xf32>,
        %add3A_214 = arith.addf %unpack3A_179, %get3A_213 : vector<16xf32>
        %swap3A_215 = arith.index_cast %add3A_171 : i32 to index
        %swap3A_216 = arith.constant 0 : index
        %swap3A_217 = tpu.vector_load %arg14[%swap3A_215, %swap3A_216] {strides = array<i32>} : memref<40x128xf32, #tpu.memory_space<vmem>>, vector<16xf32>,
        tpu.vector_store %arg14[%swap3A_215, %swap3A_216], %add3A_214 {strides = array<i32>} : memref<40x128xf32, #tpu.memory_space<vmem>>, vector<16xf32>,
        %get3A_218 = arith.index_cast %add3A_171 : i32 to index
        %get3A_219 = arith.constant 16 : index
        %get3A_220 = tpu.vector_load %arg13[%get3A_218, %get3A_219] {strides = array<i32>} : memref<40x128xf32, #tpu.memory_space<vmem>>, vector<16xf32>,
        %add3A_221 = arith.addf %unpack3A_180, %get3A_220 : vector<16xf32>
        %swap3A_222 = arith.index_cast %add3A_171 : i32 to index
        %swap3A_223 = arith.constant 16 : index
        %swap3A_224 = tpu.vector_load %arg14[%swap3A_222, %swap3A_223] {strides = array<i32>} : memref<40x128xf32, #tpu.memory_space<vmem>>, vector<16xf32>,
        tpu.vector_store %arg14[%swap3A_222, %swap3A_223], %add3A_221 {strides = array<i32>} : memref<40x128xf32, #tpu.memory_space<vmem>>, vector<16xf32>,
        %get3A_225 = arith.index_cast %add3A_171 : i32 to index
        %get3A_226 = arith.constant 16 : index
        %get3A_227 = tpu.vector_load %arg12[%get3A_225, %get3A_226] {strides = array<i32>} : memref<40x128xi32, #tpu.memory_space<vmem>>, vector<16xi32>,
        %bitcast3A_228 = vector.bitcast %get3A_227 : vector<16xi32> to vector<32xbf16>
        %unpack3A_229 = tpu.unpack_subelements %bitcast3A_228, 0 {pack_format = #tpu.pack_format<interleaved>} : vector<32xbf16> -> vector<16xf32>
        %unpack3A_230 = tpu.unpack_subelements %bitcast3A_228, 1 {pack_format = #tpu.pack_format<interleaved>} : vector<32xbf16> -> vector<16xf32>
        %get3A_231 = arith.index_cast %add3A_171 : i32 to index
        %get3A_232 = arith.constant 80 : index
        %get3A_233 = tpu.vector_load %arg12[%get3A_231, %get3A_232] {strides = array<i32>} : memref<40x128xi32, #tpu.memory_space<vmem>>, vector<16xi32>,
        %bitcast3A_234 = vector.bitcast %get3A_233 : vector<16xi32> to vector<32xbf16>
        %unpack3A_235 = tpu.unpack_subelements %bitcast3A_234, 0 {pack_format = #tpu.pack_format<interleaved>} : vector<32xbf16> -> vector<16xf32>
        %unpack3A_236 = tpu.unpack_subelements %bitcast3A_234, 1 {pack_format = #tpu.pack_format<interleaved>} : vector<32xbf16> -> vector<16xf32>
        %get3A_237 = arith.index_cast %add3A_171 : i32 to index
        %get3A_238 = arith.constant 32 : index
        %get3A_239 = tpu.vector_load %arg11[%get3A_237, %get3A_238] {strides = array<i32>} : memref<40x128xf32, #tpu.memory_space<vmem>>, vector<16xf32>,
        %neg3A_240 = arith.constant 0.000000e+00 : f32
        %neg3A_241 = vector.broadcast %neg3A_240 : f32 to vector<16xf32>
        %neg3A_242 = arith.subf %neg3A_241, %get3A_239 : vector<16xf32>
        %exp3A_243 = math.exp %neg3A_242 : vector<16xf32>
        %add3A_244 = arith.constant 1.000000e+00 : f32
        %add3A_245 = vector.broadcast %add3A_244 : f32 to vector<16xf32>
        %add3A_246 = arith.addf %add3A_245, %exp3A_243 : vector<16xf32>
        %div3A_247 = arith.constant 1.000000e+00 : f32
        %div3A_248 = vector.broadcast %div3A_247 : f32 to vector<16xf32>
        %div3A_249 = arith.divf %div3A_248, %add3A_246 : vector<16xf32>
        %mul3A_250 = arith.mulf %unpack3A_229, %div3A_249 : vector<16xf32>
        %swap3A_251 = arith.index_cast %add3A_171 : i32 to index
        %swap3A_252 = arith.constant 32 : index
        %swap3A_253 = tpu.vector_load %arg21[%swap3A_251, %swap3A_252] {strides = array<i32>} : memref<40x128xf32, #tpu.memory_space<vmem>>, vector<16xf32>,
        tpu.vector_store %arg21[%swap3A_251, %swap3A_252], %mul3A_250 {strides = array<i32>} : memref<40x128xf32, #tpu.memory_space<vmem>>, vector<16xf32>,
        %get3A_254 = arith.index_cast %add3A_171 : i32 to index
        %get3A_255 = arith.constant 48 : index
        %get3A_256 = tpu.vector_load %arg11[%get3A_254, %get3A_255] {strides = array<i32>} : memref<40x128xf32, #tpu.memory_space<vmem>>, vector<16xf32>,
        %neg3A_257 = arith.constant 0.000000e+00 : f32
        %neg3A_258 = vector.broadcast %neg3A_257 : f32 to vector<16xf32>
        %neg3A_259 = arith.subf %neg3A_258, %get3A_256 : vector<16xf32>
        %exp3A_260 = math.exp %neg3A_259 : vector<16xf32>
        %add3A_261 = arith.constant 1.000000e+00 : f32
        %add3A_262 = vector.broadcast %add3A_261 : f32 to vector<16xf32>
        %add3A_263 = arith.addf %add3A_262, %exp3A_260 : vector<16xf32>
        %div3A_264 = arith.constant 1.000000e+00 : f32
        %div3A_265 = vector.broadcast %div3A_264 : f32 to vector<16xf32>
        %div3A_266 = arith.divf %div3A_265, %add3A_263 : vector<16xf32>
        %mul3A_267 = arith.mulf %unpack3A_230, %div3A_266 : vector<16xf32>
        %swap3A_268 = arith.index_cast %add3A_171 : i32 to index
        %swap3A_269 = arith.constant 48 : index
        %swap3A_270 = tpu.vector_load %arg21[%swap3A_268, %swap3A_269] {strides = array<i32>} : memref<40x128xf32, #tpu.memory_space<vmem>>, vector<16xf32>,
        tpu.vector_store %arg21[%swap3A_268, %swap3A_269], %mul3A_267 {strides = array<i32>} : memref<40x128xf32, #tpu.memory_space<vmem>>, vector<16xf32>,
        %get3A_271 = arith.index_cast %add3A_171 : i32 to index
        %get3A_272 = arith.constant 32 : index
        %get3A_273 = tpu.vector_load %arg13[%get3A_271, %get3A_272] {strides = array<i32>} : memref<40x128xf32, #tpu.memory_space<vmem>>, vector<16xf32>,
        %add3A_274 = arith.addf %unpack3A_235, %get3A_273 : vector<16xf32>
        %swap3A_275 = arith.index_cast %add3A_171 : i32 to index
        %swap3A_276 = arith.constant 32 : index
        %swap3A_277 = tpu.vector_load %arg14[%swap3A_275, %swap3A_276] {strides = array<i32>} : memref<40x128xf32, #tpu.memory_space<vmem>>, vector<16xf32>,
        tpu.vector_store %arg14[%swap3A_275, %swap3A_276], %add3A_274 {strides = array<i32>} : memref<40x128xf32, #tpu.memory_space<vmem>>, vector<16xf32>,
        %get3A_278 = arith.index_cast %add3A_171 : i32 to index
        %get3A_279 = arith.constant 48 : index
        %get3A_280 = tpu.vector_load %arg13[%get3A_278, %get3A_279] {strides = array<i32>} : memref<40x128xf32, #tpu.memory_space<vmem>>, vector<16xf32>,
        %add3A_281 = arith.addf %unpack3A_236, %get3A_280 : vector<16xf32>
        %swap3A_282 = arith.index_cast %add3A_171 : i32 to index
        %swap3A_283 = arith.constant 48 : index
        %swap3A_284 = tpu.vector_load %arg14[%swap3A_282, %swap3A_283] {strides = array<i32>} : memref<40x128xf32, #tpu.memory_space<vmem>>, vector<16xf32>,
        tpu.vector_store %arg14[%swap3A_282, %swap3A_283], %add3A_281 {strides = array<i32>} : memref<40x128xf32, #tpu.memory_space<vmem>>, vector<16xf32>,
        %get3A_285 = arith.index_cast %add3A_171 : i32 to index
        %get3A_286 = arith.constant 32 : index
        %get3A_287 = tpu.vector_load %arg12[%get3A_285, %get3A_286] {strides = array<i32>} : memref<40x128xi32, #tpu.memory_space<vmem>>, vector<16xi32>,
        %bitcast3A_288 = vector.bitcast %get3A_287 : vector<16xi32> to vector<32xbf16>
        %unpack3A_289 = tpu.unpack_subelements %bitcast3A_288, 0 {pack_format = #tpu.pack_format<interleaved>} : vector<32xbf16> -> vector<16xf32>
        %unpack3A_290 = tpu.unpack_subelements %bitcast3A_288, 1 {pack_format = #tpu.pack_format<interleaved>} : vector<32xbf16> -> vector<16xf32>
        %get3A_291 = arith.index_cast %add3A_171 : i32 to index
        %get3A_292 = arith.constant 96 : index
        %get3A_293 = tpu.vector_load %arg12[%get3A_291, %get3A_292] {strides = array<i32>} : memref<40x128xi32, #tpu.memory_space<vmem>>, vector<16xi32>,
        %bitcast3A_294 = vector.bitcast %get3A_293 : vector<16xi32> to vector<32xbf16>
        %unpack3A_295 = tpu.unpack_subelements %bitcast3A_294, 0 {pack_format = #tpu.pack_format<interleaved>} : vector<32xbf16> -> vector<16xf32>
        %unpack3A_296 = tpu.unpack_subelements %bitcast3A_294, 1 {pack_format = #tpu.pack_format<interleaved>} : vector<32xbf16> -> vector<16xf32>
        %get3A_297 = arith.index_cast %add3A_171 : i32 to index
        %get3A_298 = arith.constant 64 : index
        %get3A_299 = tpu.vector_load %arg11[%get3A_297, %get3A_298] {strides = array<i32>} : memref<40x128xf32, #tpu.memory_space<vmem>>, vector<16xf32>,
        %neg3A_300 = arith.constant 0.000000e+00 : f32
        %neg3A_301 = vector.broadcast %neg3A_300 : f32 to vector<16xf32>
        %neg3A_302 = arith.subf %neg3A_301, %get3A_299 : vector<16xf32>
        %exp3A_303 = math.exp %neg3A_302 : vector<16xf32>
        %add3A_304 = arith.constant 1.000000e+00 : f32
        %add3A_305 = vector.broadcast %add3A_304 : f32 to vector<16xf32>
        %add3A_306 = arith.addf %add3A_305, %exp3A_303 : vector<16xf32>
        %div3A_307 = arith.constant 1.000000e+00 : f32
        %div3A_308 = vector.broadcast %div3A_307 : f32 to vector<16xf32>
        %div3A_309 = arith.divf %div3A_308, %add3A_306 : vector<16xf32>
        %mul3A_310 = arith.mulf %unpack3A_289, %div3A_309 : vector<16xf32>
        %swap3A_311 = arith.index_cast %add3A_171 : i32 to index
        %swap3A_312 = arith.constant 64 : index
        %swap3A_313 = tpu.vector_load %arg21[%swap3A_311, %swap3A_312] {strides = array<i32>} : memref<40x128xf32, #tpu.memory_space<vmem>>, vector<16xf32>,
        tpu.vector_store %arg21[%swap3A_311, %swap3A_312], %mul3A_310 {strides = array<i32>} : memref<40x128xf32, #tpu.memory_space<vmem>>, vector<16xf32>,
        %get3A_314 = arith.index_cast %add3A_171 : i32 to index
        %get3A_315 = arith.constant 80 : index
        %get3A_316 = tpu.vector_load %arg11[%get3A_314, %get3A_315] {strides = array<i32>} : memref<40x128xf32, #tpu.memory_space<vmem>>, vector<16xf32>,
        %neg3A_317 = arith.constant 0.000000e+00 : f32
        %neg3A_318 = vector.broadcast %neg3A_317 : f32 to vector<16xf32>
        %neg3A_319 = arith.subf %neg3A_318, %get3A_316 : vector<16xf32>
        %exp3A_320 = math.exp %neg3A_319 : vector<16xf32>
        %add3A_321 = arith.constant 1.000000e+00 : f32
        %add3A_322 = vector.broadcast %add3A_321 : f32 to vector<16xf32>
        %add3A_323 = arith.addf %add3A_322, %exp3A_320 : vector<16xf32>
        %div3A_324 = arith.constant 1.000000e+00 : f32
        %div3A_325 = vector.broadcast %div3A_324 : f32 to vector<16xf32>
        %div3A_326 = arith.divf %div3A_325, %add3A_323 : vector<16xf32>
        %mul3A_327 = arith.mulf %unpack3A_290, %div3A_326 : vector<16xf32>
        %swap3A_328 = arith.index_cast %add3A_171 : i32 to index
        %swap3A_329 = arith.constant 80 : index
        %swap3A_330 = tpu.vector_load %arg21[%swap3A_328, %swap3A_329] {strides = array<i32>} : memref<40x128xf32, #tpu.memory_space<vmem>>, vector<16xf32>,
        tpu.vector_store %arg21[%swap3A_328, %swap3A_329], %mul3A_327 {strides = array<i32>} : memref<40x128xf32, #tpu.memory_space<vmem>>, vector<16xf32>,
        %get3A_331 = arith.index_cast %add3A_171 : i32 to index
        %get3A_332 = arith.constant 64 : index
        %get3A_333 = tpu.vector_load %arg13[%get3A_331, %get3A_332] {strides = array<i32>} : memref<40x128xf32, #tpu.memory_space<vmem>>, vector<16xf32>,
        %add3A_334 = arith.addf %unpack3A_295, %get3A_333 : vector<16xf32>
        %swap3A_335 = arith.index_cast %add3A_171 : i32 to index
        %swap3A_336 = arith.constant 64 : index
        %swap3A_337 = tpu.vector_load %arg14[%swap3A_335, %swap3A_336] {strides = array<i32>} : memref<40x128xf32, #tpu.memory_space<vmem>>, vector<16xf32>,
        tpu.vector_store %arg14[%swap3A_335, %swap3A_336], %add3A_334 {strides = array<i32>} : memref<40x128xf32, #tpu.memory_space<vmem>>, vector<16xf32>,
        %get3A_338 = arith.index_cast %add3A_171 : i32 to index
        %get3A_339 = arith.constant 80 : index
        %get3A_340 = tpu.vector_load %arg13[%get3A_338, %get3A_339] {strides = array<i32>} : memref<40x128xf32, #tpu.memory_space<vmem>>, vector<16xf32>,
        %add3A_341 = arith.addf %unpack3A_296, %get3A_340 : vector<16xf32>
        %swap3A_342 = arith.index_cast %add3A_171 : i32 to index
        %swap3A_343 = arith.constant 80 : index
        %swap3A_344 = tpu.vector_load %arg14[%swap3A_342, %swap3A_343] {strides = array<i32>} : memref<40x128xf32, #tpu.memory_space<vmem>>, vector<16xf32>,
        tpu.vector_store %arg14[%swap3A_342, %swap3A_343], %add3A_341 {strides = array<i32>} : memref<40x128xf32, #tpu.memory_space<vmem>>, vector<16xf32>,
        %get3A_345 = arith.index_cast %add3A_171 : i32 to index
        %get3A_346 = arith.constant 48 : index
        %get3A_347 = tpu.vector_load %arg12[%get3A_345, %get3A_346] {strides = array<i32>} : memref<40x128xi32, #tpu.memory_space<vmem>>, vector<16xi32>,
        %bitcast3A_348 = vector.bitcast %get3A_347 : vector<16xi32> to vector<32xbf16>
        %unpack3A_349 = tpu.unpack_subelements %bitcast3A_348, 0 {pack_format = #tpu.pack_format<interleaved>} : vector<32xbf16> -> vector<16xf32>
        %unpack3A_350 = tpu.unpack_subelements %bitcast3A_348, 1 {pack_format = #tpu.pack_format<interleaved>} : vector<32xbf16> -> vector<16xf32>
        %get3A_351 = arith.index_cast %add3A_171 : i32 to index
        %get3A_352 = arith.constant 112 : index
        %get3A_353 = tpu.vector_load %arg12[%get3A_351, %get3A_352] {strides = array<i32>} : memref<40x128xi32, #tpu.memory_space<vmem>>, vector<16xi32>,
        %bitcast3A_354 = vector.bitcast %get3A_353 : vector<16xi32> to vector<32xbf16>
        %unpack3A_355 = tpu.unpack_subelements %bitcast3A_354, 0 {pack_format = #tpu.pack_format<interleaved>} : vector<32xbf16> -> vector<16xf32>
        %unpack3A_356 = tpu.unpack_subelements %bitcast3A_354, 1 {pack_format = #tpu.pack_format<interleaved>} : vector<32xbf16> -> vector<16xf32>
        %get3A_357 = arith.index_cast %add3A_171 : i32 to index
        %get3A_358 = arith.constant 96 : index
        %get3A_359 = tpu.vector_load %arg11[%get3A_357, %get3A_358] {strides = array<i32>} : memref<40x128xf32, #tpu.memory_space<vmem>>, vector<16xf32>,
        %neg3A_360 = arith.constant 0.000000e+00 : f32
        %neg3A_361 = vector.broadcast %neg3A_360 : f32 to vector<16xf32>
        %neg3A_362 = arith.subf %neg3A_361, %get3A_359 : vector<16xf32>
        %exp3A_363 = math.exp %neg3A_362 : vector<16xf32>
        %add3A_364 = arith.constant 1.000000e+00 : f32
        %add3A_365 = vector.broadcast %add3A_364 : f32 to vector<16xf32>
        %add3A_366 = arith.addf %add3A_365, %exp3A_363 : vector<16xf32>
        %div3A_367 = arith.constant 1.000000e+00 : f32
        %div3A_368 = vector.broadcast %div3A_367 : f32 to vector<16xf32>
        %div3A_369 = arith.divf %div3A_368, %add3A_366 : vector<16xf32>
        %mul3A_370 = arith.mulf %unpack3A_349, %div3A_369 : vector<16xf32>
        %swap3A_371 = arith.index_cast %add3A_171 : i32 to index
        %swap3A_372 = arith.constant 96 : index
        %swap3A_373 = tpu.vector_load %arg21[%swap3A_371, %swap3A_372] {strides = array<i32>} : memref<40x128xf32, #tpu.memory_space<vmem>>, vector<16xf32>,
        tpu.vector_store %arg21[%swap3A_371, %swap3A_372], %mul3A_370 {strides = array<i32>} : memref<40x128xf32, #tpu.memory_space<vmem>>, vector<16xf32>,
        %get3A_374 = arith.index_cast %add3A_171 : i32 to index
        %get3A_375 = arith.constant 112 : index
        %get3A_376 = tpu.vector_load %arg11[%get3A_374, %get3A_375] {strides = array<i32>} : memref<40x128xf32, #tpu.memory_space<vmem>>, vector<16xf32>,
        %neg3A_377 = arith.constant 0.000000e+00 : f32
        %neg3A_378 = vector.broadcast %neg3A_377 : f32 to vector<16xf32>
        %neg3A_379 = arith.subf %neg3A_378, %get3A_376 : vector<16xf32>
        %exp3A_380 = math.exp %neg3A_379 : vector<16xf32>
        %add3A_381 = arith.constant 1.000000e+00 : f32
        %add3A_382 = vector.broadcast %add3A_381 : f32 to vector<16xf32>
        %add3A_383 = arith.addf %add3A_382, %exp3A_380 : vector<16xf32>
        %div3A_384 = arith.constant 1.000000e+00 : f32
        %div3A_385 = vector.broadcast %div3A_384 : f32 to vector<16xf32>
        %div3A_386 = arith.divf %div3A_385, %add3A_383 : vector<16xf32>
        %mul3A_387 = arith.mulf %unpack3A_350, %div3A_386 : vector<16xf32>
        %swap3A_388 = arith.index_cast %add3A_171 : i32 to index
        %swap3A_389 = arith.constant 112 : index
        %swap3A_390 = tpu.vector_load %arg21[%swap3A_388, %swap3A_389] {strides = array<i32>} : memref<40x128xf32, #tpu.memory_space<vmem>>, vector<16xf32>,
        tpu.vector_store %arg21[%swap3A_388, %swap3A_389], %mul3A_387 {strides = array<i32>} : memref<40x128xf32, #tpu.memory_space<vmem>>, vector<16xf32>,
        %get3A_391 = arith.index_cast %add3A_171 : i32 to index
        %get3A_392 = arith.constant 96 : index
        %get3A_393 = tpu.vector_load %arg13[%get3A_391, %get3A_392] {strides = array<i32>} : memref<40x128xf32, #tpu.memory_space<vmem>>, vector<16xf32>,
        %add3A_394 = arith.addf %unpack3A_355, %get3A_393 : vector<16xf32>
        %swap3A_395 = arith.index_cast %add3A_171 : i32 to index
        %swap3A_396 = arith.constant 96 : index
        %swap3A_397 = tpu.vector_load %arg14[%swap3A_395, %swap3A_396] {strides = array<i32>} : memref<40x128xf32, #tpu.memory_space<vmem>>, vector<16xf32>,
        tpu.vector_store %arg14[%swap3A_395, %swap3A_396], %add3A_394 {strides = array<i32>} : memref<40x128xf32, #tpu.memory_space<vmem>>, vector<16xf32>,
        %get3A_398 = arith.index_cast %add3A_171 : i32 to index
        %get3A_399 = arith.constant 112 : index
        %get3A_400 = tpu.vector_load %arg13[%get3A_398, %get3A_399] {strides = array<i32>} : memref<40x128xf32, #tpu.memory_space<vmem>>, vector<16xf32>,
        %add3A_401 = arith.addf %unpack3A_356, %get3A_400 : vector<16xf32>
        %swap3A_402 = arith.index_cast %add3A_171 : i32 to index
        %swap3A_403 = arith.constant 112 : index
        %swap3A_404 = tpu.vector_load %arg14[%swap3A_402, %swap3A_403] {strides = array<i32>} : memref<40x128xf32, #tpu.memory_space<vmem>>, vector<16xf32>,
        tpu.vector_store %arg14[%swap3A_402, %swap3A_403], %add3A_401 {strides = array<i32>} : memref<40x128xf32, #tpu.memory_space<vmem>>, vector<16xf32>,
      }
      %scan3A_104 = arith.constant 40 : i32
      %dma_start3A_105 = arith.constant 0 : i32
      %dma_start3A_106 = tpu.memref_slice %arg7[%add3A_87, %dma_start3A_105] : memref<320000x128xf32, #tpu.memory_space<hbm>> -> memref<40x128xf32, #tpu.memory_space<hbm>>
      %dma_start3A_107 = arith.constant 0 : i32
      %dma_start3A_108 = tpu.memref_slice %arg7[%add3A_87, %dma_start3A_107] : memref<320000x128xf32, #tpu.memory_space<hbm>> -> memref<40x128xf32, #tpu.memory_space<hbm>>
      tpu.enqueue_dma source(%arg14 : memref<40x128xf32, #tpu.memory_space<vmem>>) target(%dma_start3A_108 : memref<40x128xf32, #tpu.memory_space<hbm>>) target_semaphore(%arg28 : memref<!tpu.dma_semaphore, #tpu.memory_space<semaphore_mem>>)
      %dma_wait3A_109 = tpu.memref_slice %arg3[%add3A_87] : memref<320000xi32, #tpu.memory_space<hbm>> -> memref<40xi32, #tpu.memory_space<hbm>>
      %dma_wait3A_110 = tpu.memref_slice %arg3[%add3A_87] : memref<320000xi32, #tpu.memory_space<hbm>> -> memref<40xi32, #tpu.memory_space<hbm>>
      tpu.wait_dma2 semaphore(%arg31 : memref<!tpu.dma_semaphore, #tpu.memory_space<semaphore_mem>>) src(%dma_wait3A_110 : memref<40xi32, #tpu.memory_space<hbm>>) dst(%arg22 : memref<40xi32, #tpu.memory_space<vmem>>)
      %dma_start3A_111 = arith.constant 0 : i32
      %dma_start3A_112 = arith.constant 0 : i32
      %dma_start3A_113 = tpu.memref_slice %arg33[%dma_start3A_111, %dma_start3A_112] : memref<10000x128xf32, #tpu.memory_space<vmem_shared>> -> memref<10000x128xf32, #tpu.memory_space<vmem_shared>>
      tpu.enqueue_indirect_dma source(%arg21 : memref<40x128xf32, #tpu.memory_space<vmem>>) target(%dma_start3A_113 : memref<10000x128xf32, #tpu.memory_space<vmem_shared>>) offsets(%arg22 : memref<40xi32, #tpu.memory_space<vmem>>) semaphore(%arg30 : memref<!tpu.dma_semaphore, #tpu.memory_space<semaphore_mem>>) {add = true}
      %add3A_114 = arith.constant 2 : i32
      %add3A_115 = arith.addi %add3A_77, %add3A_114 : i32
      %lt3A_116 = arith.constant 250 : i32
      %lt3A_117 = arith.cmpi slt, %add3A_115, %lt3A_116 : i32
      %convert_element_type3A_118 = arith.extui %lt3A_117 : i1 to i32
      %cond3A_119 = arith.constant 0 : i32
      %cond3A_120 = arith.cmpi ne, %convert_element_type3A_118, %cond3A_119 : i32
      scf.if %cond3A_120 {
        %add3A_167 = arith.constant 2 : i32
        %add3A_168 = arith.addi %add3A_77, %add3A_167 : i32
        %mul3A_169 = arith.constant 40 : i32
        %mul3A_170 = arith.muli %add3A_168, %mul3A_169 : i32
        %add3A_171 = arith.addi %mul3A_2, %mul3A_170 : i32
        %dma_start3A_172 = tpu.memref_slice %arg3[%add3A_171] : memref<320000xi32, #tpu.memory_space<hbm>> -> memref<40xi32, #tpu.memory_space<hbm>>
        %dma_start3A_173 = tpu.memref_slice %arg3[%add3A_171] : memref<320000xi32, #tpu.memory_space<hbm>> -> memref<40xi32, #tpu.memory_space<hbm>>
        tpu.enqueue_dma source(%dma_start3A_173 : memref<40xi32, #tpu.memory_space<hbm>>) target(%arg9 : memref<40xi32, #tpu.memory_space<vmem>>) target_semaphore(%arg24 : memref<!tpu.dma_semaphore, #tpu.memory_space<semaphore_mem>>)
        %dma_start3A_174 = tpu.memref_slice %arg4[%add3A_171] : memref<320000xi32, #tpu.memory_space<hbm>> -> memref<40xi32, #tpu.memory_space<hbm>>
        %dma_start3A_175 = tpu.memref_slice %arg4[%add3A_171] : memref<320000xi32, #tpu.memory_space<hbm>> -> memref<40xi32, #tpu.memory_space<hbm>>
        tpu.enqueue_dma source(%dma_start3A_175 : memref<40xi32, #tpu.memory_space<hbm>>) target(%arg10 : memref<40xi32, #tpu.memory_space<vmem>>) target_semaphore(%arg24 : memref<!tpu.dma_semaphore, #tpu.memory_space<semaphore_mem>>)
        %dma_start3A_176 = arith.constant 0 : i32
        %dma_start3A_177 = tpu.memref_slice %arg2[%add3A_171, %dma_start3A_176] : memref<320000x128xf32, #tpu.memory_space<hbm>> -> memref<40x128xf32, #tpu.memory_space<hbm>>
        %dma_start3A_178 = arith.constant 0 : i32
        %dma_start3A_179 = tpu.memref_slice %arg2[%add3A_171, %dma_start3A_178] : memref<320000x128xf32, #tpu.memory_space<hbm>> -> memref<40x128xf32, #tpu.memory_space<hbm>>
        tpu.enqueue_dma source(%dma_start3A_179 : memref<40x128xf32, #tpu.memory_space<hbm>>) target(%arg11 : memref<40x128xf32, #tpu.memory_space<vmem>>) target_semaphore(%arg24 : memref<!tpu.dma_semaphore, #tpu.memory_space<semaphore_mem>>)
      } else {
      }
      %add3A_121 = arith.constant 1 : i32
      %add3A_122 = arith.addi %add3A_75, %add3A_121 : i32
      %add3A_123 = arith.constant 1 : i32
      %add3A_124 = arith.addi %add3A_122, %add3A_123 : i32
      %lt3A_125 = arith.constant 250 : i32
      %lt3A_126 = arith.cmpi slt, %add3A_124, %lt3A_125 : i32
      %convert_element_type3A_127 = arith.extui %lt3A_126 : i1 to i32
      %cond3A_128 = arith.constant 0 : i32
      %cond3A_129 = arith.cmpi ne, %convert_element_type3A_127, %cond3A_128 : i32
      scf.if %cond3A_129 {
        %gt3A = arith.constant 0 : i32
        %gt3A_167 = arith.cmpi sgt, %add3A_122, %gt3A : i32
        %convert_element_type3A_168 = arith.extui %gt3A_167 : i1 to i32
        %cond3A_169 = arith.constant 0 : i32
        %cond3A_170 = arith.cmpi ne, %convert_element_type3A_168, %cond3A_169 : i32
        scf.if %cond3A_170 {
          %sub3A = arith.constant 1 : i32
          %sub3A_190 = arith.subi %add3A_122, %sub3A : i32
          %mul3A_191 = arith.constant 40 : i32
          %mul3A_192 = arith.muli %sub3A_190, %mul3A_191 : i32
          %add3A_193 = arith.addi %mul3A_2, %mul3A_192 : i32
          %dma_wait3A_194 = arith.constant 0 : i32
          %dma_wait3A_195 = tpu.memref_slice %arg7[%add3A_193, %dma_wait3A_194] : memref<320000x128xf32, #tpu.memory_space<hbm>> -> memref<40x128xf32, #tpu.memory_space<hbm>>
          %dma_wait3A_196 = arith.constant 0 : i32
          %dma_wait3A_197 = tpu.memref_slice %arg7[%add3A_193, %dma_wait3A_196] : memref<320000x128xf32, #tpu.memory_space<hbm>> -> memref<40x128xf32, #tpu.memory_space<hbm>>
          tpu.wait_dma2 semaphore(%arg28 : memref<!tpu.dma_semaphore, #tpu.memory_space<semaphore_mem>>) src(%arg14 : memref<40x128xf32, #tpu.memory_space<vmem>>) dst(%dma_wait3A_197 : memref<40x128xf32, #tpu.memory_space<hbm>>)
        } else {
        }
        %add3A_171 = arith.constant 1 : i32
        %add3A_172 = arith.addi %add3A_122, %add3A_171 : i32
        %mul3A_173 = arith.constant 40 : i32
        %mul3A_174 = arith.muli %add3A_172, %mul3A_173 : i32
        %add3A_175 = arith.addi %mul3A_2, %mul3A_174 : i32
        %dma_wait3A_176 = tpu.memref_slice %arg3[%add3A_175] : memref<320000xi32, #tpu.memory_space<hbm>> -> memref<40xi32, #tpu.memory_space<hbm>>
        %dma_wait3A_177 = tpu.memref_slice %arg3[%add3A_175] : memref<320000xi32, #tpu.memory_space<hbm>> -> memref<40xi32, #tpu.memory_space<hbm>>
        tpu.wait_dma2 semaphore(%arg24 : memref<!tpu.dma_semaphore, #tpu.memory_space<semaphore_mem>>) src(%dma_wait3A_177 : memref<40xi32, #tpu.memory_space<hbm>>) dst(%arg9 : memref<40xi32, #tpu.memory_space<vmem>>)
        %dma_wait3A_178 = tpu.memref_slice %arg4[%add3A_175] : memref<320000xi32, #tpu.memory_space<hbm>> -> memref<40xi32, #tpu.memory_space<hbm>>
        %dma_wait3A_179 = tpu.memref_slice %arg4[%add3A_175] : memref<320000xi32, #tpu.memory_space<hbm>> -> memref<40xi32, #tpu.memory_space<hbm>>
        tpu.wait_dma2 semaphore(%arg24 : memref<!tpu.dma_semaphore, #tpu.memory_space<semaphore_mem>>) src(%dma_wait3A_179 : memref<40xi32, #tpu.memory_space<hbm>>) dst(%arg10 : memref<40xi32, #tpu.memory_space<vmem>>)
        %dma_wait3A_180 = arith.constant 0 : i32
        %dma_wait3A_181 = tpu.memref_slice %arg2[%add3A_175, %dma_wait3A_180] : memref<320000x128xf32, #tpu.memory_space<hbm>> -> memref<40x128xf32, #tpu.memory_space<hbm>>
        %dma_wait3A_182 = arith.constant 0 : i32
        %dma_wait3A_183 = tpu.memref_slice %arg2[%add3A_175, %dma_wait3A_182] : memref<320000x128xf32, #tpu.memory_space<hbm>> -> memref<40x128xf32, #tpu.memory_space<hbm>>
        tpu.wait_dma2 semaphore(%arg24 : memref<!tpu.dma_semaphore, #tpu.memory_space<semaphore_mem>>) src(%dma_wait3A_183 : memref<40x128xf32, #tpu.memory_space<hbm>>) dst(%arg11 : memref<40x128xf32, #tpu.memory_space<vmem>>)
        %dma_start3A_184 = arith.constant 0 : i32
        %dma_start3A_185 = arith.constant 0 : i32
        %dma_start3A_186 = tpu.memref_slice %arg5[%dma_start3A_184, %dma_start3A_185] : memref<10000x128xi32, #tpu.memory_space<hbm>> -> memref<10000x128xi32, #tpu.memory_space<hbm>>
        tpu.enqueue_indirect_dma source(%dma_start3A_186 : memref<10000x128xi32, #tpu.memory_space<hbm>>) target(%arg12 : memref<40x128xi32, #tpu.memory_space<vmem>>) offsets(%arg10 : memref<40xi32, #tpu.memory_space<vmem>>) semaphore(%arg26 : memref<!tpu.dma_semaphore, #tpu.memory_space<semaphore_mem>>)
        %dma_start3A_187 = arith.constant 0 : i32
        %dma_start3A_188 = arith.constant 0 : i32
        %dma_start3A_189 = tpu.memref_slice %arg6[%dma_start3A_187, %dma_start3A_188] : memref<10000x128xf32, #tpu.memory_space<hbm>> -> memref<10000x128xf32, #tpu.memory_space<hbm>>
        tpu.enqueue_indirect_dma source(%dma_start3A_189 : memref<10000x128xf32, #tpu.memory_space<hbm>>) target(%arg13 : memref<40x128xf32, #tpu.memory_space<vmem>>) offsets(%arg9 : memref<40xi32, #tpu.memory_space<vmem>>) semaphore(%arg26 : memref<!tpu.dma_semaphore, #tpu.memory_space<semaphore_mem>>)
      } else {
      }
      %mul3A_130 = arith.constant 40 : i32
      %mul3A_131 = arith.muli %add3A_122, %mul3A_130 : i32
      %add3A_132 = arith.addi %mul3A_2, %mul3A_131 : i32
      %dma_start3A_133 = tpu.memref_slice %arg3[%add3A_132] : memref<320000xi32, #tpu.memory_space<hbm>> -> memref<40xi32, #tpu.memory_space<hbm>>
      %dma_start3A_134 = tpu.memref_slice %arg3[%add3A_132] : memref<320000xi32, #tpu.memory_space<hbm>> -> memref<40xi32, #tpu.memory_space<hbm>>
      tpu.enqueue_dma source(%dma_start3A_134 : memref<40xi32, #tpu.memory_space<hbm>>) target(%arg23 : memref<40xi32, #tpu.memory_space<vmem>>) target_semaphore(%arg32 : memref<!tpu.dma_semaphore, #tpu.memory_space<semaphore_mem>>)
      %dma_wait3A_135 = arith.constant 0 : i32
      %dma_wait3A_136 = arith.constant 0 : i32
      %dma_wait3A_137 = tpu.memref_slice %arg5[%dma_wait3A_135, %dma_wait3A_136] : memref<10000x128xi32, #tpu.memory_space<hbm>> -> memref<10000x128xi32, #tpu.memory_space<hbm>>
      tpu.wait_indirect_dma semaphore(%arg27 : memref<!tpu.dma_semaphore, #tpu.memory_space<semaphore_mem>>) src(%dma_wait3A_137 : memref<10000x128xi32, #tpu.memory_space<hbm>>) dst(%arg18 : memref<40x128xi32, #tpu.memory_space<vmem>>)
      %dma_wait3A_138 = arith.constant 0 : i32
      %dma_wait3A_139 = arith.constant 0 : i32
      %dma_wait3A_140 = tpu.memref_slice %arg6[%dma_wait3A_138, %dma_wait3A_139] : memref<10000x128xf32, #tpu.memory_space<hbm>> -> memref<10000x128xf32, #tpu.memory_space<hbm>>
      tpu.wait_indirect_dma semaphore(%arg27 : memref<!tpu.dma_semaphore, #tpu.memory_space<semaphore_mem>>) src(%dma_wait3A_140 : memref<10000x128xf32, #tpu.memory_space<hbm>>) dst(%arg19 : memref<40x128xf32, #tpu.memory_space<vmem>>)
      %ge3A_141 = arith.constant 1 : i32
      %ge3A_142 = arith.cmpi sge, %add3A_122, %ge3A_141 : i32
      %convert_element_type3A_143 = arith.extui %ge3A_142 : i1 to i32
      %cond3A_144 = arith.constant 0 : i32
      %cond3A_145 = arith.cmpi ne, %convert_element_type3A_143, %cond3A_144 : i32
      scf.if %cond3A_145 {
        %dma_wait3A_167 = arith.constant 0 : i32
        %dma_wait3A_168 = arith.constant 0 : i32
        %dma_wait3A_169 = tpu.memref_slice %arg33[%dma_wait3A_167, %dma_wait3A_168] : memref<10000x128xf32, #tpu.memory_space<vmem_shared>> -> memref<10000x128xf32, #tpu.memory_space<vmem_shared>>
        tpu.wait_indirect_dma semaphore(%arg30 : memref<!tpu.dma_semaphore, #tpu.memory_space<semaphore_mem>>) src(%arg21 : memref<40x128xf32, #tpu.memory_space<vmem>>) dst(%dma_wait3A_169 : memref<10000x128xf32, #tpu.memory_space<vmem_shared>>)
      } else {
      }
      %scan3A_146 = arith.constant 0 : i32
      %scan3A_147 = arith.constant 40 : i32
      %scan3A_148 = arith.addi %scan3A_146, %scan3A_147 : i32
      %scan3A_149 = arith.constant 1 : i32
      scf.for %scan3A_167 = %scan3A_146 to %scan3A_148 step %scan3A_149  : i32 {
        %mul3A_168 = arith.constant 1 : i32
        %mul3A_169 = arith.muli %scan3A_167, %mul3A_168 : i32
        %add3A_170 = arith.constant 0 : i32
        %add3A_171 = arith.addi %add3A_170, %mul3A_169 : i32
        %get3A = arith.index_cast %add3A_171 : i32 to index
        %get3A_172 = arith.constant 0 : index
        %get3A_173 = tpu.vector_load %arg18[%get3A, %get3A_172] {strides = array<i32>} : memref<40x128xi32, #tpu.memory_space<vmem>>, vector<16xi32>,
        %bitcast3A = vector.bitcast %get3A_173 : vector<16xi32> to vector<32xbf16>
        %unpack3A = tpu.unpack_subelements %bitcast3A, 0 {pack_format = #tpu.pack_format<interleaved>} : vector<32xbf16> -> vector<16xf32>
        %unpack3A_174 = tpu.unpack_subelements %bitcast3A, 1 {pack_format = #tpu.pack_format<interleaved>} : vector<32xbf16> -> vector<16xf32>
        %get3A_175 = arith.index_cast %add3A_171 : i32 to index
        %get3A_176 = arith.constant 64 : index
        %get3A_177 = tpu.vector_load %arg18[%get3A_175, %get3A_176] {strides = array<i32>} : memref<40x128xi32, #tpu.memory_space<vmem>>, vector<16xi32>,
        %bitcast3A_178 = vector.bitcast %get3A_177 : vector<16xi32> to vector<32xbf16>
        %unpack3A_179 = tpu.unpack_subelements %bitcast3A_178, 0 {pack_format = #tpu.pack_format<interleaved>} : vector<32xbf16> -> vector<16xf32>
        %unpack3A_180 = tpu.unpack_subelements %bitcast3A_178, 1 {pack_format = #tpu.pack_format<interleaved>} : vector<32xbf16> -> vector<16xf32>
        %get3A_181 = arith.index_cast %add3A_171 : i32 to index
        %get3A_182 = arith.constant 0 : index
        %get3A_183 = tpu.vector_load %arg17[%get3A_181, %get3A_182] {strides = array<i32>} : memref<40x128xf32, #tpu.memory_space<vmem>>, vector<16xf32>,
        %neg3A = arith.constant 0.000000e+00 : f32
        %neg3A_184 = vector.broadcast %neg3A : f32 to vector<16xf32>
        %neg3A_185 = arith.subf %neg3A_184, %get3A_183 : vector<16xf32>
        %exp3A = math.exp %neg3A_185 : vector<16xf32>
        %add3A_186 = arith.constant 1.000000e+00 : f32
        %add3A_187 = vector.broadcast %add3A_186 : f32 to vector<16xf32>
        %add3A_188 = arith.addf %add3A_187, %exp3A : vector<16xf32>
        %div3A = arith.constant 1.000000e+00 : f32
        %div3A_189 = vector.broadcast %div3A : f32 to vector<16xf32>
        %div3A_190 = arith.divf %div3A_189, %add3A_188 : vector<16xf32>
        %mul3A_191 = arith.mulf %unpack3A, %div3A_190 : vector<16xf32>
        %swap3A = arith.index_cast %add3A_171 : i32 to index
        %swap3A_192 = arith.constant 0 : index
        %swap3A_193 = tpu.vector_load %arg21[%swap3A, %swap3A_192] {strides = array<i32>} : memref<40x128xf32, #tpu.memory_space<vmem>>, vector<16xf32>,
        tpu.vector_store %arg21[%swap3A, %swap3A_192], %mul3A_191 {strides = array<i32>} : memref<40x128xf32, #tpu.memory_space<vmem>>, vector<16xf32>,
        %get3A_194 = arith.index_cast %add3A_171 : i32 to index
        %get3A_195 = arith.constant 16 : index
        %get3A_196 = tpu.vector_load %arg17[%get3A_194, %get3A_195] {strides = array<i32>} : memref<40x128xf32, #tpu.memory_space<vmem>>, vector<16xf32>,
        %neg3A_197 = arith.constant 0.000000e+00 : f32
        %neg3A_198 = vector.broadcast %neg3A_197 : f32 to vector<16xf32>
        %neg3A_199 = arith.subf %neg3A_198, %get3A_196 : vector<16xf32>
        %exp3A_200 = math.exp %neg3A_199 : vector<16xf32>
        %add3A_201 = arith.constant 1.000000e+00 : f32
        %add3A_202 = vector.broadcast %add3A_201 : f32 to vector<16xf32>
        %add3A_203 = arith.addf %add3A_202, %exp3A_200 : vector<16xf32>
        %div3A_204 = arith.constant 1.000000e+00 : f32
        %div3A_205 = vector.broadcast %div3A_204 : f32 to vector<16xf32>
        %div3A_206 = arith.divf %div3A_205, %add3A_203 : vector<16xf32>
        %mul3A_207 = arith.mulf %unpack3A_174, %div3A_206 : vector<16xf32>
        %swap3A_208 = arith.index_cast %add3A_171 : i32 to index
        %swap3A_209 = arith.constant 16 : index
        %swap3A_210 = tpu.vector_load %arg21[%swap3A_208, %swap3A_209] {strides = array<i32>} : memref<40x128xf32, #tpu.memory_space<vmem>>, vector<16xf32>,
        tpu.vector_store %arg21[%swap3A_208, %swap3A_209], %mul3A_207 {strides = array<i32>} : memref<40x128xf32, #tpu.memory_space<vmem>>, vector<16xf32>,
        %get3A_211 = arith.index_cast %add3A_171 : i32 to index
        %get3A_212 = arith.constant 0 : index
        %get3A_213 = tpu.vector_load %arg19[%get3A_211, %get3A_212] {strides = array<i32>} : memref<40x128xf32, #tpu.memory_space<vmem>>, vector<16xf32>,
        %add3A_214 = arith.addf %unpack3A_179, %get3A_213 : vector<16xf32>
        %swap3A_215 = arith.index_cast %add3A_171 : i32 to index
        %swap3A_216 = arith.constant 0 : index
        %swap3A_217 = tpu.vector_load %arg20[%swap3A_215, %swap3A_216] {strides = array<i32>} : memref<40x128xf32, #tpu.memory_space<vmem>>, vector<16xf32>,
        tpu.vector_store %arg20[%swap3A_215, %swap3A_216], %add3A_214 {strides = array<i32>} : memref<40x128xf32, #tpu.memory_space<vmem>>, vector<16xf32>,
        %get3A_218 = arith.index_cast %add3A_171 : i32 to index
        %get3A_219 = arith.constant 16 : index
        %get3A_220 = tpu.vector_load %arg19[%get3A_218, %get3A_219] {strides = array<i32>} : memref<40x128xf32, #tpu.memory_space<vmem>>, vector<16xf32>,
        %add3A_221 = arith.addf %unpack3A_180, %get3A_220 : vector<16xf32>
        %swap3A_222 = arith.index_cast %add3A_171 : i32 to index
        %swap3A_223 = arith.constant 16 : index
        %swap3A_224 = tpu.vector_load %arg20[%swap3A_222, %swap3A_223] {strides = array<i32>} : memref<40x128xf32, #tpu.memory_space<vmem>>, vector<16xf32>,
        tpu.vector_store %arg20[%swap3A_222, %swap3A_223], %add3A_221 {strides = array<i32>} : memref<40x128xf32, #tpu.memory_space<vmem>>, vector<16xf32>,
        %get3A_225 = arith.index_cast %add3A_171 : i32 to index
        %get3A_226 = arith.constant 16 : index
        %get3A_227 = tpu.vector_load %arg18[%get3A_225, %get3A_226] {strides = array<i32>} : memref<40x128xi32, #tpu.memory_space<vmem>>, vector<16xi32>,
        %bitcast3A_228 = vector.bitcast %get3A_227 : vector<16xi32> to vector<32xbf16>
        %unpack3A_229 = tpu.unpack_subelements %bitcast3A_228, 0 {pack_format = #tpu.pack_format<interleaved>} : vector<32xbf16> -> vector<16xf32>
        %unpack3A_230 = tpu.unpack_subelements %bitcast3A_228, 1 {pack_format = #tpu.pack_format<interleaved>} : vector<32xbf16> -> vector<16xf32>
        %get3A_231 = arith.index_cast %add3A_171 : i32 to index
        %get3A_232 = arith.constant 80 : index
        %get3A_233 = tpu.vector_load %arg18[%get3A_231, %get3A_232] {strides = array<i32>} : memref<40x128xi32, #tpu.memory_space<vmem>>, vector<16xi32>,
        %bitcast3A_234 = vector.bitcast %get3A_233 : vector<16xi32> to vector<32xbf16>
        %unpack3A_235 = tpu.unpack_subelements %bitcast3A_234, 0 {pack_format = #tpu.pack_format<interleaved>} : vector<32xbf16> -> vector<16xf32>
        %unpack3A_236 = tpu.unpack_subelements %bitcast3A_234, 1 {pack_format = #tpu.pack_format<interleaved>} : vector<32xbf16> -> vector<16xf32>
        %get3A_237 = arith.index_cast %add3A_171 : i32 to index
        %get3A_238 = arith.constant 32 : index
        %get3A_239 = tpu.vector_load %arg17[%get3A_237, %get3A_238] {strides = array<i32>} : memref<40x128xf32, #tpu.memory_space<vmem>>, vector<16xf32>,
        %neg3A_240 = arith.constant 0.000000e+00 : f32
        %neg3A_241 = vector.broadcast %neg3A_240 : f32 to vector<16xf32>
        %neg3A_242 = arith.subf %neg3A_241, %get3A_239 : vector<16xf32>
        %exp3A_243 = math.exp %neg3A_242 : vector<16xf32>
        %add3A_244 = arith.constant 1.000000e+00 : f32
        %add3A_245 = vector.broadcast %add3A_244 : f32 to vector<16xf32>
        %add3A_246 = arith.addf %add3A_245, %exp3A_243 : vector<16xf32>
        %div3A_247 = arith.constant 1.000000e+00 : f32
        %div3A_248 = vector.broadcast %div3A_247 : f32 to vector<16xf32>
        %div3A_249 = arith.divf %div3A_248, %add3A_246 : vector<16xf32>
        %mul3A_250 = arith.mulf %unpack3A_229, %div3A_249 : vector<16xf32>
        %swap3A_251 = arith.index_cast %add3A_171 : i32 to index
        %swap3A_252 = arith.constant 32 : index
        %swap3A_253 = tpu.vector_load %arg21[%swap3A_251, %swap3A_252] {strides = array<i32>} : memref<40x128xf32, #tpu.memory_space<vmem>>, vector<16xf32>,
        tpu.vector_store %arg21[%swap3A_251, %swap3A_252], %mul3A_250 {strides = array<i32>} : memref<40x128xf32, #tpu.memory_space<vmem>>, vector<16xf32>,
        %get3A_254 = arith.index_cast %add3A_171 : i32 to index
        %get3A_255 = arith.constant 48 : index
        %get3A_256 = tpu.vector_load %arg17[%get3A_254, %get3A_255] {strides = array<i32>} : memref<40x128xf32, #tpu.memory_space<vmem>>, vector<16xf32>,
        %neg3A_257 = arith.constant 0.000000e+00 : f32
        %neg3A_258 = vector.broadcast %neg3A_257 : f32 to vector<16xf32>
        %neg3A_259 = arith.subf %neg3A_258, %get3A_256 : vector<16xf32>
        %exp3A_260 = math.exp %neg3A_259 : vector<16xf32>
        %add3A_261 = arith.constant 1.000000e+00 : f32
        %add3A_262 = vector.broadcast %add3A_261 : f32 to vector<16xf32>
        %add3A_263 = arith.addf %add3A_262, %exp3A_260 : vector<16xf32>
        %div3A_264 = arith.constant 1.000000e+00 : f32
        %div3A_265 = vector.broadcast %div3A_264 : f32 to vector<16xf32>
        %div3A_266 = arith.divf %div3A_265, %add3A_263 : vector<16xf32>
        %mul3A_267 = arith.mulf %unpack3A_230, %div3A_266 : vector<16xf32>
        %swap3A_268 = arith.index_cast %add3A_171 : i32 to index
        %swap3A_269 = arith.constant 48 : index
        %swap3A_270 = tpu.vector_load %arg21[%swap3A_268, %swap3A_269] {strides = array<i32>} : memref<40x128xf32, #tpu.memory_space<vmem>>, vector<16xf32>,
        tpu.vector_store %arg21[%swap3A_268, %swap3A_269], %mul3A_267 {strides = array<i32>} : memref<40x128xf32, #tpu.memory_space<vmem>>, vector<16xf32>,
        %get3A_271 = arith.index_cast %add3A_171 : i32 to index
        %get3A_272 = arith.constant 32 : index
        %get3A_273 = tpu.vector_load %arg19[%get3A_271, %get3A_272] {strides = array<i32>} : memref<40x128xf32, #tpu.memory_space<vmem>>, vector<16xf32>,
        %add3A_274 = arith.addf %unpack3A_235, %get3A_273 : vector<16xf32>
        %swap3A_275 = arith.index_cast %add3A_171 : i32 to index
        %swap3A_276 = arith.constant 32 : index
        %swap3A_277 = tpu.vector_load %arg20[%swap3A_275, %swap3A_276] {strides = array<i32>} : memref<40x128xf32, #tpu.memory_space<vmem>>, vector<16xf32>,
        tpu.vector_store %arg20[%swap3A_275, %swap3A_276], %add3A_274 {strides = array<i32>} : memref<40x128xf32, #tpu.memory_space<vmem>>, vector<16xf32>,
        %get3A_278 = arith.index_cast %add3A_171 : i32 to index
        %get3A_279 = arith.constant 48 : index
        %get3A_280 = tpu.vector_load %arg19[%get3A_278, %get3A_279] {strides = array<i32>} : memref<40x128xf32, #tpu.memory_space<vmem>>, vector<16xf32>,
        %add3A_281 = arith.addf %unpack3A_236, %get3A_280 : vector<16xf32>
        %swap3A_282 = arith.index_cast %add3A_171 : i32 to index
        %swap3A_283 = arith.constant 48 : index
        %swap3A_284 = tpu.vector_load %arg20[%swap3A_282, %swap3A_283] {strides = array<i32>} : memref<40x128xf32, #tpu.memory_space<vmem>>, vector<16xf32>,
        tpu.vector_store %arg20[%swap3A_282, %swap3A_283], %add3A_281 {strides = array<i32>} : memref<40x128xf32, #tpu.memory_space<vmem>>, vector<16xf32>,
        %get3A_285 = arith.index_cast %add3A_171 : i32 to index
        %get3A_286 = arith.constant 32 : index
        %get3A_287 = tpu.vector_load %arg18[%get3A_285, %get3A_286] {strides = array<i32>} : memref<40x128xi32, #tpu.memory_space<vmem>>, vector<16xi32>,
        %bitcast3A_288 = vector.bitcast %get3A_287 : vector<16xi32> to vector<32xbf16>
        %unpack3A_289 = tpu.unpack_subelements %bitcast3A_288, 0 {pack_format = #tpu.pack_format<interleaved>} : vector<32xbf16> -> vector<16xf32>
        %unpack3A_290 = tpu.unpack_subelements %bitcast3A_288, 1 {pack_format = #tpu.pack_format<interleaved>} : vector<32xbf16> -> vector<16xf32>
        %get3A_291 = arith.index_cast %add3A_171 : i32 to index
        %get3A_292 = arith.constant 96 : index
        %get3A_293 = tpu.vector_load %arg18[%get3A_291, %get3A_292] {strides = array<i32>} : memref<40x128xi32, #tpu.memory_space<vmem>>, vector<16xi32>,
        %bitcast3A_294 = vector.bitcast %get3A_293 : vector<16xi32> to vector<32xbf16>
        %unpack3A_295 = tpu.unpack_subelements %bitcast3A_294, 0 {pack_format = #tpu.pack_format<interleaved>} : vector<32xbf16> -> vector<16xf32>
        %unpack3A_296 = tpu.unpack_subelements %bitcast3A_294, 1 {pack_format = #tpu.pack_format<interleaved>} : vector<32xbf16> -> vector<16xf32>
        %get3A_297 = arith.index_cast %add3A_171 : i32 to index
        %get3A_298 = arith.constant 64 : index
        %get3A_299 = tpu.vector_load %arg17[%get3A_297, %get3A_298] {strides = array<i32>} : memref<40x128xf32, #tpu.memory_space<vmem>>, vector<16xf32>,
        %neg3A_300 = arith.constant 0.000000e+00 : f32
        %neg3A_301 = vector.broadcast %neg3A_300 : f32 to vector<16xf32>
        %neg3A_302 = arith.subf %neg3A_301, %get3A_299 : vector<16xf32>
        %exp3A_303 = math.exp %neg3A_302 : vector<16xf32>
        %add3A_304 = arith.constant 1.000000e+00 : f32
        %add3A_305 = vector.broadcast %add3A_304 : f32 to vector<16xf32>
        %add3A_306 = arith.addf %add3A_305, %exp3A_303 : vector<16xf32>
        %div3A_307 = arith.constant 1.000000e+00 : f32
        %div3A_308 = vector.broadcast %div3A_307 : f32 to vector<16xf32>
        %div3A_309 = arith.divf %div3A_308, %add3A_306 : vector<16xf32>
        %mul3A_310 = arith.mulf %unpack3A_289, %div3A_309 : vector<16xf32>
        %swap3A_311 = arith.index_cast %add3A_171 : i32 to index
        %swap3A_312 = arith.constant 64 : index
        %swap3A_313 = tpu.vector_load %arg21[%swap3A_311, %swap3A_312] {strides = array<i32>} : memref<40x128xf32, #tpu.memory_space<vmem>>, vector<16xf32>,
        tpu.vector_store %arg21[%swap3A_311, %swap3A_312], %mul3A_310 {strides = array<i32>} : memref<40x128xf32, #tpu.memory_space<vmem>>, vector<16xf32>,
        %get3A_314 = arith.index_cast %add3A_171 : i32 to index
        %get3A_315 = arith.constant 80 : index
        %get3A_316 = tpu.vector_load %arg17[%get3A_314, %get3A_315] {strides = array<i32>} : memref<40x128xf32, #tpu.memory_space<vmem>>, vector<16xf32>,
        %neg3A_317 = arith.constant 0.000000e+00 : f32
        %neg3A_318 = vector.broadcast %neg3A_317 : f32 to vector<16xf32>
        %neg3A_319 = arith.subf %neg3A_318, %get3A_316 : vector<16xf32>
        %exp3A_320 = math.exp %neg3A_319 : vector<16xf32>
        %add3A_321 = arith.constant 1.000000e+00 : f32
        %add3A_322 = vector.broadcast %add3A_321 : f32 to vector<16xf32>
        %add3A_323 = arith.addf %add3A_322, %exp3A_320 : vector<16xf32>
        %div3A_324 = arith.constant 1.000000e+00 : f32
        %div3A_325 = vector.broadcast %div3A_324 : f32 to vector<16xf32>
        %div3A_326 = arith.divf %div3A_325, %add3A_323 : vector<16xf32>
        %mul3A_327 = arith.mulf %unpack3A_290, %div3A_326 : vector<16xf32>
        %swap3A_328 = arith.index_cast %add3A_171 : i32 to index
        %swap3A_329 = arith.constant 80 : index
        %swap3A_330 = tpu.vector_load %arg21[%swap3A_328, %swap3A_329] {strides = array<i32>} : memref<40x128xf32, #tpu.memory_space<vmem>>, vector<16xf32>,
        tpu.vector_store %arg21[%swap3A_328, %swap3A_329], %mul3A_327 {strides = array<i32>} : memref<40x128xf32, #tpu.memory_space<vmem>>, vector<16xf32>,
        %get3A_331 = arith.index_cast %add3A_171 : i32 to index
        %get3A_332 = arith.constant 64 : index
        %get3A_333 = tpu.vector_load %arg19[%get3A_331, %get3A_332] {strides = array<i32>} : memref<40x128xf32, #tpu.memory_space<vmem>>, vector<16xf32>,
        %add3A_334 = arith.addf %unpack3A_295, %get3A_333 : vector<16xf32>
        %swap3A_335 = arith.index_cast %add3A_171 : i32 to index
        %swap3A_336 = arith.constant 64 : index
        %swap3A_337 = tpu.vector_load %arg20[%swap3A_335, %swap3A_336] {strides = array<i32>} : memref<40x128xf32, #tpu.memory_space<vmem>>, vector<16xf32>,
        tpu.vector_store %arg20[%swap3A_335, %swap3A_336], %add3A_334 {strides = array<i32>} : memref<40x128xf32, #tpu.memory_space<vmem>>, vector<16xf32>,
        %get3A_338 = arith.index_cast %add3A_171 : i32 to index
        %get3A_339 = arith.constant 80 : index
        %get3A_340 = tpu.vector_load %arg19[%get3A_338, %get3A_339] {strides = array<i32>} : memref<40x128xf32, #tpu.memory_space<vmem>>, vector<16xf32>,
        %add3A_341 = arith.addf %unpack3A_296, %get3A_340 : vector<16xf32>
        %swap3A_342 = arith.index_cast %add3A_171 : i32 to index
        %swap3A_343 = arith.constant 80 : index
        %swap3A_344 = tpu.vector_load %arg20[%swap3A_342, %swap3A_343] {strides = array<i32>} : memref<40x128xf32, #tpu.memory_space<vmem>>, vector<16xf32>,
        tpu.vector_store %arg20[%swap3A_342, %swap3A_343], %add3A_341 {strides = array<i32>} : memref<40x128xf32, #tpu.memory_space<vmem>>, vector<16xf32>,
        %get3A_345 = arith.index_cast %add3A_171 : i32 to index
        %get3A_346 = arith.constant 48 : index
        %get3A_347 = tpu.vector_load %arg18[%get3A_345, %get3A_346] {strides = array<i32>} : memref<40x128xi32, #tpu.memory_space<vmem>>, vector<16xi32>,
        %bitcast3A_348 = vector.bitcast %get3A_347 : vector<16xi32> to vector<32xbf16>
        %unpack3A_349 = tpu.unpack_subelements %bitcast3A_348, 0 {pack_format = #tpu.pack_format<interleaved>} : vector<32xbf16> -> vector<16xf32>
        %unpack3A_350 = tpu.unpack_subelements %bitcast3A_348, 1 {pack_format = #tpu.pack_format<interleaved>} : vector<32xbf16> -> vector<16xf32>
        %get3A_351 = arith.index_cast %add3A_171 : i32 to index
        %get3A_352 = arith.constant 112 : index
        %get3A_353 = tpu.vector_load %arg18[%get3A_351, %get3A_352] {strides = array<i32>} : memref<40x128xi32, #tpu.memory_space<vmem>>, vector<16xi32>,
        %bitcast3A_354 = vector.bitcast %get3A_353 : vector<16xi32> to vector<32xbf16>
        %unpack3A_355 = tpu.unpack_subelements %bitcast3A_354, 0 {pack_format = #tpu.pack_format<interleaved>} : vector<32xbf16> -> vector<16xf32>
        %unpack3A_356 = tpu.unpack_subelements %bitcast3A_354, 1 {pack_format = #tpu.pack_format<interleaved>} : vector<32xbf16> -> vector<16xf32>
        %get3A_357 = arith.index_cast %add3A_171 : i32 to index
        %get3A_358 = arith.constant 96 : index
        %get3A_359 = tpu.vector_load %arg17[%get3A_357, %get3A_358] {strides = array<i32>} : memref<40x128xf32, #tpu.memory_space<vmem>>, vector<16xf32>,
        %neg3A_360 = arith.constant 0.000000e+00 : f32
        %neg3A_361 = vector.broadcast %neg3A_360 : f32 to vector<16xf32>
        %neg3A_362 = arith.subf %neg3A_361, %get3A_359 : vector<16xf32>
        %exp3A_363 = math.exp %neg3A_362 : vector<16xf32>
        %add3A_364 = arith.constant 1.000000e+00 : f32
        %add3A_365 = vector.broadcast %add3A_364 : f32 to vector<16xf32>
        %add3A_366 = arith.addf %add3A_365, %exp3A_363 : vector<16xf32>
        %div3A_367 = arith.constant 1.000000e+00 : f32
        %div3A_368 = vector.broadcast %div3A_367 : f32 to vector<16xf32>
        %div3A_369 = arith.divf %div3A_368, %add3A_366 : vector<16xf32>
        %mul3A_370 = arith.mulf %unpack3A_349, %div3A_369 : vector<16xf32>
        %swap3A_371 = arith.index_cast %add3A_171 : i32 to index
        %swap3A_372 = arith.constant 96 : index
        %swap3A_373 = tpu.vector_load %arg21[%swap3A_371, %swap3A_372] {strides = array<i32>} : memref<40x128xf32, #tpu.memory_space<vmem>>, vector<16xf32>,
        tpu.vector_store %arg21[%swap3A_371, %swap3A_372], %mul3A_370 {strides = array<i32>} : memref<40x128xf32, #tpu.memory_space<vmem>>, vector<16xf32>,
        %get3A_374 = arith.index_cast %add3A_171 : i32 to index
        %get3A_375 = arith.constant 112 : index
        %get3A_376 = tpu.vector_load %arg17[%get3A_374, %get3A_375] {strides = array<i32>} : memref<40x128xf32, #tpu.memory_space<vmem>>, vector<16xf32>,
        %neg3A_377 = arith.constant 0.000000e+00 : f32
        %neg3A_378 = vector.broadcast %neg3A_377 : f32 to vector<16xf32>
        %neg3A_379 = arith.subf %neg3A_378, %get3A_376 : vector<16xf32>
        %exp3A_380 = math.exp %neg3A_379 : vector<16xf32>
        %add3A_381 = arith.constant 1.000000e+00 : f32
        %add3A_382 = vector.broadcast %add3A_381 : f32 to vector<16xf32>
        %add3A_383 = arith.addf %add3A_382, %exp3A_380 : vector<16xf32>
        %div3A_384 = arith.constant 1.000000e+00 : f32
        %div3A_385 = vector.broadcast %div3A_384 : f32 to vector<16xf32>
        %div3A_386 = arith.divf %div3A_385, %add3A_383 : vector<16xf32>
        %mul3A_387 = arith.mulf %unpack3A_350, %div3A_386 : vector<16xf32>
        %swap3A_388 = arith.index_cast %add3A_171 : i32 to index
        %swap3A_389 = arith.constant 112 : index
        %swap3A_390 = tpu.vector_load %arg21[%swap3A_388, %swap3A_389] {strides = array<i32>} : memref<40x128xf32, #tpu.memory_space<vmem>>, vector<16xf32>,
        tpu.vector_store %arg21[%swap3A_388, %swap3A_389], %mul3A_387 {strides = array<i32>} : memref<40x128xf32, #tpu.memory_space<vmem>>, vector<16xf32>,
        %get3A_391 = arith.index_cast %add3A_171 : i32 to index
        %get3A_392 = arith.constant 96 : index
        %get3A_393 = tpu.vector_load %arg19[%get3A_391, %get3A_392] {strides = array<i32>} : memref<40x128xf32, #tpu.memory_space<vmem>>, vector<16xf32>,
        %add3A_394 = arith.addf %unpack3A_355, %get3A_393 : vector<16xf32>
        %swap3A_395 = arith.index_cast %add3A_171 : i32 to index
        %swap3A_396 = arith.constant 96 : index
        %swap3A_397 = tpu.vector_load %arg20[%swap3A_395, %swap3A_396] {strides = array<i32>} : memref<40x128xf32, #tpu.memory_space<vmem>>, vector<16xf32>,
        tpu.vector_store %arg20[%swap3A_395, %swap3A_396], %add3A_394 {strides = array<i32>} : memref<40x128xf32, #tpu.memory_space<vmem>>, vector<16xf32>,
        %get3A_398 = arith.index_cast %add3A_171 : i32 to index
        %get3A_399 = arith.constant 112 : index
        %get3A_400 = tpu.vector_load %arg19[%get3A_398, %get3A_399] {strides = array<i32>} : memref<40x128xf32, #tpu.memory_space<vmem>>, vector<16xf32>,
        %add3A_401 = arith.addf %unpack3A_356, %get3A_400 : vector<16xf32>
        %swap3A_402 = arith.index_cast %add3A_171 : i32 to index
        %swap3A_403 = arith.constant 112 : index
        %swap3A_404 = tpu.vector_load %arg20[%swap3A_402, %swap3A_403] {strides = array<i32>} : memref<40x128xf32, #tpu.memory_space<vmem>>, vector<16xf32>,
        tpu.vector_store %arg20[%swap3A_402, %swap3A_403], %add3A_401 {strides = array<i32>} : memref<40x128xf32, #tpu.memory_space<vmem>>, vector<16xf32>,
      }
      %scan3A_150 = arith.constant 40 : i32
      %dma_start3A_151 = arith.constant 0 : i32
      %dma_start3A_152 = tpu.memref_slice %arg7[%add3A_132, %dma_start3A_151] : memref<320000x128xf32, #tpu.memory_space<hbm>> -> memref<40x128xf32, #tpu.memory_space<hbm>>
      %dma_start3A_153 = arith.constant 0 : i32
      %dma_start3A_154 = tpu.memref_slice %arg7[%add3A_132, %dma_start3A_153] : memref<320000x128xf32, #tpu.memory_space<hbm>> -> memref<40x128xf32, #tpu.memory_space<hbm>>
      tpu.enqueue_dma source(%arg20 : memref<40x128xf32, #tpu.memory_space<vmem>>) target(%dma_start3A_154 : memref<40x128xf32, #tpu.memory_space<hbm>>) target_semaphore(%arg29 : memref<!tpu.dma_semaphore, #tpu.memory_space<semaphore_mem>>)
      %dma_wait3A_155 = tpu.memref_slice %arg3[%add3A_132] : memref<320000xi32, #tpu.memory_space<hbm>> -> memref<40xi32, #tpu.memory_space<hbm>>
      %dma_wait3A_156 = tpu.memref_slice %arg3[%add3A_132] : memref<320000xi32, #tpu.memory_space<hbm>> -> memref<40xi32, #tpu.memory_space<hbm>>
      tpu.wait_dma2 semaphore(%arg32 : memref<!tpu.dma_semaphore, #tpu.memory_space<semaphore_mem>>) src(%dma_wait3A_156 : memref<40xi32, #tpu.memory_space<hbm>>) dst(%arg23 : memref<40xi32, #tpu.memory_space<vmem>>)
      %dma_start3A_157 = arith.constant 0 : i32
      %dma_start3A_158 = arith.constant 0 : i32
      %dma_start3A_159 = tpu.memref_slice %arg33[%dma_start3A_157, %dma_start3A_158] : memref<10000x128xf32, #tpu.memory_space<vmem_shared>> -> memref<10000x128xf32, #tpu.memory_space<vmem_shared>>
      tpu.enqueue_indirect_dma source(%arg21 : memref<40x128xf32, #tpu.memory_space<vmem>>) target(%dma_start3A_159 : memref<10000x128xf32, #tpu.memory_space<vmem_shared>>) offsets(%arg23 : memref<40xi32, #tpu.memory_space<vmem>>) semaphore(%arg30 : memref<!tpu.dma_semaphore, #tpu.memory_space<semaphore_mem>>) {add = true}
      %add3A_160 = arith.constant 2 : i32
      %add3A_161 = arith.addi %add3A_122, %add3A_160 : i32
      %lt3A_162 = arith.constant 250 : i32
      %lt3A_163 = arith.cmpi slt, %add3A_161, %lt3A_162 : i32
      %convert_element_type3A_164 = arith.extui %lt3A_163 : i1 to i32
      %cond3A_165 = arith.constant 0 : i32
      %cond3A_166 = arith.cmpi ne, %convert_element_type3A_164, %cond3A_165 : i32
      scf.if %cond3A_166 {
        %add3A_167 = arith.constant 2 : i32
        %add3A_168 = arith.addi %add3A_122, %add3A_167 : i32
        %mul3A_169 = arith.constant 40 : i32
        %mul3A_170 = arith.muli %add3A_168, %mul3A_169 : i32
        %add3A_171 = arith.addi %mul3A_2, %mul3A_170 : i32
        %dma_start3A_172 = tpu.memref_slice %arg3[%add3A_171] : memref<320000xi32, #tpu.memory_space<hbm>> -> memref<40xi32, #tpu.memory_space<hbm>>
        %dma_start3A_173 = tpu.memref_slice %arg3[%add3A_171] : memref<320000xi32, #tpu.memory_space<hbm>> -> memref<40xi32, #tpu.memory_space<hbm>>
        tpu.enqueue_dma source(%dma_start3A_173 : memref<40xi32, #tpu.memory_space<hbm>>) target(%arg15 : memref<40xi32, #tpu.memory_space<vmem>>) target_semaphore(%arg25 : memref<!tpu.dma_semaphore, #tpu.memory_space<semaphore_mem>>)
        %dma_start3A_174 = tpu.memref_slice %arg4[%add3A_171] : memref<320000xi32, #tpu.memory_space<hbm>> -> memref<40xi32, #tpu.memory_space<hbm>>
        %dma_start3A_175 = tpu.memref_slice %arg4[%add3A_171] : memref<320000xi32, #tpu.memory_space<hbm>> -> memref<40xi32, #tpu.memory_space<hbm>>
        tpu.enqueue_dma source(%dma_start3A_175 : memref<40xi32, #tpu.memory_space<hbm>>) target(%arg16 : memref<40xi32, #tpu.memory_space<vmem>>) target_semaphore(%arg25 : memref<!tpu.dma_semaphore, #tpu.memory_space<semaphore_mem>>)
        %dma_start3A_176 = arith.constant 0 : i32
        %dma_start3A_177 = tpu.memref_slice %arg2[%add3A_171, %dma_start3A_176] : memref<320000x128xf32, #tpu.memory_space<hbm>> -> memref<40x128xf32, #tpu.memory_space<hbm>>
        %dma_start3A_178 = arith.constant 0 : i32
        %dma_start3A_179 = tpu.memref_slice %arg2[%add3A_171, %dma_start3A_178] : memref<320000x128xf32, #tpu.memory_space<hbm>> -> memref<40x128xf32, #tpu.memory_space<hbm>>
        tpu.enqueue_dma source(%dma_start3A_179 : memref<40x128xf32, #tpu.memory_space<hbm>>) target(%arg17 : memref<40x128xf32, #tpu.memory_space<vmem>>) target_semaphore(%arg25 : memref<!tpu.dma_semaphore, #tpu.memory_space<semaphore_mem>>)
      } else {
      }
    }
    %scan3A_49 = arith.constant 125 : i32
    %add3A_50 = arith.constant 9920 : i32
    %add3A_51 = arith.addi %mul3A_2, %add3A_50 : i32
    %dma_wait3A_52 = arith.constant 0 : i32
    %dma_wait3A_53 = tpu.memref_slice %arg7[%add3A_51, %dma_wait3A_52] : memref<320000x128xf32, #tpu.memory_space<hbm>> -> memref<40x128xf32, #tpu.memory_space<hbm>>
    %dma_wait3A_54 = arith.constant 0 : i32
    %dma_wait3A_55 = tpu.memref_slice %arg7[%add3A_51, %dma_wait3A_54] : memref<320000x128xf32, #tpu.memory_space<hbm>> -> memref<40x128xf32, #tpu.memory_space<hbm>>
    tpu.wait_dma2 semaphore(%arg28 : memref<!tpu.dma_semaphore, #tpu.memory_space<semaphore_mem>>) src(%arg14 : memref<40x128xf32, #tpu.memory_space<vmem>>) dst(%dma_wait3A_55 : memref<40x128xf32, #tpu.memory_space<hbm>>)
    %add3A_56 = arith.constant 9960 : i32
    %add3A_57 = arith.addi %mul3A_2, %add3A_56 : i32
    %dma_wait3A_58 = arith.constant 0 : i32
    %dma_wait3A_59 = tpu.memref_slice %arg7[%add3A_57, %dma_wait3A_58] : memref<320000x128xf32, #tpu.memory_space<hbm>> -> memref<40x128xf32, #tpu.memory_space<hbm>>
    %dma_wait3A_60 = arith.constant 0 : i32
    %dma_wait3A_61 = tpu.memref_slice %arg7[%add3A_57, %dma_wait3A_60] : memref<320000x128xf32, #tpu.memory_space<hbm>> -> memref<40x128xf32, #tpu.memory_space<hbm>>
    tpu.wait_dma2 semaphore(%arg29 : memref<!tpu.dma_semaphore, #tpu.memory_space<semaphore_mem>>) src(%arg20 : memref<40x128xf32, #tpu.memory_space<vmem>>) dst(%dma_wait3A_61 : memref<40x128xf32, #tpu.memory_space<hbm>>)
    %dma_wait3A_62 = arith.constant 0 : i32
    %dma_wait3A_63 = arith.constant 0 : i32
    %dma_wait3A_64 = tpu.memref_slice %arg33[%dma_wait3A_62, %dma_wait3A_63] : memref<10000x128xf32, #tpu.memory_space<vmem_shared>> -> memref<10000x128xf32, #tpu.memory_space<vmem_shared>>
    tpu.wait_indirect_dma semaphore(%arg30 : memref<!tpu.dma_semaphore, #tpu.memory_space<semaphore_mem>>) src(%arg21 : memref<40x128xf32, #tpu.memory_space<vmem>>) dst(%dma_wait3A_64 : memref<10000x128xf32, #tpu.memory_space<vmem_shared>>)
    %barrier3A_65 = arith.constant 0 : index
    tpu.barrier barrier_id(%barrier3A_65)
    %lt3A_66 = arith.constant 10 : i32
    %lt3A_67 = arith.cmpi slt, %arg1, %lt3A_66 : i32
    %convert_element_type3A_68 = arith.extui %lt3A_67 : i1 to i32
    %cond3A_69 = arith.constant 0 : i32
    %cond3A_70 = arith.cmpi ne, %convert_element_type3A_68, %cond3A_69 : i32
    scf.if %cond3A_70 {
      %mul3A_71 = arith.constant 1000 : i32
      %mul3A_72 = arith.muli %arg1, %mul3A_71 : i32
      %mul3A_73 = arith.constant 1000 : i32
      %mul3A_74 = arith.muli %arg1, %mul3A_73 : i32
      "tpu.region"() ({
        %run_scoped3A = tpu.sem_alloc : memref<!tpu.dma_semaphore, #tpu.memory_space<semaphore_mem>>
        %dma_start3A_75 = arith.constant 0 : i32
        %dma_start3A_76 = tpu.memref_slice %arg8[%arg0, %mul3A_74, %dma_start3A_75] : memref<2x10000x128xf32, #tpu.memory_space<hbm>> -> memref<1x1000x128xf32, #tpu.memory_space<hbm>>
        %dma_start3A_77 = tpu.memref_squeeze %dma_start3A_76 : memref<1x1000x128xf32, #tpu.memory_space<hbm>> -> memref<1000x128xf32, #tpu.memory_space<hbm>>
        %dma_start3A_78 = arith.constant 0 : i32
        %dma_start3A_79 = tpu.memref_slice %arg33[%mul3A_72, %dma_start3A_78] : memref<10000x128xf32, #tpu.memory_space<vmem_shared>> -> memref<1000x128xf32, #tpu.memory_space<vmem_shared>>
        tpu.enqueue_dma source(%dma_start3A_79 : memref<1000x128xf32, #tpu.memory_space<vmem_shared>>) target(%dma_start3A_77 : memref<1000x128xf32, #tpu.memory_space<hbm>>) target_semaphore(%run_scoped3A : memref<!tpu.dma_semaphore, #tpu.memory_space<semaphore_mem>>)
        %dma_wait3A_80 = arith.constant 0 : i32
        %dma_wait3A_81 = tpu.memref_slice %arg8[%arg0, %mul3A_74, %dma_wait3A_80] : memref<2x10000x128xf32, #tpu.memory_space<hbm>> -> memref<1x1000x128xf32, #tpu.memory_space<hbm>>
        %dma_wait3A_82 = tpu.memref_squeeze %dma_wait3A_81 : memref<1x1000x128xf32, #tpu.memory_space<hbm>> -> memref<1000x128xf32, #tpu.memory_space<hbm>>
        %dma_wait3A_83 = arith.constant 0 : i32
        %dma_wait3A_84 = tpu.memref_slice %arg33[%mul3A_72, %dma_wait3A_83] : memref<10000x128xf32, #tpu.memory_space<vmem_shared>> -> memref<1000x128xf32, #tpu.memory_space<vmem_shared>>
        tpu.wait_dma2 semaphore(%run_scoped3A : memref<!tpu.dma_semaphore, #tpu.memory_space<semaphore_mem>>) src(%dma_wait3A_84 : memref<1000x128xf32, #tpu.memory_space<vmem_shared>>) dst(%dma_wait3A_82 : memref<1000x128xf32, #tpu.memory_space<hbm>>)
        tpu.yield
      }) : () -> ()
    } else {
    }
    return
  }
}

module attributes {stable_mosaic.version = 14 : i64} {
  func.func @_node_transform_body(%arg0: memref<10000x128xf32, #tpu.memory_space<vmem>>, %arg1: memref<128x128xf32, #tpu.memory_space<vmem>>, %arg2: memref<128xf32, #tpu.memory_space<vmem>>, %arg3: memref<128x128xf32, #tpu.memory_space<vmem>>, %arg4: memref<128xf32, #tpu.memory_space<vmem>>, %arg5: memref<128x128xf32, #tpu.memory_space<vmem>>, %arg6: memref<128xf32, #tpu.memory_space<vmem>>, %arg7: memref<128x128xf32, #tpu.memory_space<vmem>>, %arg8: memref<128xf32, #tpu.memory_space<vmem>>, %arg9: memref<10000x128xf32, #tpu.memory_space<vmem>>, %arg10: memref<10000x128xbf16, #tpu.memory_space<vmem>>, %arg11: memref<10000x128xf32, #tpu.memory_space<vmem>>, %arg12: memref<10000x128xbf16, #tpu.memory_space<vmem>>) attributes {dimension_semantics = [], scalar_prefetch = 0 : i64, scratch_operands = 0 : i64, tpu.core_type = #tpu.core_type<tc>} {
    %get3A = arith.constant 0 : index
    %get3A_0 = arith.constant 0 : index
    %get3A_1 = vector.load %arg0[%get3A, %get3A_0] : memref<10000x128xf32, #tpu.memory_space<vmem>>, vector<10000x128xf32>
    %get3A_2 = arith.constant 0 : index
    %get3A_3 = arith.constant 0 : index
    %get3A_4 = vector.load %arg1[%get3A_2, %get3A_3] : memref<128x128xf32, #tpu.memory_space<vmem>>, vector<128x128xf32>
    %dot_general3A = arith.constant dense<0.000000e+00> : vector<10000x128xf32>
    %dot_general3A_5 = tpu.matmul %get3A_1, %get3A_4, %dot_general3A {dimension_numbers = #tpu.dot_dimension_numbers<[1], [1], [0], [0], [0, 0, 1, 0], [], []>, transpose_lhs_hint = false} : vector<10000x128xf32>, vector<128x128xf32>, vector<10000x128xf32> -> vector<10000x128xf32>
    %get3A_6 = arith.constant 0 : index
    %get3A_7 = vector.load %arg2[%get3A_6] : memref<128xf32, #tpu.memory_space<vmem>>, vector<128xf32>
    %broadcast_in_dim3A = vector.shape_cast %get3A_7 : vector<128xf32> to vector<1x128xf32>
    %add3A = vector.broadcast %broadcast_in_dim3A : vector<1x128xf32> to vector<10000x128xf32>
    %add3A_8 = arith.addf %dot_general3A_5, %add3A : vector<10000x128xf32>
    %swap3A = arith.constant 0 : index
    %swap3A_9 = arith.constant 0 : index
    %swap3A_10 = vector.load %arg9[%swap3A, %swap3A_9] : memref<10000x128xf32, #tpu.memory_space<vmem>>, vector<10000x128xf32>
    tpu.vector_store %arg9[%swap3A, %swap3A_9], %add3A_8 {strides = array<i32>} : memref<10000x128xf32, #tpu.memory_space<vmem>>, vector<10000x128xf32>,
    %get3A_11 = arith.constant 0 : index
    %get3A_12 = arith.constant 0 : index
    %get3A_13 = vector.load %arg3[%get3A_11, %get3A_12] : memref<128x128xf32, #tpu.memory_space<vmem>>, vector<128x128xf32>
    %dot_general3A_14 = arith.constant dense<0.000000e+00> : vector<10000x128xf32>
    %dot_general3A_15 = tpu.matmul %get3A_1, %get3A_13, %dot_general3A_14 {dimension_numbers = #tpu.dot_dimension_numbers<[1], [1], [0], [0], [0, 0, 1, 0], [], []>, transpose_lhs_hint = false} : vector<10000x128xf32>, vector<128x128xf32>, vector<10000x128xf32> -> vector<10000x128xf32>
    %get3A_16 = arith.constant 0 : index
    %get3A_17 = vector.load %arg4[%get3A_16] : memref<128xf32, #tpu.memory_space<vmem>>, vector<128xf32>
    %broadcast_in_dim3A_18 = vector.shape_cast %get3A_17 : vector<128xf32> to vector<1x128xf32>
    %add3A_19 = vector.broadcast %broadcast_in_dim3A_18 : vector<1x128xf32> to vector<10000x128xf32>
    %add3A_20 = arith.addf %dot_general3A_15, %add3A_19 : vector<10000x128xf32>
    %convert_element_type3A = arith.truncf %add3A_20 : vector<10000x128xf32> to vector<10000x128xbf16>
    %swap3A_21 = arith.constant 0 : index
    %swap3A_22 = arith.constant 0 : index
    %swap3A_23 = vector.load %arg10[%swap3A_21, %swap3A_22] : memref<10000x128xbf16, #tpu.memory_space<vmem>>, vector<10000x128xbf16>
    tpu.vector_store %arg10[%swap3A_21, %swap3A_22], %convert_element_type3A {strides = array<i32>} : memref<10000x128xbf16, #tpu.memory_space<vmem>>, vector<10000x128xbf16>,
    %get3A_24 = arith.constant 0 : index
    %get3A_25 = arith.constant 0 : index
    %get3A_26 = vector.load %arg5[%get3A_24, %get3A_25] : memref<128x128xf32, #tpu.memory_space<vmem>>, vector<128x128xf32>
    %dot_general3A_27 = arith.constant dense<0.000000e+00> : vector<10000x128xf32>
    %dot_general3A_28 = tpu.matmul %get3A_1, %get3A_26, %dot_general3A_27 {dimension_numbers = #tpu.dot_dimension_numbers<[1], [1], [0], [0], [0, 0, 1, 0], [], []>, transpose_lhs_hint = false} : vector<10000x128xf32>, vector<128x128xf32>, vector<10000x128xf32> -> vector<10000x128xf32>
    %get3A_29 = arith.constant 0 : index
    %get3A_30 = vector.load %arg6[%get3A_29] : memref<128xf32, #tpu.memory_space<vmem>>, vector<128xf32>
    %broadcast_in_dim3A_31 = vector.shape_cast %get3A_30 : vector<128xf32> to vector<1x128xf32>
    %add3A_32 = vector.broadcast %broadcast_in_dim3A_31 : vector<1x128xf32> to vector<10000x128xf32>
    %add3A_33 = arith.addf %dot_general3A_28, %add3A_32 : vector<10000x128xf32>
    %swap3A_34 = arith.constant 0 : index
    %swap3A_35 = arith.constant 0 : index
    %swap3A_36 = vector.load %arg11[%swap3A_34, %swap3A_35] : memref<10000x128xf32, #tpu.memory_space<vmem>>, vector<10000x128xf32>
    tpu.vector_store %arg11[%swap3A_34, %swap3A_35], %add3A_33 {strides = array<i32>} : memref<10000x128xf32, #tpu.memory_space<vmem>>, vector<10000x128xf32>,
    %get3A_37 = arith.constant 0 : index
    %get3A_38 = arith.constant 0 : index
    %get3A_39 = vector.load %arg7[%get3A_37, %get3A_38] : memref<128x128xf32, #tpu.memory_space<vmem>>, vector<128x128xf32>
    %dot_general3A_40 = arith.constant dense<0.000000e+00> : vector<10000x128xf32>
    %dot_general3A_41 = tpu.matmul %get3A_1, %get3A_39, %dot_general3A_40 {dimension_numbers = #tpu.dot_dimension_numbers<[1], [1], [0], [0], [0, 0, 1, 0], [], []>, transpose_lhs_hint = false} : vector<10000x128xf32>, vector<128x128xf32>, vector<10000x128xf32> -> vector<10000x128xf32>
    %get3A_42 = arith.constant 0 : index
    %get3A_43 = vector.load %arg8[%get3A_42] : memref<128xf32, #tpu.memory_space<vmem>>, vector<128xf32>
    %broadcast_in_dim3A_44 = vector.shape_cast %get3A_43 : vector<128xf32> to vector<1x128xf32>
    %add3A_45 = vector.broadcast %broadcast_in_dim3A_44 : vector<1x128xf32> to vector<10000x128xf32>
    %add3A_46 = arith.addf %dot_general3A_41, %add3A_45 : vector<10000x128xf32>
    %convert_element_type3A_47 = arith.truncf %add3A_46 : vector<10000x128xf32> to vector<10000x128xbf16>
    %swap3A_48 = arith.constant 0 : index
    %swap3A_49 = arith.constant 0 : index
    %swap3A_50 = vector.load %arg12[%swap3A_48, %swap3A_49] : memref<10000x128xbf16, #tpu.memory_space<vmem>>, vector<10000x128xbf16>
    tpu.vector_store %arg12[%swap3A_48, %swap3A_49], %convert_element_type3A_47 {strides = array<i32>} : memref<10000x128xbf16, #tpu.memory_space<vmem>>, vector<10000x128xbf16>,
    return
  }
}

module attributes {stable_mosaic.version = 14 : i64} {
  func.func @_e_stats_body(%arg0: i32, %arg1: memref<3200x128xf32, #tpu.memory_space<vmem>>, %arg2: memref<3200x128xf32, #tpu.memory_space<vmem>>, %arg3: memref<128x128xf32, #tpu.memory_space<vmem>>, %arg4: memref<128xf32, #tpu.memory_space<vmem>>, %arg5: memref<8x128xf32, #tpu.memory_space<vmem>>) attributes {dimension_semantics = [#tpu.dimension_semantics<arbitrary>], iteration_bounds = array<i64: 100>, scalar_prefetch = 0 : i64, scratch_operands = 0 : i64, tpu.core_type = #tpu.core_type<tc>, window_params = [{transform_indices = @transform_0, window_bounds = array<i64: 3200, 128>}, {transform_indices = @transform_1, window_bounds = array<i64: 3200, 128>}, {pipeline_mode = #tpu.pipeline_mode<synchronous>, transform_indices = @transform_2, window_bounds = array<i64: 128, 128>}, {pipeline_mode = #tpu.pipeline_mode<synchronous>, transform_indices = @transform_3, window_bounds = array<i64: 128>}, {pipeline_mode = #tpu.pipeline_mode<synchronous>, transform_indices = @transform_4, window_bounds = array<i64: 8, 128>}]} {
    %get3A = arith.constant 0 : index
    %get3A_0 = arith.constant 0 : index
    %get3A_1 = vector.load %arg1[%get3A, %get3A_0] : memref<3200x128xf32, #tpu.memory_space<vmem>>, vector<3200x128xf32>
    %get3A_2 = arith.constant 0 : index
    %get3A_3 = arith.constant 0 : index
    %get3A_4 = vector.load %arg3[%get3A_2, %get3A_3] : memref<128x128xf32, #tpu.memory_space<vmem>>, vector<128x128xf32>
    %dot_general3A = arith.constant dense<0.000000e+00> : vector<3200x128xf32>
    %dot_general3A_5 = tpu.matmul %get3A_1, %get3A_4, %dot_general3A {dimension_numbers = #tpu.dot_dimension_numbers<[1], [1], [0], [0], [0, 0, 1, 0], [], []>, transpose_lhs_hint = false} : vector<3200x128xf32>, vector<128x128xf32>, vector<3200x128xf32> -> vector<3200x128xf32>
    %get3A_6 = arith.constant 0 : index
    %get3A_7 = vector.load %arg4[%get3A_6] : memref<128xf32, #tpu.memory_space<vmem>>, vector<128xf32>
    %broadcast_in_dim3A = vector.shape_cast %get3A_7 : vector<128xf32> to vector<1x128xf32>
    %add3A = vector.broadcast %broadcast_in_dim3A : vector<1x128xf32> to vector<3200x128xf32>
    %add3A_8 = arith.addf %dot_general3A_5, %add3A : vector<3200x128xf32>
    %get3A_9 = arith.constant 0 : index
    %get3A_10 = arith.constant 0 : index
    %get3A_11 = vector.load %arg2[%get3A_9, %get3A_10] : memref<3200x128xf32, #tpu.memory_space<vmem>>, vector<3200x128xf32>
    %add3A_12 = arith.addf %add3A_8, %get3A_11 : vector<3200x128xf32>
    %reduce_sum3A = arith.constant dense<0.000000e+00> : vector<128xf32>
    %reduce_sum3A_13 = vector.multi_reduction <add>, %add3A_12, %reduce_sum3A [0] : vector<3200x128xf32> to vector<128xf32>
    %mul3A = arith.mulf %add3A_12, %add3A_12 : vector<3200x128xf32>
    %reduce_sum3A_14 = arith.constant dense<0.000000e+00> : vector<128xf32>
    %reduce_sum3A_15 = vector.multi_reduction <add>, %mul3A, %reduce_sum3A_14 [0] : vector<3200x128xf32> to vector<128xf32>
    %eq3A = arith.constant 0 : i32
    %eq3A_16 = arith.cmpi eq, %arg0, %eq3A : i32
    %convert_element_type3A = arith.extui %eq3A_16 : i1 to i32
    %cond3A = arith.constant 0 : i32
    %cond3A_17 = arith.cmpi ne, %convert_element_type3A, %cond3A : i32
    scf.if %cond3A_17 {
      %broadcast_in_dim3A_37 = arith.constant 0.000000e+00 : f32
      %broadcast_in_dim3A_38 = vector.broadcast %broadcast_in_dim3A_37 : f32 to vector<8x128xf32>
      %swap3A_39 = arith.constant 0 : index
      %swap3A_40 = arith.constant 0 : index
      %swap3A_41 = vector.load %arg5[%swap3A_39, %swap3A_40] : memref<8x128xf32, #tpu.memory_space<vmem>>, vector<8x128xf32>
      tpu.vector_store %arg5[%swap3A_39, %swap3A_40], %broadcast_in_dim3A_38 {strides = array<i32>} : memref<8x128xf32, #tpu.memory_space<vmem>>, vector<8x128xf32>,
    } else {
    }
    %get3A_18 = arith.constant 0 : index
    %get3A_19 = arith.constant 0 : index
    %get3A_20 = vector.load %arg5[%get3A_18, %get3A_19] : memref<8x128xf32, #tpu.memory_space<vmem>>, vector<1x128xf32>
    %get3A_21 = vector.shape_cast %get3A_20 : vector<1x128xf32> to vector<128xf32>
    %add3A_22 = arith.addf %get3A_21, %reduce_sum3A_13 : vector<128xf32>
    %swap3A = arith.constant 0 : index
    %swap3A_23 = arith.constant 0 : index
    %swap3A_24 = vector.load %arg5[%swap3A, %swap3A_23] : memref<8x128xf32, #tpu.memory_space<vmem>>, vector<1x128xf32>
    %swap3A_25 = vector.shape_cast %swap3A_24 : vector<1x128xf32> to vector<128xf32>
    %swap3A_26 = vector.shape_cast %add3A_22 : vector<128xf32> to vector<1x128xf32>
    tpu.vector_store %arg5[%swap3A, %swap3A_23], %swap3A_26 {strides = array<i32>} : memref<8x128xf32, #tpu.memory_space<vmem>>, vector<1x128xf32>,
    %get3A_27 = arith.constant 1 : index
    %get3A_28 = arith.constant 0 : index
    %get3A_29 = vector.load %arg5[%get3A_27, %get3A_28] : memref<8x128xf32, #tpu.memory_space<vmem>>, vector<1x128xf32>
    %get3A_30 = vector.shape_cast %get3A_29 : vector<1x128xf32> to vector<128xf32>
    %add3A_31 = arith.addf %get3A_30, %reduce_sum3A_15 : vector<128xf32>
    %swap3A_32 = arith.constant 1 : index
    %swap3A_33 = arith.constant 0 : index
    %swap3A_34 = vector.load %arg5[%swap3A_32, %swap3A_33] : memref<8x128xf32, #tpu.memory_space<vmem>>, vector<1x128xf32>
    %swap3A_35 = vector.shape_cast %swap3A_34 : vector<1x128xf32> to vector<128xf32>
    %swap3A_36 = vector.shape_cast %add3A_31 : vector<128xf32> to vector<1x128xf32>
    tpu.vector_store %arg5[%swap3A_32, %swap3A_33], %swap3A_36 {strides = array<i32>} : memref<8x128xf32, #tpu.memory_space<vmem>>, vector<1x128xf32>,
    return
  }
  func.func @transform_0(%arg0: i32) -> (i32, i32) {
    %c0_i32 = arith.constant 0 : i32
    %c0_i32_0 = arith.constant 0 : i32
    return %arg0, %c0_i32 : i32, i32
  }
  func.func @transform_1(%arg0: i32) -> (i32, i32) {
    %c0_i32 = arith.constant 0 : i32
    %c0_i32_0 = arith.constant 0 : i32
    return %arg0, %c0_i32 : i32, i32
  }
  func.func @transform_2(%arg0: i32) -> (i32, i32) {
    %c0_i32 = arith.constant 0 : i32
    %c0_i32_0 = arith.constant 0 : i32
    %c0_i32_1 = arith.constant 0 : i32
    return %c0_i32, %c0_i32_0 : i32, i32
  }
  func.func @transform_3(%arg0: i32) -> i32 {
    %c0_i32 = arith.constant 0 : i32
    %c0_i32_0 = arith.constant 0 : i32
    return %c0_i32 : i32
  }
  func.func @transform_4(%arg0: i32) -> (i32, i32) {
    %c0_i32 = arith.constant 0 : i32
    %c0_i32_0 = arith.constant 0 : i32
    %c0_i32_1 = arith.constant 0 : i32
    return %c0_i32, %c0_i32_0 : i32, i32
  }
}

module attributes {stable_mosaic.version = 14 : i64} {
  func.func @_e_final_body(%arg0: i32, %arg1: memref<3200x128xf32, #tpu.memory_space<vmem>>, %arg2: memref<3200x128xf32, #tpu.memory_space<vmem>>, %arg3: memref<128x128xf32, #tpu.memory_space<vmem>>, %arg4: memref<128xf32, #tpu.memory_space<vmem>>, %arg5: memref<8x128xf32, #tpu.memory_space<vmem>>, %arg6: memref<128xf32, #tpu.memory_space<vmem>>, %arg7: memref<128xf32, #tpu.memory_space<vmem>>, %arg8: memref<3200x128xf32, #tpu.memory_space<vmem>>) attributes {dimension_semantics = [#tpu.dimension_semantics<arbitrary>], iteration_bounds = array<i64: 100>, scalar_prefetch = 0 : i64, scratch_operands = 0 : i64, tpu.core_type = #tpu.core_type<tc>, window_params = [{transform_indices = @transform_0, window_bounds = array<i64: 3200, 128>}, {transform_indices = @transform_1, window_bounds = array<i64: 3200, 128>}, {pipeline_mode = #tpu.pipeline_mode<synchronous>, transform_indices = @transform_2, window_bounds = array<i64: 128, 128>}, {pipeline_mode = #tpu.pipeline_mode<synchronous>, transform_indices = @transform_3, window_bounds = array<i64: 128>}, {pipeline_mode = #tpu.pipeline_mode<synchronous>, transform_indices = @transform_4, window_bounds = array<i64: 8, 128>}, {pipeline_mode = #tpu.pipeline_mode<synchronous>, transform_indices = @transform_5, window_bounds = array<i64: 128>}, {pipeline_mode = #tpu.pipeline_mode<synchronous>, transform_indices = @transform_6, window_bounds = array<i64: 128>}, {transform_indices = @transform_7, window_bounds = array<i64: 3200, 128>}]} {
    %get3A = arith.constant 0 : index
    %get3A_0 = arith.constant 0 : index
    %get3A_1 = vector.load %arg1[%get3A, %get3A_0] : memref<3200x128xf32, #tpu.memory_space<vmem>>, vector<3200x128xf32>
    %get3A_2 = arith.constant 0 : index
    %get3A_3 = arith.constant 0 : index
    %get3A_4 = vector.load %arg3[%get3A_2, %get3A_3] : memref<128x128xf32, #tpu.memory_space<vmem>>, vector<128x128xf32>
    %dot_general3A = arith.constant dense<0.000000e+00> : vector<3200x128xf32>
    %dot_general3A_5 = tpu.matmul %get3A_1, %get3A_4, %dot_general3A {dimension_numbers = #tpu.dot_dimension_numbers<[1], [1], [0], [0], [0, 0, 1, 0], [], []>, transpose_lhs_hint = false} : vector<3200x128xf32>, vector<128x128xf32>, vector<3200x128xf32> -> vector<3200x128xf32>
    %get3A_6 = arith.constant 0 : index
    %get3A_7 = vector.load %arg4[%get3A_6] : memref<128xf32, #tpu.memory_space<vmem>>, vector<128xf32>
    %broadcast_in_dim3A = vector.shape_cast %get3A_7 : vector<128xf32> to vector<1x128xf32>
    %add3A = vector.broadcast %broadcast_in_dim3A : vector<1x128xf32> to vector<3200x128xf32>
    %add3A_8 = arith.addf %dot_general3A_5, %add3A : vector<3200x128xf32>
    %get3A_9 = arith.constant 0 : index
    %get3A_10 = arith.constant 0 : index
    %get3A_11 = vector.load %arg2[%get3A_9, %get3A_10] : memref<3200x128xf32, #tpu.memory_space<vmem>>, vector<3200x128xf32>
    %add3A_12 = arith.addf %add3A_8, %get3A_11 : vector<3200x128xf32>
    %get3A_13 = arith.constant 0 : index
    %get3A_14 = arith.constant 0 : index
    %get3A_15 = vector.load %arg5[%get3A_13, %get3A_14] : memref<8x128xf32, #tpu.memory_space<vmem>>, vector<1x128xf32>
    %get3A_16 = vector.shape_cast %get3A_15 : vector<1x128xf32> to vector<128xf32>
    %mul3A = arith.constant 3.125000e-06 : f32
    %mul3A_17 = vector.broadcast %mul3A : f32 to vector<128xf32>
    %mul3A_18 = arith.mulf %get3A_16, %mul3A_17 : vector<128xf32>
    %get3A_19 = arith.constant 1 : index
    %get3A_20 = arith.constant 0 : index
    %get3A_21 = vector.load %arg5[%get3A_19, %get3A_20] : memref<8x128xf32, #tpu.memory_space<vmem>>, vector<1x128xf32>
    %get3A_22 = vector.shape_cast %get3A_21 : vector<1x128xf32> to vector<128xf32>
    %mul3A_23 = arith.constant 3.125000e-06 : f32
    %mul3A_24 = vector.broadcast %mul3A_23 : f32 to vector<128xf32>
    %mul3A_25 = arith.mulf %get3A_22, %mul3A_24 : vector<128xf32>
    %mul3A_26 = arith.mulf %mul3A_18, %mul3A_18 : vector<128xf32>
    %sub3A = arith.subf %mul3A_25, %mul3A_26 : vector<128xf32>
    %get3A_27 = arith.constant 0 : index
    %get3A_28 = vector.load %arg6[%get3A_27] : memref<128xf32, #tpu.memory_space<vmem>>, vector<128xf32>
    %add3A_29 = arith.constant 9.99999974E-6 : f32
    %add3A_30 = vector.broadcast %add3A_29 : f32 to vector<128xf32>
    %add3A_31 = arith.addf %sub3A, %add3A_30 : vector<128xf32>
    %rsqrt3A = math.rsqrt %add3A_31 : vector<128xf32>
    %mul3A_32 = arith.mulf %get3A_28, %rsqrt3A : vector<128xf32>
    %broadcast_in_dim3A_33 = vector.shape_cast %mul3A_18 : vector<128xf32> to vector<1x128xf32>
    %sub3A_34 = vector.broadcast %broadcast_in_dim3A_33 : vector<1x128xf32> to vector<3200x128xf32>
    %sub3A_35 = arith.subf %add3A_12, %sub3A_34 : vector<3200x128xf32>
    %broadcast_in_dim3A_36 = vector.shape_cast %mul3A_32 : vector<128xf32> to vector<1x128xf32>
    %mul3A_37 = vector.broadcast %broadcast_in_dim3A_36 : vector<1x128xf32> to vector<3200x128xf32>
    %mul3A_38 = arith.mulf %sub3A_35, %mul3A_37 : vector<3200x128xf32>
    %get3A_39 = arith.constant 0 : index
    %get3A_40 = vector.load %arg7[%get3A_39] : memref<128xf32, #tpu.memory_space<vmem>>, vector<128xf32>
    %broadcast_in_dim3A_41 = vector.shape_cast %get3A_40 : vector<128xf32> to vector<1x128xf32>
    %add3A_42 = vector.broadcast %broadcast_in_dim3A_41 : vector<1x128xf32> to vector<3200x128xf32>
    %add3A_43 = arith.addf %mul3A_38, %add3A_42 : vector<3200x128xf32>
    %get3A_44 = arith.constant 0 : index
    %get3A_45 = arith.constant 0 : index
    %get3A_46 = vector.load %arg1[%get3A_44, %get3A_45] : memref<3200x128xf32, #tpu.memory_space<vmem>>, vector<3200x128xf32>
    %max3A = arith.constant 0.000000e+00 : f32
    %max3A_47 = vector.broadcast %max3A : f32 to vector<3200x128xf32>
    %max3A_48 = arith.maximumf %add3A_43, %max3A_47 : vector<3200x128xf32>
    %add3A_49 = arith.addf %get3A_46, %max3A_48 : vector<3200x128xf32>
    %swap3A = arith.constant 0 : index
    %swap3A_50 = arith.constant 0 : index
    %swap3A_51 = vector.load %arg8[%swap3A, %swap3A_50] : memref<3200x128xf32, #tpu.memory_space<vmem>>, vector<3200x128xf32>
    tpu.vector_store %arg8[%swap3A, %swap3A_50], %add3A_49 {strides = array<i32>} : memref<3200x128xf32, #tpu.memory_space<vmem>>, vector<3200x128xf32>,
    return
  }
  func.func @transform_0(%arg0: i32) -> (i32, i32) {
    %c0_i32 = arith.constant 0 : i32
    %c0_i32_0 = arith.constant 0 : i32
    return %arg0, %c0_i32 : i32, i32
  }
  func.func @transform_1(%arg0: i32) -> (i32, i32) {
    %c0_i32 = arith.constant 0 : i32
    %c0_i32_0 = arith.constant 0 : i32
    return %arg0, %c0_i32 : i32, i32
  }
  func.func @transform_2(%arg0: i32) -> (i32, i32) {
    %c0_i32 = arith.constant 0 : i32
    %c0_i32_0 = arith.constant 0 : i32
    %c0_i32_1 = arith.constant 0 : i32
    return %c0_i32, %c0_i32_0 : i32, i32
  }
  func.func @transform_3(%arg0: i32) -> i32 {
    %c0_i32 = arith.constant 0 : i32
    %c0_i32_0 = arith.constant 0 : i32
    return %c0_i32 : i32
  }
  func.func @transform_4(%arg0: i32) -> (i32, i32) {
    %c0_i32 = arith.constant 0 : i32
    %c0_i32_0 = arith.constant 0 : i32
    %c0_i32_1 = arith.constant 0 : i32
    return %c0_i32, %c0_i32_0 : i32, i32
  }
  func.func @transform_5(%arg0: i32) -> i32 {
    %c0_i32 = arith.constant 0 : i32
    %c0_i32_0 = arith.constant 0 : i32
    return %c0_i32 : i32
  }
  func.func @transform_6(%arg0: i32) -> i32 {
    %c0_i32 = arith.constant 0 : i32
    %c0_i32_0 = arith.constant 0 : i32
    return %c0_i32 : i32
  }
  func.func @transform_7(%arg0: i32) -> (i32, i32) {
    %c0_i32 = arith.constant 0 : i32
    %c0_i32_0 = arith.constant 0 : i32
    return %arg0, %c0_i32 : i32, i32
  }
}

module attributes {stable_mosaic.version = 14 : i64} {
  func.func @_h_final_body(%arg0: memref<10000x128xf32, #tpu.memory_space<vmem>>, %arg1: memref<10000x128xf32, #tpu.memory_space<vmem>>, %arg2: memref<10000x128xf32, #tpu.memory_space<vmem>>, %arg3: memref<10000x128xf32, #tpu.memory_space<vmem>>, %arg4: memref<128xf32, #tpu.memory_space<vmem>>, %arg5: memref<128xf32, #tpu.memory_space<vmem>>, %arg6: memref<10000x128xf32, #tpu.memory_space<vmem>>) attributes {dimension_semantics = [], scalar_prefetch = 0 : i64, scratch_operands = 0 : i64, tpu.core_type = #tpu.core_type<tc>} {
    %get3A = arith.constant 0 : index
    %get3A_0 = arith.constant 0 : index
    %get3A_1 = vector.load %arg1[%get3A, %get3A_0] : memref<10000x128xf32, #tpu.memory_space<vmem>>, vector<10000x128xf32>
    %get3A_2 = arith.constant 0 : index
    %get3A_3 = arith.constant 0 : index
    %get3A_4 = vector.load %arg2[%get3A_2, %get3A_3] : memref<10000x128xf32, #tpu.memory_space<vmem>>, vector<10000x128xf32>
    %add3A = arith.addf %get3A_1, %get3A_4 : vector<10000x128xf32>
    %get3A_5 = arith.constant 0 : index
    %get3A_6 = arith.constant 0 : index
    %get3A_7 = vector.load %arg3[%get3A_5, %get3A_6] : memref<10000x128xf32, #tpu.memory_space<vmem>>, vector<10000x128xf32>
    %add3A_8 = arith.addf %add3A, %get3A_7 : vector<10000x128xf32>
    %reduce_sum3A = arith.constant dense<0.000000e+00> : vector<128xf32>
    %reduce_sum3A_9 = vector.multi_reduction <add>, %add3A_8, %reduce_sum3A [0] : vector<10000x128xf32> to vector<128xf32>
    %div3A = arith.constant 1.000000e+04 : f32
    %div3A_10 = vector.broadcast %div3A : f32 to vector<128xf32>
    %div3A_11 = arith.divf %reduce_sum3A_9, %div3A_10 : vector<128xf32>
    %mul3A = arith.mulf %add3A_8, %add3A_8 : vector<10000x128xf32>
    %reduce_sum3A_12 = arith.constant dense<0.000000e+00> : vector<128xf32>
    %reduce_sum3A_13 = vector.multi_reduction <add>, %mul3A, %reduce_sum3A_12 [0] : vector<10000x128xf32> to vector<128xf32>
    %div3A_14 = arith.constant 1.000000e+04 : f32
    %div3A_15 = vector.broadcast %div3A_14 : f32 to vector<128xf32>
    %div3A_16 = arith.divf %reduce_sum3A_13, %div3A_15 : vector<128xf32>
    %mul3A_17 = arith.mulf %div3A_11, %div3A_11 : vector<128xf32>
    %sub3A = arith.subf %div3A_16, %mul3A_17 : vector<128xf32>
    %get3A_18 = arith.constant 0 : index
    %get3A_19 = vector.load %arg4[%get3A_18] : memref<128xf32, #tpu.memory_space<vmem>>, vector<128xf32>
    %add3A_20 = arith.constant 9.99999974E-6 : f32
    %add3A_21 = vector.broadcast %add3A_20 : f32 to vector<128xf32>
    %add3A_22 = arith.addf %sub3A, %add3A_21 : vector<128xf32>
    %rsqrt3A = math.rsqrt %add3A_22 : vector<128xf32>
    %mul3A_23 = arith.mulf %get3A_19, %rsqrt3A : vector<128xf32>
    %broadcast_in_dim3A = vector.shape_cast %div3A_11 : vector<128xf32> to vector<1x128xf32>
    %sub3A_24 = vector.broadcast %broadcast_in_dim3A : vector<1x128xf32> to vector<10000x128xf32>
    %sub3A_25 = arith.subf %add3A_8, %sub3A_24 : vector<10000x128xf32>
    %broadcast_in_dim3A_26 = vector.shape_cast %mul3A_23 : vector<128xf32> to vector<1x128xf32>
    %mul3A_27 = vector.broadcast %broadcast_in_dim3A_26 : vector<1x128xf32> to vector<10000x128xf32>
    %mul3A_28 = arith.mulf %sub3A_25, %mul3A_27 : vector<10000x128xf32>
    %get3A_29 = arith.constant 0 : index
    %get3A_30 = vector.load %arg5[%get3A_29] : memref<128xf32, #tpu.memory_space<vmem>>, vector<128xf32>
    %broadcast_in_dim3A_31 = vector.shape_cast %get3A_30 : vector<128xf32> to vector<1x128xf32>
    %add3A_32 = vector.broadcast %broadcast_in_dim3A_31 : vector<1x128xf32> to vector<10000x128xf32>
    %add3A_33 = arith.addf %mul3A_28, %add3A_32 : vector<10000x128xf32>
    %get3A_34 = arith.constant 0 : index
    %get3A_35 = arith.constant 0 : index
    %get3A_36 = vector.load %arg0[%get3A_34, %get3A_35] : memref<10000x128xf32, #tpu.memory_space<vmem>>, vector<10000x128xf32>
    %max3A = arith.constant 0.000000e+00 : f32
    %max3A_37 = vector.broadcast %max3A : f32 to vector<10000x128xf32>
    %max3A_38 = arith.maximumf %add3A_33, %max3A_37 : vector<10000x128xf32>
    %add3A_39 = arith.addf %get3A_36, %max3A_38 : vector<10000x128xf32>
    %swap3A = arith.constant 0 : index
    %swap3A_40 = arith.constant 0 : index
    %swap3A_41 = vector.load %arg6[%swap3A, %swap3A_40] : memref<10000x128xf32, #tpu.memory_space<vmem>>, vector<10000x128xf32>
    tpu.vector_store %arg6[%swap3A, %swap3A_40], %add3A_39 {strides = array<i32>} : memref<10000x128xf32, #tpu.memory_space<vmem>>, vector<10000x128xf32>,
    return
  }
}

</mosaic_0001>

<sc_bundles>
// kernel: kernel.7.cloned.1.call-start
scs
__scs_entry_jumppad:
0x0: {  	(pc) =	sbr.rel $0x88, $3  }
0x1: {  	(tag) =	ssettag $0x0;
	lr =	simm.s32 $0x1  }
0x2: {  	[smem:$0x3F90] =	sst lr;
	_ =	strace $0xD0000000  }
0x3: {  	_ = 	snop  }
0x4: {  	_ = 	snop  }
0x5: {  	_ = 	snop  }
0x6: {  	_ = 	snop  }
0x7: {  	_ = 	snop  }
__scs_overlays_trampoline_lowered:
0x8: {  	[smem:$0x3F9F] =	sst s0  }
0x9: {  	[smem:$0x3FA0] =	sst s1  }
0xa: {  	[smem:$0x3FA1] =	sst s2  }
0xb: {  	[smem:$0x3FA2] =	sst s3  }
0xc: {  	[smem:$0x3FA3] =	sst s4  }
0xd: {  	[smem:$0x3FA4] =	sst s5  }
0xe: {  	[smem:$0x3FA5] =	sst s6  }
0xf: {  	[smem:$0x3FA6] =	sst s7  }
0x10: {  	[smem:$0x3FA7] =	sst s8  }
0x11: {  	[smem:$0x3FA8] =	sst s9;
	s0 =	simm.s32 @!p0 $0x0  }
0x12: {  	s1 =	sld [smem:$0x3F8E];
	s0 =	simm.s32 @p0 $0x1  }
0x13: {  	[smem:$0x3FA9] =	sst s0;
	s0 =	simm.s32 @!p1 $0x0  }
0x14: {  	s2 =	sld [smem:$0x3F8D];
	s0 =	simm.s32 @p1 $0x1  }
0x15: {  	[smem:$0x3FAA] =	sst s0;
	s0 =	simm.s32 @!p2 $0x0  }
0x16: {  	s3 =	sld [smem:$0x3FDB];
	s0 =	simm.s32 @p2 $0x1  }
0x17: {  	s4 =	simm.s32 $0x1BF5;
	[smem:$0x3FAC] =	sst s0  }
0x18: {  	s0 =	sld [smem:$0x3F8F];
	_ =	swait.ge [sflag:s4], $0x0  }
0x19: {  	s7 =	sld [smem:$0x3F90]  }
0x1a: {  	s8 =	sadd.s32 $0xFFFFE003, lr  }
0x1b: {  	s9 =	sadd.s32 $0xFFFFFEF7, lr;
	s5 =	simm.s32 $0xFFFFFFFF;
	p2 =	slt.u32 s8, $0xFFFFF086  }
0x1c: {  	p1 =	slt.u32 s9, $0xF7A;
	s5 =	simm.s32 @!p2 $0x0  }
0x1d: {  	s5 =	simm.s32 @p1 $0x1;
	p0 =	seq.s32 s7, s2  }
0x1e: {  	s7 =	smul.u32 @!p0 $0xF7A, s2;
	p2 =	seq.s32 @!p0 s5, $0x0  }
0x1f: {  	s9 =	smul.u32 $0xF7A, s1;
	s8 =	simm.s32 @!p0 $0x1BF5;
	p2 =	por !p2, p0  }
0x20: {  	[sflag:s8] =	ssyncset.s32 @!p0 $0xFFFFF086;
	s6 =	sadd.s32 @!p0 s3, s7;
	s7 =	simm.s32 @!p0 $0x108  }
0x21: {  	s3 =	sadd.s32 s3, s9;
	s6 =	sadd.s32 @!p0 $0x88, s6;
	s7 =	simm.s32 @p2 $0x1082  }
0x22: {  	[simem:s7], [sflag:s8] =	dma.local @!p0 [hbm:s6], $0xF7A  }
0x23: {  	s9 =	sor.u32 $0xD0000000, s2;
	s6 =	simm.s32 $0x108;
	_ =	swait.ge @!p0 [sflag:s8], $0x0  }
0x24: {  	s3 =	sadd.s32 $0x88, s3;
	s6 =	simm.s32 @!p1 $0x1082;
	[sflag:s4] =	ssyncset.s32 $0xFFFFF086  }
0x25: {  	[simem:s6], [sflag:s4] =	dma.local [hbm:s3], $0xF7A  }
0x26: {  	[smem:$0x3F90] =	sst s1;
	(tag) =	ssettag s2;
	_ =	strace s9  }
0x27: {  	s1 =	sld [smem:$0x3FA0]  }
0x28: {  	s2 =	sld [smem:$0x3FA1]  }
0x29: {  	s4 =	sld [smem:$0x3FA3]  }
0x2a: {  	p0 =	seq.s32 s5, $0x0;
	s5 =	sld [smem:$0x3FA4]  }
0x2b: {  	s6 =	sld [smem:$0x3FA5]  }
0x2c: {  	s7 =	sld [smem:$0x3FA6]  }
0x2d: {  	s3 =	simm.s32 $0x108;
	s8 =	sld [smem:$0x3FA7]  }
0x2e: {  	s3 =	simm.s32 @!p0 $0x1082;
	s9 =	sld [smem:$0x3FA8]  }
0x2f: {  	lr =	sadd.s32 s0, s3;
	s0 =	sld [smem:$0x3F9F]  }
0x30: {  	s3 =	sld [smem:$0x3FA2]  }
0x31: {  	[smem:$0x3FAB] =	sst s10  }
0x32: {  	s10 =	sld [smem:$0x3FA9];
	_ =	sdelay $0x3  }
0x33: {  	p0 =	seq.s32 s10, $0x1;
	s10 =	sld [smem:$0x3FAB];
	_ =	sdelay $0x3  }
0x34: {  	[smem:$0x3FAB] =	sst s10  }
0x35: {  	s10 =	sld [smem:$0x3FAA];
	_ =	sdelay $0x3  }
0x36: {  	p1 =	seq.s32 s10, $0x1;
	s10 =	sld [smem:$0x3FAB];
	_ =	sdelay $0x3  }
0x37: {  	[smem:$0x3FAB] =	sst s10  }
0x38: {  	s10 =	sld [smem:$0x3FAC]  }
0x39: {  	_ = 	snop;
	(pc) =	sbr.ind lr, $3  }
0x3a: {  	_ = 	snop  }
0x3b: {  	_ = 	snop  }
0x3c: {  	p2 =	seq.s32 s10, $0x1;
	s10 =	sld [smem:$0x3FAB]  }
0x3d: {  	_ =	shalt  }
0x3e: {  	_ =	shalt  }
0x3f: {  	_ =	shalt  }
0x40: {  	_ =	shalt  }
0x41: {  	_ =	shalt  }
0x42: {  	_ =	shalt  }
0x43: {  	_ =	shalt  }
0x44: {  	_ =	shalt  }
0x45: {  	_ =	shalt  }
0x46: {  	_ =	shalt  }
0x47: {  	_ =	shalt  }
0x48: {  	_ =	shalt  }
0x49: {  	_ =	shalt  }
0x4a: {  	_ =	shalt  }
0x4b: {  	_ =	shalt  }
0x4c: {  	_ =	shalt  }
0x4d: {  	_ =	shalt  }
0x4e: {  	_ =	shalt  }
0x4f: {  	_ =	shalt  }
0x50: {  	_ =	shalt  }
0x51: {  	_ =	shalt  }
0x52: {  	_ =	shalt  }
0x53: {  	_ =	shalt  }
0x54: {  	_ =	shalt  }
0x55: {  	_ =	shalt  }
0x56: {  	_ =	shalt  }
0x57: {  	_ =	shalt  }
0x58: {  	_ =	shalt  }
0x59: {  	_ =	shalt  }
0x5a: {  	_ =	shalt  }
0x5b: {  	_ =	shalt  }
0x5c: {  	_ =	shalt  }
0x5d: {  	_ =	shalt  }
0x5e: {  	_ =	shalt  }
0x5f: {  	_ =	shalt  }
0x60: {  	_ =	shalt  }
0x61: {  	_ =	shalt  }
0x62: {  	_ =	shalt  }
0x63: {  	_ =	shalt  }
0x64: {  	_ =	shalt  }
0x65: {  	_ =	shalt  }
0x66: {  	_ =	shalt  }
0x67: {  	_ =	shalt  }
0x68: {  	_ =	shalt  }
0x69: {  	_ =	shalt  }
0x6a: {  	_ =	shalt  }
0x6b: {  	_ =	shalt  }
0x6c: {  	_ =	shalt  }
0x6d: {  	_ =	shalt  }
0x6e: {  	_ =	shalt  }
0x6f: {  	_ =	shalt  }
0x70: {  	_ =	shalt  }
0x71: {  	_ =	shalt  }
0x72: {  	_ =	shalt  }
0x73: {  	_ =	shalt  }
0x74: {  	_ =	shalt  }
0x75: {  	_ =	shalt  }
0x76: {  	_ =	shalt  }
0x77: {  	_ =	shalt  }
0x78: {  	_ =	shalt  }
0x79: {  	_ =	shalt  }
0x7a: {  	_ =	shalt  }
0x7b: {  	_ =	shalt  }
0x7c: {  	_ =	shalt  }
0x7d: {  	_ =	shalt  }
0x7e: {  	_ =	shalt  }
0x7f: {  	_ =	shalt  }
0x80: {  	_ =	shalt  }
0x81: {  	_ =	shalt  }
0x82: {  	_ =	shalt  }
0x83: {  	_ =	shalt  }
0x84: {  	_ =	shalt  }
0x85: {  	_ =	shalt  }
0x86: {  	_ =	shalt  }
0x87: {  	_ =	shalt  }
.Lfunc_end0:
.L_simem_size_0:
called_computation_lowered:
.L_overlay_start_0:
0x88: {  	s2 =	sld [smem:$0x3FD9]  }
0x89: {  	s3 =	sld [smem:$0x3FFE];
	_ =	sdelay $0x1  }
0x8a: {  	s1 =	srdreg.scid  }
0x8b: {  	s0 =	sand.u32 $0x1, s1  }
0x8c: {  	s14 =	sshll.u32 s0, $0xA;
	s2 =	sadd.s32 s3, s2  }
0x8d: {  	s2 =	sadd.s32 s2, s14  }
0x8e: {  	[smem:$0x3FB7] =	sst s2  }
0x8f: {  	_ = 	snop  }
0x90: {  	s2 =	sld [smem:$0x3FD0];
	_ =	sdelay $0x2  }
0x91: {  	s4 =	simm.s32 $0xA;
	s5 =	simm.s32 $0x10;
	s15 =	sld [smem:$0x3FC8]  }
0x92: {  	[smem:s5], [sflag:s4] =	dma.local [hbm:s2], $0x1  }
0x93: {  	_ =	swait.eq [sflag:s4], $0x1  }
0x94: {  	[sflag:s4] =	ssyncset.done $0x0  }
0x95: {  	[sflag:s4] =	ssyncadd.s32 $0xFFFFFFFF  }
0x96: {  	s16 =	sld [smem:$0x11];
	(tm) =	ssettm $0x1  }
0x97: {  	s17 =	sld [smem:$0x3FFB];
	_ =	sdelay $0x3  }
0x98: {  	_ =	strace s17  }
0x99: {  	s4 =	sld [smem:$0x3FFC];
	_ =	sdelay $0x3  }
0x9a: {  	_ =	strace s4  }
0x9b: {  	s4 =	sld [smem:$0x3FFD];
	_ =	sdelay $0x3  }
0x9c: {  	_ =	strace s4  }
0x9d: {  	_ =	strace $0x8FFFFFFF  }
0x9e: {  	s18 =	sld [smem:$0x3FDB];
	_ =	sdelay $0x1  }
0x9f: {  	s19 =	simm.s32 $_scs_section_size  }
0xa0: {  	s6 =	simm.s32 $_size__tile_overlayer_lowered;
	s7 =	simm.s32 $_tile_overlayer_lowered  }
0xa1: {  	s22 =	simm.s32 $0x1BFF;
	s21 =	sshll.u32 s7, $0x1;
	s4 =	sadd.s32 s19, s18  }
0xa2: {  	s8 =	simm.s32 $0x0;
	s20 =	sshll.u32 s6, $0x1;
	s6 =	sadd.s32 s21, s4  }
0xa3: {  	[timem:s8], [sflag:s22] =	dma.local [hbm:s6], s20  }
0xa4: {  	_ =	swait.ge [sflag:s22], s20  }
0xa5: {  	s5 =	ssub.s32 $0x0, s20;
	[sflag:s22] =	ssyncset.done $0x0  }
0xa6: {  	[sflag:s22] =	ssyncadd.s32 s5;
	_ =	sdelay $0x1  }
0xa7: {  	s23 =	simm.s32 $0x1B8B  }
0xa8: {  	_ =	swait.ge [sflag:s23], $0x1  }
0xa9: {  	[sflag:s23] =	ssyncset.done $0x0  }
0xaa: {  	s25 =	simm.s32 $0x1B8E;
	s24 =	sld [smem:$0x3FFE];
	[sflag:s23] =	ssyncadd.s32 $0xFFFFFFFF  }
0xab: {  	s26 =	simm.s32 $execute0_lowered;
	[smem:$0x3FD2] =	sst s25  }
0xac: {  	s6 =	sshll.u32 s26, $0x1;
	_ =	strace $0x80000046;
	[dreg:$0x1] =	wrdreg $0xFFFFFFFF  }
0xad: {  	s28 =	simm.s32 $_size_execute0_lowered;
	s4 =	sadd.s32 s4, s6;
	[dreg:$0x0] =	wrdreg $0x0  }
0xae: {  	s6 =	sshll.u32 s28, $0x1;
	[dreg:$0x2] =	wrdreg s4  }
0xaf: {  	[dreg:$0x3] =	wrdreg s6  }
0xb0: {  	[dreg:$0x4] =	wrdreg $0xC0  }
0xb1: {  	_ =	task [dreg:s8], $0x5FFFF  }
0xb2: {  	[dreg:$0x1] =	wrdreg $0xFFFFFFFF  }
0xb3: {  	[dreg:$0x0] =	wrdreg $0x60  }
0xb4: {  	[dreg:$0x2] =	wrdreg s15  }
0xb5: {  	[dreg:$0x3] =	wrdreg s24  }
0xb6: {  	[dreg:$0x4] =	wrdreg s16  }
0xb7: {  	[dreg:$0x5] =	wrdreg $0xB7000  }
0xb8: {  	[dreg:$0x6] =	wrdreg $0x9  }
0xb9: {  	_ =	task.clear_ibuf [dreg:s8], $0x7FFFF;
	_ =	strace $0x90000046  }
0xba: {  	s29 =	simm.s32 $0x9;
	_ =	strace $0x80000048  }
0xbb: {  	_ =	swait.ge [sflag:s29], $0x1  }
0xbc: {  	[sflag:s29] =	ssyncadd.s32 $0xFFFFFFFF  }
0xbd: {  	_ =	strace $0x90000048  }
0xbe: {  	_ =	sfence  }
0xbf: {  	s30 =	sld [smem:$0x0];
	_ =	sdelay $0x2  }
0xc0: {  	s31 =	sshll.u32 s1, $0xD;
	s1 =	sshrl.u32 s1, $0x2  }
0xc1: {  	s3 =	sand.u32 $0x4000, s31;
	s1 =	sadd.s32 s1, s30  }
0xc2: {  	s0 =	sor.u32 s3, s0;
	s1 =	sshll.u32 s1, $0x11  }
0xc3: {  	s0 =	sor.u32 s1, s0  }
0xc4: {  	s0 =	sadd.s32 $0x8F2B, s0  }
0xc5: {  	[sflag:s0] =	ssyncadd.remote.s32 $0x1  }
0xc6: {  	_ =	sfence.sel $0xFFFF  }
0xc7: {  	[dreg:$0x0] =	wrdreg $0xFFFFFFFF;
	(pc) =	sbr.abs _section_cstart, $3  }
0xc8: {  	[dreg:$0x1] =	wrdreg $0xFFFFFFFF  }
0xc9: {  	_ =	task.clear_ibuf [dreg:s8], $0x2FFFF;
	_ =	strace $0x9FFFFFFF  }
0xca: {  	(tm) =	ssettm $0x7FFFFFFF  }
0xcb: {  	_ =	shalt  }
tec
execute0_lowered:
.L_overlay_start_1:
0x0: {  	(tag) =	ssettag $0x1  }
0x1: {  	s1 =	rddreg [dreg:$0x0]  }
0x2: {  	s0 =	rddreg [dreg:$0x1]  }
0x3: {  	s4 =	rddreg [dreg:$0x2]  }
0x4: {  	s2 =	rddreg [dreg:$0x3]  }
0x5: {  	s3 =	simm.s32 $0x0;
	s15 =	stileid.u32;
	s10 =	srdreg.scid  }
0x6: {  	[smem:$0x7FF] =	sst s3;
	s11 =	smul.u32 $0x7D000, s15  }
0x7: {  	s5 =	sadd.s32 $0xBE00, s0;
	s6 =	sadd.s32 $0x2000, s0;
	s7 =	sadd.s32 $0x3CE00, s0  }
0x8: {  	s8 =	sadd.s32 $0x15C00, s0;
	s9 =	sadd.s32 $0x64000, s0;
	s11 =	sshrl.u32 s11, $0x2  }
0x9: {  	s31 =	sand.u32 $0x1, s10;
	_ =	strace $0x80000047;
	s16 =	sadd.s32 s11, s2  }
0xa: {  	s10 =	ssub.s32 $0x2, s31;
	s14 =	sadd.s32 $0x1400, s16;
	[dreg:$0x5] =	wrdreg s16  }
0xb: {  	s12 =	sshll.u32 s31, $0x4;
	s17 =	sadd.s32 $0x2800, s16;
	[dreg:$0x6] =	wrdreg s14  }
0xc: {  	s13 =	sshrl.u32 s10, $0x1;
	s18 =	sadd.s32 $0x3C00, s16;
	[dreg:$0x7] =	wrdreg s17  }
0xd: {  	s10 =	ssub.s32 s10, s13;
	s19 =	sadd.s32 $0x5000, s16;
	[dreg:$0x8] =	wrdreg s18  }
0xe: {  	s0 =	smul.u32 $0x138800, s31;
	s26 =	smax.u32 s10, $0x1;
	[dreg:$0x9] =	wrdreg s19  }
0xf: {  	s12 =	sor.u32 s15, s12;
	s28 =	sadd.s32 $0x7800, s16;
	[dreg:$0x12] =	wrdreg s26  }
0x10: {  	s11 =	smul.u32 $0x2710, s12;
	s31 =	sadd.s32 $0x8C00, s16;
	[dreg:$0x13] =	wrdreg s28  }
0x11: {  	s12 =	smul.u32 $0x27100, s12;
	s10 =	sadd.s32 $0xB400, s16;
	[dreg:$0x14] =	wrdreg s31  }
0x12: {  	s17 =	sadd.s32 $0x6400, s16;
	[dreg:$0x16] =	wrdreg s10  }
0x13: {  	p0 =	sgt.u32 s15, $0x9;
	s12 =	sadd.s32 s1, s12;
	[dreg:$0xa] =	wrdreg s17  }
0x14: {  	s14 =	smul.u32 $0x1F400, s15;
	s15 =	sadd.s32 $0x10400, s16;
	[dreg:$0xd] =	wrdreg s12  }
0x15: {  	s18 =	sadd.s32 $0x12C00, s16;
	[dreg:$0x1a] =	wrdreg s15  }
0x16: {  	s29 =	simm.s32 $0x5100;
	s26 =	sadd.s32 $0x1B800, s16;
	[dreg:$0x1c] =	wrdreg s18  }
0x17: {  	s30 =	simm.s32 $0x5180;
	s28 =	sadd.s32 $0x1CC00, s16;
	[smem:$0x7FB] =	sst s26  }
0x18: {  	s20 =	sshrl.u32 s11, $0x3;
	s31 =	sadd.s32 $0x1E000, s16;
	[smem:$0x7FC] =	sst s28  }
0x19: {  	s19 =	sadd.s32 $0x28, s11;
	s21 =	sadd.s32 s5, s20;
	[smem:$0x7FD] =	sst s31  }
0x1a: {  	s10 =	simm.s32 $0x9;
	s13 =	sadd.s32 s6, s20;
	[dreg:$0xb] =	wrdreg s21  }
0x1b: {  	s22 =	sshrl.u32 s19, $0x3;
	s12 =	sadd.s32 $0xC800, s16;
	[dreg:$0xc] =	wrdreg s13  }
0x1c: {  	s24 =	sshll.u32 s19, $0x4;
	s17 =	sadd.s32 $0x11800, s16;
	[dreg:$0x17] =	wrdreg s12  }
0x1d: {  	s20 =	sadd.s32 $0x14000, s16;
	s15 =	sadd.s32 $0x78, s11;
	[dreg:$0x1b] =	wrdreg s17  }
0x1e: {  	s18 =	simm.s32 $0xB600;
	s23 =	sadd.s32 s5, s22;
	[dreg:$0x1d] =	wrdreg s20  }
0x1f: {  	s0 =	sadd.s32 s14, s0;
	s25 =	sadd.s32 s6, s22;
	[dreg:$0xe] =	wrdreg s23  }
0x20: {  	s13 =	sadd.s32 $0xDC00, s16;
	s14 =	sadd.s32 $0xF000, s16;
	[dreg:$0x10] =	wrdreg s25  }
0x21: {  	s21 =	sadd.s32 $0x15400, s16;
	s22 =	sadd.s32 $0x16800, s16;
	[dreg:$0x18] =	wrdreg s13  }
0x22: {  	s12 =	simm.s32 $0x28;
	s20 =	simm.s32 $0x3;
	[dreg:$0x19] =	wrdreg s14  }
0x23: {  	s17 =	simm.s32 $0x0;
	s0 =	sshrl.u32 s0, $0x3;
	[dreg:$0x1e] =	wrdreg s21  }
0x24: {  	[dreg:$0x1f] =	wrdreg s22;
	s23 =	sadd.s32 $0x17C00, s16;
	s25 =	sadd.s32 $0x1A400, s16  }
0x25: {  	s14 =	sadd.s32 $0x50, s11;
	s13 =	simm.s32 $0x2;
	[smem:$0x7F8] =	sst s23  }
.Ltmp0:
0x26: {  	s0 =	sadd.s32 s4, s0;
	[smem:$0x7FA] =	sst s25;
	(pc) =	sbr.rel .LBB2_1-.Ltmp0, $4  }
0x27: {  	s22 =	simm.s32 $0x8;
	s4 =	sadd.s32 $0xA000, s16;
	[dreg:$0xf] =	wrdreg s0  }
0x28: {  	s23 =	simm.s32 $0xB680;
	s0 =	sadd.s32 s1, s24;
	[dreg:$0x15] =	wrdreg s4  }
0x29: {  	s25 =	simm.s32 $0x7;
	s24 =	sadd.s32 $0x19000, s16;
	[dreg:$0x11] =	wrdreg s0  }
0x2a: {  	v0 =	vimm.f32 $0.0e+00;
	s16 =	simm.s32 $0xA200;
	[smem:$0x7F9] =	sst s24;
	s24 =	simm.s32 $0x4  }
.LBB2_12:
0x2b: {  	s0 =	simm.s32 $0x5  }
0x2c: {  	_ =	swait.ge [sflag:s0], $0x1400  }
0x2d: {  	[sflag:s0] =	ssyncset.done $0x0  }
0x2e: {  	s26 =	simm.s32 $0x6;
	[sflag:s0] =	ssyncadd.s32 $0xFFFFEC00  }
0x2f: {  	_ =	swait.ge [sflag:s26], $0x1400  }
0x30: {  	[sflag:s26] =	ssyncset.done $0x0  }
0x31: {  	[sflag:s26] =	ssyncadd.s32 $0xFFFFEC00  }
0x32: {  	_ =	swait.ge [sflag:s25], $0x1400  }
0x33: {  	[sflag:s25] =	ssyncset.done $0x0  }
0x34: {  	[sflag:s25] =	ssyncadd.s32 $0xFFFFEC00  }
0x35: {  	s0 =	stileid.u32;
	[bflag:$0x0] =	sbarrier.arrive $0xFFFF  }
0x36: {  	s0 =	sshll.u32 @!p0 s0, $0x6;
	s4 =	rddreg [dreg:$0x5]  }
0x37: {  	s0 =	sor.u32 @!p0 $0x1C0A, s0;
	s17 =	rddreg [dreg:$0xf];
	s4 =	sshrl.u32 @!p0 s4, $0x3  }
0x38: {  	[hbm:s17], [sflag:s0] =	dma.local @!p0 [spmem:s4], $0x3E80  }
0x39: {  	s0 =	simm.s32 @!p0 $0xA  }
0x3a: {  	_ =	swait.ge @!p0 [sflag:s0], $0x3E80  }
0x3b: {  	s28 =	sld [smem:$0x7F7];
	_ =	sdelay $0x2  }
0x3c: {  	s31 =	rddreg [dreg:$0x12];
	s17 =	sadd.s32 $0x1, s28  }
0x3d: {  	p1 =	sne.s32 s17, s31  }
.Ltmp1:
0x3e: {  	_ = 	snop;
	(pc) =	sbr.rel @!p1 .LBB2_13-.Ltmp1, $3  }
0x3f: {  	_ =	sdelay $0x1  }
0x40: {  	[sflag:s0] =	ssyncset.done @!p0 $0x0  }
0x41: {  	[sflag:s0] =	ssyncadd.s32 @!p0 $0xFFFFC180  }
.LBB2_1:
0x42: {  	s0 =	simm.s32 $0x0;
	s4 =	simm.s32 $0x200  }
.LBB2_2:
0x43: {  	p1 =	sne.s32 s4, $0x4E00;
	[tilespmem:s0+$0xA270] =	vst v0  }
0x44: {  	[tilespmem:s0+$0xA200] =	vst v0  }
0x45: {  	[tilespmem:s0+$0xA210] =	vst v0  }
.Ltmp2:
0x46: {  	[tilespmem:s0+$0xA220] =	vst v0;
	(pc) =	sbr.rel @p1 .LBB2_2-.Ltmp2, $4  }
0x47: {  	[tilespmem:s0+$0xA230] =	vst v0  }
0x48: {  	[tilespmem:s0+$0xA240] =	vst v0  }
0x49: {  	[tilespmem:s0+$0xA250] =	vst v0  }
0x4a: {  	[tilespmem:s0+$0xA260] =	vst v0;
	s0 =	sshra.s32 s4, $0x2;
	s4 =	sadd.s32 $0x200, s4  }
0x4b: {  	[tilespmem:s0+$0xA270] =	vst v0  }
0x4c: {  	[tilespmem:s0+$0xA200] =	vst v0  }
0x4d: {  	[tilespmem:s0+$0xA210] =	vst v0  }
.Ltmp3:
0x4e: {  	[tilespmem:s0+$0xA220] =	vst v0;
	(pc) =	sbr.rel @p0 .LBB2_5-.Ltmp3, $4  }
0x4f: {  	[tilespmem:s0+$0xA230] =	vst v0  }
0x50: {  	[tilespmem:s0+$0xA240] =	vst v0  }
0x51: {  	[tilespmem:s0+$0xA250] =	vst v0  }
0x52: {  	[smem:$0x7F7] =	sst s17;
	[tilespmem:s0+$0xA260] =	vst v0  }
0x53: {  	s0 =	rddreg [dreg:$0x5];
	s4 =	simm.s32 $0xA  }
0x54: {  	[spmem:s0] =	stream.linear.scatter [tilespmem:s16], [sflag:$0xA], $0x1400, $0x38;
	[tilespmem:$0x1EF80] =	vst v63  }
0x55: {  	_ =	swait.ge [sflag:s4], $0x1400  }
0x56: {  	[sflag:s4] =	ssyncset.done $0x0  }
0x57: {  	s21 =	rddreg [dreg:$0x6];
	[sflag:s4] =	ssyncadd.s32 $0xFFFFEC00  }
0x58: {  	[spmem:s21] =	stream.linear.scatter [tilespmem:s16], [sflag:$0xA], $0x1400, $0x38;
	[tilespmem:$0x1EF80] =	vst v63  }
0x59: {  	_ =	swait.ge [sflag:s4], $0x1400  }
0x5a: {  	[sflag:s4] =	ssyncset.done $0x0  }
0x5b: {  	s26 =	rddreg [dreg:$0x7];
	[sflag:s4] =	ssyncadd.s32 $0xFFFFEC00  }
0x5c: {  	[spmem:s26] =	stream.linear.scatter [tilespmem:s16], [sflag:$0xA], $0x1400, $0x38;
	[tilespmem:$0x1EF80] =	vst v63  }
0x5d: {  	_ =	swait.ge [sflag:s4], $0x1400  }
0x5e: {  	[sflag:s4] =	ssyncset.done $0x0  }
0x5f: {  	s28 =	rddreg [dreg:$0x8];
	[sflag:s4] =	ssyncadd.s32 $0xFFFFEC00  }
0x60: {  	[spmem:s28] =	stream.linear.scatter [tilespmem:s16], [sflag:$0xA], $0x1400, $0x38;
	[tilespmem:$0x1EF80] =	vst v63  }
0x61: {  	_ =	swait.ge [sflag:s4], $0x1400  }
0x62: {  	[sflag:s4] =	ssyncset.done $0x0  }
0x63: {  	s31 =	rddreg [dreg:$0x9];
	[sflag:s4] =	ssyncadd.s32 $0xFFFFEC00  }
0x64: {  	[spmem:s31] =	stream.linear.scatter [tilespmem:s16], [sflag:$0xA], $0x1400, $0x38;
	[tilespmem:$0x1EF80] =	vst v63  }
0x65: {  	_ =	swait.ge [sflag:s4], $0x1400  }
0x66: {  	[sflag:s4] =	ssyncset.done $0x0  }
0x67: {  	s17 =	rddreg [dreg:$0xa];
	[sflag:s4] =	ssyncadd.s32 $0xFFFFEC00  }
0x68: {  	[spmem:s17] =	stream.linear.scatter [tilespmem:s16], [sflag:$0xA], $0x1400, $0x38;
	[tilespmem:$0x1EF80] =	vst v63  }
0x69: {  	_ =	swait.ge [sflag:s4], $0x1400  }
0x6a: {  	[sflag:s4] =	ssyncset.done $0x0  }
0x6b: {  	s21 =	rddreg [dreg:$0x13];
	[sflag:s4] =	ssyncadd.s32 $0xFFFFEC00  }
0x6c: {  	[spmem:s21] =	stream.linear.scatter [tilespmem:s16], [sflag:$0xA], $0x1400, $0x38;
	[tilespmem:$0x1EF80] =	vst v63  }
0x6d: {  	_ =	swait.ge [sflag:s4], $0x1400  }
0x6e: {  	[sflag:s4] =	ssyncset.done $0x0  }
0x6f: {  	s26 =	rddreg [dreg:$0x14];
	[sflag:s4] =	ssyncadd.s32 $0xFFFFEC00  }
0x70: {  	[spmem:s26] =	stream.linear.scatter [tilespmem:s16], [sflag:$0xA], $0x1400, $0x38;
	[tilespmem:$0x1EF80] =	vst v63  }
0x71: {  	_ =	swait.ge [sflag:s4], $0x1400  }
0x72: {  	[sflag:s4] =	ssyncset.done $0x0  }
0x73: {  	s28 =	rddreg [dreg:$0x15];
	[sflag:s4] =	ssyncadd.s32 $0xFFFFEC00  }
0x74: {  	[spmem:s28] =	stream.linear.scatter [tilespmem:s16], [sflag:$0xA], $0x1400, $0x38;
	[tilespmem:$0x1EF80] =	vst v63  }
0x75: {  	_ =	swait.ge [sflag:s4], $0x1400  }
0x76: {  	[sflag:s4] =	ssyncset.done $0x0  }
0x77: {  	s31 =	rddreg [dreg:$0x16];
	[sflag:s4] =	ssyncadd.s32 $0xFFFFEC00  }
0x78: {  	[spmem:s31] =	stream.linear.scatter [tilespmem:s16], [sflag:$0xA], $0x1400, $0x38;
	[tilespmem:$0x1EF80] =	vst v63  }
0x79: {  	_ =	swait.ge [sflag:s4], $0x1400  }
0x7a: {  	[sflag:s4] =	ssyncset.done $0x0  }
0x7b: {  	s17 =	rddreg [dreg:$0x17];
	[sflag:s4] =	ssyncadd.s32 $0xFFFFEC00  }
0x7c: {  	[spmem:s17] =	stream.linear.scatter [tilespmem:s16], [sflag:$0xA], $0x1400, $0x38;
	[tilespmem:$0x1EF80] =	vst v63  }
0x7d: {  	_ =	swait.ge [sflag:s4], $0x1400  }
0x7e: {  	[sflag:s4] =	ssyncset.done $0x0  }
0x7f: {  	s21 =	rddreg [dreg:$0x18];
	[sflag:s4] =	ssyncadd.s32 $0xFFFFEC00  }
0x80: {  	[spmem:s21] =	stream.linear.scatter [tilespmem:s16], [sflag:$0xA], $0x1400, $0x38;
	[tilespmem:$0x1EF80] =	vst v63  }
0x81: {  	_ =	swait.ge [sflag:s4], $0x1400  }
0x82: {  	[sflag:s4] =	ssyncset.done $0x0  }
0x83: {  	s26 =	rddreg [dreg:$0x19];
	[sflag:s4] =	ssyncadd.s32 $0xFFFFEC00  }
0x84: {  	[spmem:s26] =	stream.linear.scatter [tilespmem:s16], [sflag:$0xA], $0x1400, $0x38;
	[tilespmem:$0x1EF80] =	vst v63  }
0x85: {  	_ =	swait.ge [sflag:s4], $0x1400  }
0x86: {  	[sflag:s4] =	ssyncset.done $0x0  }
0x87: {  	s28 =	rddreg [dreg:$0x1a];
	[sflag:s4] =	ssyncadd.s32 $0xFFFFEC00  }
0x88: {  	[spmem:s28] =	stream.linear.scatter [tilespmem:s16], [sflag:$0xA], $0x1400, $0x38;
	[tilespmem:$0x1EF80] =	vst v63  }
0x89: {  	_ =	swait.ge [sflag:s4], $0x1400  }
0x8a: {  	[sflag:s4] =	ssyncset.done $0x0  }
0x8b: {  	s31 =	rddreg [dreg:$0x1b];
	[sflag:s4] =	ssyncadd.s32 $0xFFFFEC00  }
0x8c: {  	[spmem:s31] =	stream.linear.scatter [tilespmem:s16], [sflag:$0xA], $0x1400, $0x38;
	[tilespmem:$0x1EF80] =	vst v63  }
0x8d: {  	_ =	swait.ge [sflag:s4], $0x1400  }
0x8e: {  	[sflag:s4] =	ssyncset.done $0x0  }
0x8f: {  	s17 =	rddreg [dreg:$0x1c];
	[sflag:s4] =	ssyncadd.s32 $0xFFFFEC00  }
0x90: {  	[spmem:s17] =	stream.linear.scatter [tilespmem:s16], [sflag:$0xA], $0x1400, $0x38;
	[tilespmem:$0x1EF80] =	vst v63  }
0x91: {  	_ =	swait.ge [sflag:s4], $0x1400  }
0x92: {  	[sflag:s4] =	ssyncset.done $0x0  }
0x93: {  	s21 =	rddreg [dreg:$0x1d];
	[sflag:s4] =	ssyncadd.s32 $0xFFFFEC00  }
0x94: {  	[spmem:s21] =	stream.linear.scatter [tilespmem:s16], [sflag:$0xA], $0x1400, $0x38;
	[tilespmem:$0x1EF80] =	vst v63  }
0x95: {  	_ =	swait.ge [sflag:s4], $0x1400  }
0x96: {  	[sflag:s4] =	ssyncset.done $0x0  }
0x97: {  	s26 =	rddreg [dreg:$0x1e];
	[sflag:s4] =	ssyncadd.s32 $0xFFFFEC00  }
0x98: {  	[spmem:s26] =	stream.linear.scatter [tilespmem:s16], [sflag:$0xA], $0x1400, $0x38;
	[tilespmem:$0x1EF80] =	vst v63  }
0x99: {  	_ =	swait.ge [sflag:s4], $0x1400  }
0x9a: {  	[sflag:s4] =	ssyncset.done $0x0  }
0x9b: {  	s28 =	rddreg [dreg:$0x1f];
	[sflag:s4] =	ssyncadd.s32 $0xFFFFEC00  }
0x9c: {  	[spmem:s28] =	stream.linear.scatter [tilespmem:s16], [sflag:$0xA], $0x1400, $0x38;
	[tilespmem:$0x1EF80] =	vst v63  }
0x9d: {  	_ =	swait.ge [sflag:s4], $0x1400  }
0x9e: {  	s31 =	sld [smem:$0x7F8]  }
0x9f: {  	[sflag:s4] =	ssyncset.done $0x0  }
0xa0: {  	[sflag:s4] =	ssyncadd.s32 $0xFFFFEC00  }
0xa1: {  	[spmem:s31] =	stream.linear.scatter [tilespmem:s16], [sflag:$0xA], $0x1400, $0x38;
	[tilespmem:$0x1EF80] =	vst v63  }
0xa2: {  	_ =	swait.ge [sflag:s4], $0x1400  }
0xa3: {  	s17 =	sld [smem:$0x7F9]  }
0xa4: {  	[sflag:s4] =	ssyncset.done $0x0  }
0xa5: {  	[sflag:s4] =	ssyncadd.s32 $0xFFFFEC00  }
0xa6: {  	[spmem:s17] =	stream.linear.scatter [tilespmem:s16], [sflag:$0xA], $0x1400, $0x38;
	[tilespmem:$0x1EF80] =	vst v63  }
0xa7: {  	_ =	swait.ge [sflag:s4], $0x1400  }
0xa8: {  	s21 =	sld [smem:$0x7FA]  }
0xa9: {  	[sflag:s4] =	ssyncset.done $0x0  }
0xaa: {  	[sflag:s4] =	ssyncadd.s32 $0xFFFFEC00  }
0xab: {  	[spmem:s21] =	stream.linear.scatter [tilespmem:s16], [sflag:$0xA], $0x1400, $0x38;
	[tilespmem:$0x1EF80] =	vst v63  }
0xac: {  	_ =	swait.ge [sflag:s4], $0x1400  }
0xad: {  	s26 =	sld [smem:$0x7FB]  }
0xae: {  	[sflag:s4] =	ssyncset.done $0x0  }
0xaf: {  	[sflag:s4] =	ssyncadd.s32 $0xFFFFEC00  }
0xb0: {  	[spmem:s26] =	stream.linear.scatter [tilespmem:s16], [sflag:$0xA], $0x1400, $0x38;
	[tilespmem:$0x1EF80] =	vst v63  }
0xb1: {  	_ =	swait.ge [sflag:s4], $0x1400  }
0xb2: {  	s28 =	sld [smem:$0x7FC]  }
0xb3: {  	[sflag:s4] =	ssyncset.done $0x0  }
0xb4: {  	[sflag:s4] =	ssyncadd.s32 $0xFFFFEC00  }
0xb5: {  	[spmem:s28] =	stream.linear.scatter [tilespmem:s16], [sflag:$0xA], $0x1400, $0x38;
	[tilespmem:$0x1EF80] =	vst v63  }
0xb6: {  	_ =	swait.ge [sflag:s4], $0x1400  }
0xb7: {  	s31 =	sld [smem:$0x7FD]  }
0xb8: {  	[sflag:s4] =	ssyncset.done $0x0  }
0xb9: {  	[sflag:s4] =	ssyncadd.s32 $0xFFFFEC00  }
0xba: {  	[spmem:s31] =	stream.linear.scatter [tilespmem:s16], [sflag:$0xA], $0x1400, $0x38;
	[tilespmem:$0x1EF80] =	vst v63  }
0xbb: {  	_ =	swait.ge [sflag:s4], $0x1400  }
0xbc: {  	[sflag:s4] =	ssyncset.done $0x0  }
0xbd: {  	[sflag:s4] =	ssyncadd.s32 $0xFFFFEC00  }
.LBB2_5:
0xbe: {  	[bflag:$0x0] =	sbarrier.arrive $0xFFFF  }
0xbf: {  	s0 =	simm.s32 $0x0;
	s4 =	rddreg [dreg:$0xb]  }
0xc0: {  	[tilespmem:s0], [sflag:$0x1] =	stream.linear.gather [hbm4b:s4+s0], $0x28, $0x38;
	[tilespmem:$0x1EF80] =	vst v63  }
0xc1: {  	s17 =	simm.s32 $0x80;
	s28 =	rddreg [dreg:$0xc]  }
0xc2: {  	[tilespmem:s17], [sflag:$0x1] =	stream.linear.gather [hbm4b:s28+s0], $0x28, $0x38;
	[tilespmem:$0x1EF80] =	vst v63  }
0xc3: {  	s21 =	simm.s32 $0x100;
	s31 =	rddreg [dreg:$0xd]  }
0xc4: {  	[tilespmem:s21], [sflag:$0x1] =	stream.linear.gather [hbm4b:s31+s0], $0x1400, $0x38;
	[tilespmem:$0x1EF80] =	vst v63  }
0xc5: {  	s21 =	rddreg [dreg:$0xe]  }
0xc6: {  	[tilespmem:s29], [sflag:$0x2] =	stream.linear.gather [hbm4b:s21+s0], $0x28, $0x38;
	[tilespmem:$0x1EF80] =	vst v63  }
0xc7: {  	s26 =	rddreg [dreg:$0x10]  }
0xc8: {  	[tilespmem:s30], [sflag:$0x2] =	stream.linear.gather [hbm4b:s26+s0], $0x28, $0x38;
	[tilespmem:$0x1EF80] =	vst v63  }
0xc9: {  	s28 =	rddreg [dreg:$0x11];
	s31 =	simm.s32 $0x5200;
	s26 =	simm.s32 $0x1  }
0xca: {  	[tilespmem:s31], [sflag:$0x2] =	stream.linear.gather [hbm4b:s28+s0], $0x1400, $0x38;
	[tilespmem:$0x1EF80] =	vst v63  }
0xcb: {  	_ =	swait.ge [sflag:s26], $0x28  }
0xcc: {  	[sflag:s26] =	ssyncset.done $0x0  }
0xcd: {  	[sflag:s26] =	ssyncadd.s32 $0xFFFFFFD8  }
0xce: {  	_ =	swait.ge [sflag:s26], $0x28  }
0xcf: {  	[sflag:s26] =	ssyncset.done $0x0  }
0xd0: {  	[sflag:s26] =	ssyncadd.s32 $0xFFFFFFD8  }
0xd1: {  	_ =	swait.ge [sflag:s26], $0x1400  }
0xd2: {  	[sflag:s26] =	ssyncset.done $0x0  }
0xd3: {  	s28 =	simm.s32 $0x1500;
	[sflag:s26] =	ssyncadd.s32 $0xFFFFEC00  }
0xd4: {  	[tilespmem:s28], [sflag:$0x3] =	stream.indirect.gather [hbm4b:s7+s12], $0x80, s17, s12, $0xb8;
	[tilespmem:$0x1EF80] =	vst v63  }
0xd5: {  	s31 =	simm.s32 $0x2900  }
0xd6: {  	[tilespmem:s31], [sflag:$0x3] =	stream.indirect.gather [hbm4b:s8+s12], $0x80, s0, s12, $0xb8;
	[tilespmem:$0x1EF80] =	vst v63  }
.LBB2_6:
0xd7: {  	p1 =	seq.s32 s0, $0x0  }
0xd8: {  	s4 =	simm.s32 @!p1 $0x6  }
0xd9: {  	_ =	swait.ge @!p1 [sflag:s4], $0x1400  }
0xda: {  	[sflag:s4] =	ssyncset.done @!p1 $0x0  }
0xdb: {  	[sflag:s4] =	ssyncadd.s32 @!p1 $0xFFFFEC00  }
0xdc: {  	_ =	swait.ge [sflag:s13], $0x28  }
0xdd: {  	[sflag:s13] =	ssyncset.done $0x0  }
0xde: {  	[sflag:s13] =	ssyncadd.s32 $0xFFFFFFD8  }
0xdf: {  	_ =	swait.ge [sflag:s13], $0x28  }
0xe0: {  	[sflag:s13] =	ssyncset.done $0x0  }
0xe1: {  	[sflag:s13] =	ssyncadd.s32 $0xFFFFFFD8  }
0xe2: {  	s31 =	smul.u32 $0x50, s0;
	_ =	swait.ge [sflag:s13], $0x1400  }
0xe3: {  	[sflag:s13] =	ssyncset.done $0x0  }
0xe4: {  	s21 =	simm.s32 $0x6600;
	s4 =	sadd.s32 s11, s31;
	[sflag:s13] =	ssyncadd.s32 $0xFFFFEC00  }
0xe5: {  	[tilespmem:s21], [sflag:$0x4] =	stream.indirect.gather [hbm4b:s7+s12], $0x80, s30, s12, $0xb8;
	[tilespmem:$0x1EF80] =	vst v63  }
0xe6: {  	s26 =	simm.s32 $0x7A00;
	s17 =	sshrl.u32 s4, $0x3  }
0xe7: {  	[tilespmem:s26], [sflag:$0x4] =	stream.indirect.gather [hbm4b:s8+s12], $0x80, s29, s12, $0xb8;
	[tilespmem:$0x1EF80] =	vst v63  }
0xe8: {  	s17 =	sadd.s32 s5, s17  }
0xe9: {  	[tilespmem:s18], [sflag:$0x8] =	stream.linear.gather [hbm4b:s17+s3], $0x28, $0x38;
	[tilespmem:$0x1EF80] =	vst v63  }
0xea: {  	_ =	swait.ge [sflag:s20], $0x1400  }
0xeb: {  	[sflag:s20] =	ssyncset.done $0x0  }
0xec: {  	[sflag:s20] =	ssyncadd.s32 $0xFFFFEC00  }
0xed: {  	_ =	swait.ge [sflag:s20], $0x1400  }
0xee: {  	[sflag:s20] =	ssyncset.done $0x0  }
0xef: {  	s17 =	simm.s32 @!p1 $0x7;
	[sflag:s20] =	ssyncadd.s32 $0xFFFFEC00  }
0xf0: {  	_ =	swait.ge @!p1 [sflag:s17], $0x1400  }
0xf1: {  	[sflag:s17] =	ssyncset.done @!p1 $0x0  }
0xf2: {  	s21 =	simm.s32 $0x0;
	[sflag:s17] =	ssyncadd.s32 @!p1 $0xFFFFEC00  }
0xf3: {  	v1 =	vld [tilespmem:s21+$0x170]  }
0xf4: {  	v2 =	vld [tilespmem:s21+$0x160]  }
0xf5: {  	v3 =	vld [tilespmem:s21+$0x150]  }
0xf6: {  	v5 =	vld [tilespmem:s21+$0x140]  }
0xf7: {  	v7 =	vld [tilespmem:s21+$0x130]  }
0xf8: {  	v8 =	vld [tilespmem:s21+$0x120]  }
0xf9: {  	v9 =	vld [tilespmem:s21+$0x110]  }
0xfa: {  	v10 =	vld [tilespmem:s21+$0x100]  }
0xfb: {  	v6 =	vld [tilespmem:s21+$0x2930]  }
0xfc: {  	v13 =	vld [tilespmem:s21+$0x1520]  }
0xfd: {  	v11 =	vld [tilespmem:s21+$0x1530]  }
0xfe: {  	v12 =	vld [tilespmem:s21+$0x1540]  }
0xff: {  	v14 =	vld [tilespmem:s21+$0x1550]  }
0x100: {  	v15 =	vld [tilespmem:s21+$0x1560]  }
0x101: {  	v16 =	vld [tilespmem:s21+$0x1570]  }
0x102: {  	v17 =	vld [tilespmem:s21+$0x2920]  }
0x103: {  	v19 =	vld [tilespmem:s21+$0x2960]  }
0x104: {  	v18 =	vld [tilespmem:s21+$0x2950]  }
0x105: {  	v22 =	vld [tilespmem:s21+$0x2940];
	v21 =	vunpack.i.u.bf16.f32 v14  }
0x106: {  	v20 =	vld [tilespmem:s21+$0x2970];
	v24 =	vunpack.i.l.bf16.f32 v16;
	v7 =	vsub.f32 $0.0e+00, v7;
	v6 =	vadd.f32 v6, v21  }
0x107: {  	v25 =	vunpack.i.u.bf16.f32 v15;
	v1 =	vsub.f32 $0.0e+00, v1;
	v15 =	vunpack.i.l.bf16.f32 v15;
	v21 =	vld [tilespmem:s21+$0x2900]  }
0x108: {  	s17 =	simm.s32 $0x80;
	v23 =	vld [tilespmem:s21+$0x2910];
	v8 =	vsub.f32 $0.0e+00, v8;
	v19 =	vadd.f32 v19, v24;
	v7 =	vmul.f32 $1.442695020e+00, v7;
	[tilespmem:s21+$0x3D30] =	vst v6  }
0x109: {  	v10 =	vsub.f32 $0.0e+00, v10;
	v18 =	vadd.f32 v18, v25;
	v1 =	vmul.f32 $1.442695020e+00, v1;
	v24 =	vld [tilespmem:s17+$0x170]  }
0x10a: {  	v5 =	vsub.f32 $0.0e+00, v5;
	v15 =	vadd.f32 v22, v15;
	v26 =	vld [tilespmem:s17+$0x160];
	[tilespmem:s21+$0x3D60] =	vst v19;
	(erf) = vpow2.f32 v7  }
0x10b: {  	v8 =	vmul.f32 $1.442695020e+00, v8;
	v19 =	vld [tilespmem:s17+$0x150];
	[tilespmem:s21+$0x3D50] =	vst v18;
	v18 =	vunpack.i.l.bf16.f32 v12;
	(erf) = vpow2.f32 v1  }
0x10c: {  	v9 =	vsub.f32 $0.0e+00, v9;
	v10 =	vmul.f32 $1.442695020e+00, v10;
	v6 =	vld [tilespmem:s21+$0x1500];
	v7 =	vadd.f32 v21, v18  }
0x10d: {  	v1 =	vmul.f32 $1.442695020e+00, v5;
	v22 =	vld [tilespmem:s17+$0x140];
	[tilespmem:s21+$0x3D40] =	vst v15;
	(erf) = vpow2.f32 v8  }
0x10e: {  	v3 =	vsub.f32 $0.0e+00, v3;
	v5 =	vmul.f32 $1.442695020e+00, v9;
	v15 =	vld [tilespmem:s17+$0x130];
	(erf) = vpow2.f32 v10;
	[tilespmem:s21+$0x3D00] =	vst v7  }
0x10f: {  	v2 =	vsub.f32 $0.0e+00, v2;
	v33 =	vunpack.i.u.bf16.f32 v11;
	(erf) = vpow2.f32 v1;
	v21 =	vld [tilespmem:s17+$0x120]  }
0x110: {  	v11 =	vunpack.i.l.bf16.f32 v11;
	v3 =	vmul.f32 $1.442695020e+00, v3;
	v10 =	vld [tilespmem:s17+$0x110];
	(erf) = vpow2.f32 v5  }
0x111: {  	v8 =	vunpack.i.l.bf16.f32 v13;
	v1 =	vunpack.i.u.bf16.f32 v16;
	v7 =	vunpack.i.u.bf16.f32 v12;
	v25 =	vld [tilespmem:s17+$0x100]  }
0x112: {  	v12 =	vunpack.i.l.bf16.f32 v14;
	v29 =	vld [tilespmem:s17+$0x2930];
	v5 =	vmul.f32 $1.442695020e+00, v2;
	v16 =	vadd.f32 v20, v1  }
0x113: {  	v2 =	vld [tilespmem:s17+$0x1520];
	v7 =	vadd.f32 v23, v7;
	v12 =	vadd.f32 v17, v12;
	v9 =	vpop (erf);
	(erf) = vpow2.f32 v3  }
0x114: {  	v13 =	vunpack.i.u.bf16.f32 v13;
	v1 =	vld [tilespmem:s17+$0x1510];
	v17 =	vsub.f32 $0.0e+00, v22;
	v14 =	vadd.f32 $1.000000000e+00, v9;
	v18 =	vpop (erf)  }
0x115: {  	v15 =	vsub.f32 $0.0e+00, v15;
	v3 =	vld [tilespmem:s17+$0x1530];
	(erf) = vpow2.f32 v5;
	v18 =	vadd.f32 $1.000000000e+00, v18  }
0x116: {  	v19 =	vsub.f32 $0.0e+00, v19;
	v22 =	vsub.f32 $0.0e+00, v26;
	v9 =	vld [tilespmem:s17+$0x1540];
	[tilespmem:s21+$0x3D10] =	vst v7;
	v20 =	vpop (erf);
	(erf) = vrcp.f32 v14  }
0x117: {  	v7 =	vld [tilespmem:s17+$0x1550];
	v14 =	vmul.f32 $1.442695020e+00, v17;
	v17 =	vadd.f32 $1.000000000e+00, v20;
	v20 =	vpop (erf);
	(erf) = vrcp.f32 v18  }
0x118: {  	v4 =	vld [tilespmem:s21+$0x1510];
	v10 =	vsub.f32 $0.0e+00, v10;
	[tilespmem:s21+$0x3D20] =	vst v12;
	v12 =	vmul.f32 $1.442695020e+00, v19;
	v19 =	vsub.f32 $0.0e+00, v24;
	v23 =	vpop (erf)  }
0x119: {  	v5 =	vunpack.i.u.bf16.f32 v6;
	v31 =	vmul.f32 $1.442695020e+00, v15;
	v18 =	vld [tilespmem:s17+$0x1560];
	v26 =	vadd.f32 $1.000000000e+00, v20;
	[tilespmem:s21+$0x3D70] =	vst v16;
	v15 =	vpop (erf)  }
0x11a: {  	v24 =	vmul.f32 $1.442695020e+00, v19;
	v20 =	vmul.f32 $1.442695020e+00, v10;
	v10 =	vld [tilespmem:s17+$0x2920];
	v19 =	vadd.f32 $1.000000000e+00, v15  }
0x11b: {  	v21 =	vsub.f32 $0.0e+00, v21;
	v25 =	vsub.f32 $0.0e+00, v25;
	v16 =	vmul.f32 $1.442695020e+00, v22;
	v15 =	vld [tilespmem:s17+$0x1570]  }
0x11c: {  	v22 =	vadd.f32 $1.000000000e+00, v23;
	v34 =	vld [tilespmem:s17+$0x2950];
	v32 =	vunpack.i.u.bf16.f32 v7;
	v23 =	vpop (erf);
	(erf) = vrcp.f32 v19  }
0x11d: {  	v27 =	vmul.f32 $1.442695020e+00, v21;
	v28 =	vld [tilespmem:s17+$0x2960];
	v37 =	vadd.f32 v29, v32;
	(erf) = vrcp.f32 v26  }
0x11e: {  	v30 =	vld [tilespmem:s17+$0x2940];
	v19 =	vpop (erf);
	v26 =	vunpack.i.l.bf16.f32 v9;
	v36 =	vadd.f32 $1.000000000e+00, v23;
	(erf) = vrcp.f32 v22  }
0x11f: {  	v23 =	vunpack.i.u.bf16.f32 v4;
	v35 =	vadd.f32 $1.000000000e+00, v19;
	v19 =	vld [tilespmem:s17+$0x2970];
	v21 =	vpop (erf);
	(erf) = vpow2.f32 v31  }
0x120: {  	v29 =	vld [tilespmem:s17+$0x2900];
	v32 =	vunpack.i.l.bf16.f32 v15;
	v31 =	vunpack.i.u.bf16.f32 v18;
	(erf) = vrcp.f32 v36;
	v63 =	vpop (erf)  }
0x121: {  	s28 =	simm.s32 $0x400;
	[tilespmem:s17+$0x3D30] =	vst v37;
	v22 =	vld [tilespmem:s17+$0x2910];
	v31 =	vadd.f32 v34, v31;
	v33 =	vmul.f32 v63, v33;
	(erf) = vrcp.f32 v35  }
.LBB2_7:
0x122: {  	s26 =	sshra.s32 s28, $0x2;
	p1 =	sne.s32 s28, $0x4E00;
	s28 =	sadd.s32 $0x200, s28;
	v34 =	vld [tilespmem:s17+$0x1500];
	v35 =	vmul.f32 $1.442695020e+00, v25;
	v28 =	vadd.f32 v28, v32;
	(erf) = vrcp.f32 v17  }
0x123: {  	v17 =	vunpack.i.l.bf16.f32 v18;
	v15 =	vunpack.i.u.bf16.f32 v15;
	v32 =	vld [tilespmem:s26+$0x170];
	(erf) = vpow2.f32 v24;
	[tilespmem:s21+$0xA270] =	vst v33  }
0x124: {  	v15 =	vadd.f32 v19, v15;
	v18 =	vld [tilespmem:s26+$0x160];
	v17 =	vadd.f32 v30, v17;
	[tilespmem:s17+$0x3D60] =	vst v28;
	(erf) = vpow2.f32 v27  }
0x125: {  	v9 =	vunpack.i.u.bf16.f32 v9;
	v19 =	vld [tilespmem:s26+$0x150];
	v24 =	vadd.f32 v29, v26;
	[tilespmem:s17+$0x3D50] =	vst v31;
	(erf) = vpow2.f32 v35;
	v25 =	vpop (erf)  }
0x126: {  	v6 =	vunpack.i.l.bf16.f32 v6;
	v26 =	vld [tilespmem:s26+$0x140];
	[tilespmem:s17+$0x3D40] =	vst v17;
	(erf) = vpow2.f32 v14;
	v5 =	vmul.f32 v25, v5;
	v14 =	vpop (erf)  }
0x127: {  	v25 =	vunpack.i.l.bf16.f32 v2;
	v17 =	vld [tilespmem:s26+$0x130];
	[tilespmem:s17+$0x3D00] =	vst v24;
	(erf) = vpow2.f32 v20;
	v24 =	vmul.f32 v14, v6;
	v14 =	vpop (erf)  }
0x128: {  	v21 =	vmul.f32 v21, v23;
	v22 =	vadd.f32 v22, v9;
	v20 =	vld [tilespmem:s26+$0x120];
	v9 =	vpop (erf);
	[tilespmem:s21+$0xA210] =	vst v5;
	v28 =	vmul.f32 v14, v8  }
0x129: {  	v4 =	vunpack.i.l.bf16.f32 v4;
	v5 =	vunpack.i.u.bf16.f32 v34;
	v14 =	vunpack.i.l.bf16.f32 v7;
	v23 =	vld [tilespmem:s26+$0x110];
	[tilespmem:s21+$0xA200] =	vst v24;
	v6 =	vpop (erf)  }
0x12a: {  	v10 =	vadd.f32 v10, v14;
	v27 =	vld [tilespmem:s26+$0x100];
	(erf) = vpow2.f32 v12;
	[tilespmem:s21+$0xA230] =	vst v21;
	v6 =	vmul.f32 v6, v13;
	v7 =	vpop (erf)  }
0x12b: {  	v9 =	vadd.f32 $1.000000000e+00, v9;
	v29 =	vld [tilespmem:s26+$0x2930];
	(erf) = vpow2.f32 v16;
	[tilespmem:s21+$0xA240] =	vst v28;
	v7 =	vmul.f32 v7, v11;
	v8 =	vpop (erf)  }
0x12c: {  	v12 =	vsub.f32 $0.0e+00, v26;
	v11 =	vsub.f32 $0.0e+00, v17;
	v21 =	vld [tilespmem:s26+$0x1520];
	v13 =	vpop (erf);
	v4 =	vmul.f32 v8, v4;
	[tilespmem:s21+$0xA250] =	vst v6  }
0x12d: {  	v24 =	vsub.f32 $0.0e+00, v19;
	v16 =	vld [tilespmem:s26+$0x1510];
	v8 =	vadd.f32 $1.000000000e+00, v13;
	v13 =	vpop (erf);
	(erf) = vrcp.f32 v9;
	[tilespmem:s21+$0xA260] =	vst v7  }
0x12e: {  	v26 =	vsub.f32 $0.0e+00, v18;
	v14 =	vmul.f32 $1.442695020e+00, v12;
	v19 =	vld [tilespmem:s26+$0x1530];
	v17 =	vadd.f32 $1.000000000e+00, v13;
	v13 =	vpop (erf);
	[tilespmem:s21+$0xA220] =	vst v4;
	s21 =	smov.u32 s17;
	s17 =	smov.u32 s26  }
0x12f: {  	v32 =	vsub.f32 $0.0e+00, v32;
	v12 =	vmul.f32 $1.442695020e+00, v24;
	v9 =	vld [tilespmem:s17+$0x1540];
	[tilespmem:s21+$0x3D10] =	vst v22;
	v22 =	vpop (erf);
	(erf) = vrcp.f32 v8  }
0x130: {  	v35 =	vsub.f32 $0.0e+00, v23;
	v31 =	vmul.f32 $1.442695020e+00, v11;
	v30 =	vadd.f32 $1.000000000e+00, v13;
	v7 =	vld [tilespmem:s17+$0x1550];
	[tilespmem:s21+$0x3D20] =	vst v10;
	v6 =	vpop (erf)  }
0x131: {  	v24 =	vmul.f32 $1.442695020e+00, v32;
	v13 =	vsub.f32 $0.0e+00, v20;
	v18 =	vld [tilespmem:s17+$0x1560];
	v28 =	vadd.f32 $1.000000000e+00, v6;
	[tilespmem:s21+$0x3D70] =	vst v15;
	v6 =	vmovc v34;
	v8 =	vmovc v25  }
0x132: {  	v33 =	vunpack.i.u.bf16.f32 v3;
	v20 =	vmul.f32 $1.442695020e+00, v35;
	v4 =	vmovc v1;
	v25 =	vsub.f32 $0.0e+00, v27;
	v15 =	vld [tilespmem:s17+$0x1570];
	v1 =	vmovc v16  }
0x133: {  	v11 =	vunpack.i.l.bf16.f32 v3;
	v22 =	vadd.f32 $1.000000000e+00, v22;
	v16 =	vmul.f32 $1.442695020e+00, v26;
	v10 =	vld [tilespmem:s17+$0x2920];
	v23 =	vpop (erf)  }
0x134: {  	v27 =	vmul.f32 $1.442695020e+00, v13;
	v13 =	vunpack.i.u.bf16.f32 v2;
	v34 =	vld [tilespmem:s17+$0x2950];
	(erf) = vrcp.f32 v28;
	v2 =	vpop (erf)  }
.Ltmp4:
0x135: {  	v3 =	vmovc v19;
	v32 =	vunpack.i.u.bf16.f32 v7;
	v28 =	vld [tilespmem:s17+$0x2960];
	v35 =	vadd.f32 $1.000000000e+00, v2;
	(erf) = vrcp.f32 v30;
	v2 =	vmovc v21;
	(pc) =	sbr.rel @p1 .LBB2_7-.Ltmp4, $4  }
0x136: {  	v26 =	vunpack.i.l.bf16.f32 v9;
	v38 =	vadd.f32 $1.000000000e+00, v23;
	v19 =	vld [tilespmem:s17+$0x2970];
	v21 =	vpop (erf);
	(erf) = vrcp.f32 v22  }
0x137: {  	v23 =	vunpack.i.u.bf16.f32 v4;
	v37 =	vadd.f32 v29, v32;
	v30 =	vld [tilespmem:s17+$0x2940];
	(erf) = vpow2.f32 v31  }
0x138: {  	v31 =	vunpack.i.u.bf16.f32 v18;
	v32 =	vunpack.i.l.bf16.f32 v15;
	v29 =	vld [tilespmem:s17+$0x2900];
	(erf) = vrcp.f32 v38;
	v36 =	vpop (erf)  }
0x139: {  	v22 =	vld [tilespmem:s17+$0x2910];
	[tilespmem:s17+$0x3D30] =	vst v37;
	v31 =	vadd.f32 v34, v31;
	v33 =	vmul.f32 v36, v33;
	(erf) = vrcp.f32 v35  }
0x13a: {  	(erf) = vrcp.f32 v17;
	v17 =	vmul.f32 $1.442695020e+00, v25;
	_ =	sdelay $0x1  }
0x13b: {  	(erf) = vpow2.f32 v24  }
0x13c: {  	(erf) = vpow2.f32 v27  }
0x13d: {  	(erf) = vpow2.f32 v17;
	v17 =	vpop (erf)  }
0x13e: {  	(erf) = vpow2.f32 v14;
	v14 =	vpop (erf)  }
0x13f: {  	(erf) = vpow2.f32 v20;
	v20 =	vpop (erf)  }
0x140: {  	v24 =	vpop (erf)  }
0x141: {  	v25 =	vpop (erf)  }
0x142: {  	v27 =	vpop (erf);
	(erf) = vpow2.f32 v12  }
0x143: {  	v12 =	vpop (erf);
	(erf) = vpow2.f32 v16  }
0x144: {  	v28 =	vadd.f32 v28, v32;
	v16 =	vpop (erf)  }
0x145: {  	v34 =	vpop (erf)  }
0x146: {  	v35 =	vld [tilespmem:s17+$0x1500];
	v18 =	vunpack.i.l.bf16.f32 v18;
	[tilespmem:s21+$0xA270] =	vst v33;
	v58 =	vpop (erf)  }
0x147: {  	v6 =	vunpack.i.l.bf16.f32 v6;
	v18 =	vadd.f32 v30, v18;
	[tilespmem:s17+$0x3D60] =	vst v28;
	v24 =	vadd.f32 $1.000000000e+00, v24;
	v30 =	vpop (erf)  }
0x148: {  	[tilespmem:s17+$0x3D50] =	vst v31;
	v26 =	vadd.f32 v29, v26;
	v6 =	vmul.f32 v14, v6;
	v16 =	vadd.f32 $1.000000000e+00, v16;
	v28 =	vpop (erf)  }
0x149: {  	[tilespmem:s17+$0x3D40] =	vst v18;
	v5 =	vmul.f32 v17, v5;
	(erf) = vrcp.f32 v24;
	v24 =	vadd.f32 $1.000000000e+00, v28  }
0x14a: {  	v4 =	vunpack.i.l.bf16.f32 v4;
	[tilespmem:s17+$0x3D00] =	vst v26;
	(erf) = vrcp.f32 v16;
	v16 =	vadd.f32 $1.000000000e+00, v58  }
0x14b: {  	[tilespmem:s21+$0xA210] =	vst v5;
	v5 =	vmul.f32 v21, v23;
	v14 =	vadd.f32 $1.000000000e+00, v30;
	(erf) = vrcp.f32 v24;
	v17 =	vpop (erf)  }
0x14c: {  	v8 =	vmul.f32 v20, v8;
	[tilespmem:s21+$0xA200] =	vst v6;
	(erf) = vrcp.f32 v16;
	v6 =	vpop (erf);
	v16 =	vadd.f32 $1.000000000e+00, v17  }
0x14d: {  	[tilespmem:s21+$0xA230] =	vst v5;
	v5 =	vmul.f32 v25, v13;
	v6 =	vadd.f32 $1.000000000e+00, v6;
	(erf) = vrcp.f32 v14  }
0x14e: {  	v4 =	vmul.f32 v12, v4;
	(erf) = vrcp.f32 v16  }
0x14f: {  	[tilespmem:s21+$0xA240] =	vst v8;
	v8 =	vmul.f32 v27, v11;
	(erf) = vrcp.f32 v6;
	v6 =	vunpack.i.l.bf16.f32 v7  }
0x150: {  	v9 =	vunpack.i.u.bf16.f32 v9;
	[tilespmem:s21+$0xA250] =	vst v5;
	v6 =	vadd.f32 v10, v6  }
0x151: {  	v5 =	vadd.f32 v22, v9;
	[tilespmem:s21+$0xA260] =	vst v8;
	v11 =	vadd.f32 $1.000000000e+00, v34  }
0x152: {  	[tilespmem:s21+$0xA220] =	vst v4;
	v7 =	vunpack.i.u.bf16.f32 v15;
	v4 =	vpop (erf)  }
0x153: {  	[tilespmem:s17+$0x3D10] =	vst v5;
	v5 =	vunpack.i.u.bf16.f32 v3;
	(erf) = vrcp.f32 v11;
	v7 =	vadd.f32 v19, v7;
	v8 =	vpop (erf)  }
0x154: {  	[tilespmem:s17+$0x3D20] =	vst v6;
	v5 =	vmul.f32 v8, v5;
	v6 =	vpop (erf)  }
0x155: {  	v9 =	vunpack.i.u.bf16.f32 v35;
	[tilespmem:s17+$0x3D70] =	vst v7;
	v7 =	vunpack.i.l.bf16.f32 v35;
	v8 =	vpop (erf)  }
0x156: {  	[tilespmem:s17+$0xA270] =	vst v5;
	v6 =	vmul.f32 v6, v9;
	v9 =	vunpack.i.u.bf16.f32 v1;
	v5 =	vmul.f32 v8, v7  }
0x157: {  	v4 =	vmul.f32 v4, v9;
	_ =	sdelay $0x1  }
0x158: {  	v7 =	vunpack.i.l.bf16.f32 v2;
	v8 =	vpop (erf);
	[tilespmem:s17+$0xA210] =	vst v6  }
0x159: {  	v2 =	vunpack.i.u.bf16.f32 v2;
	v6 =	vmul.f32 v8, v7;
	[tilespmem:s17+$0xA200] =	vst v5;
	v5 =	vpop (erf)  }
0x15a: {  	v3 =	vunpack.i.l.bf16.f32 v3;
	[tilespmem:s17+$0xA230] =	vst v4;
	v2 =	vmul.f32 v5, v2;
	v4 =	vpop (erf)  }
0x15b: {  	v1 =	vunpack.i.l.bf16.f32 v1;
	[tilespmem:s17+$0xA240] =	vst v6;
	v3 =	vmul.f32 v4, v3;
	v4 =	vpop (erf)  }
0x15c: {  	v1 =	vmul.f32 v4, v1;
	[tilespmem:s17+$0xA250] =	vst v2  }
0x15d: {  	s4 =	sshll.u32 s4, $0x4;
	[tilespmem:s17+$0xA260] =	vst v3  }
0x15e: {  	s26 =	simm.s32 $0x3D00;
	s4 =	sadd.s32 s9, s4;
	[tilespmem:s17+$0xA220] =	vst v1  }
0x15f: {  	[hbm4b:s4+s3] =	stream.linear.scatter [tilespmem:s26], [sflag:$0x5], $0x1400, $0x38;
	[tilespmem:$0x1EF80] =	vst v63  }
0x160: {  	p1 =	seq.s32 s0, $0x7C;
	_ =	swait.ge [sflag:s22], $0x28  }
0x161: {  	s4 =	sadd.s32 @!p1 s31, s14;
	[sflag:s22] =	ssyncset.done $0x0  }
0x162: {  	s17 =	sshrl.u32 @!p1 s4, $0x3;
	[sflag:s22] =	ssyncadd.s32 $0xFFFFFFD8  }
0x163: {  	[spmem:s2] =	stream.indirect.scatter.add.f32 [tilespmem:s16], [sflag:$0x7], $0x80, s18, s12, $0xb8;
	[tilespmem:$0x1EF80] =	vst v63  }
0x164: {  	s26 =	simm.s32 @!p1 $0x0;
	s21 =	sadd.s32 @!p1 s5, s17  }
0x165: {  	[tilespmem:s26], [sflag:$0x1] =	stream.linear.gather @!p1 [hbm4b:s21+s26], $0x28, $0x38;
	[tilespmem:$0x1EF80] =	vst v63  }
0x166: {  	s4 =	sshll.u32 @!p1 s4, $0x4;
	s17 =	sadd.s32 @!p1 s6, s17;
	s21 =	simm.s32 @!p1 $0x80  }
0x167: {  	[tilespmem:s21], [sflag:$0x1] =	stream.linear.gather @!p1 [hbm4b:s17+s26], $0x28, $0x38;
	[tilespmem:$0x1EF80] =	vst v63  }
0x168: {  	s4 =	sadd.s32 @!p1 s1, s4;
	s17 =	simm.s32 @!p1 $0x100  }
0x169: {  	[tilespmem:s17], [sflag:$0x1] =	stream.linear.gather @!p1 [hbm4b:s4+s26], $0x1400, $0x38;
	[tilespmem:$0x1EF80] =	vst v63  }
0x16a: {  	s4 =	simm.s32 @!p1 $0x5  }
0x16b: {  	_ =	swait.ge @!p1 [sflag:s4], $0x1400  }
0x16c: {  	[sflag:s4] =	ssyncset.done @!p1 $0x0  }
0x16d: {  	[sflag:s4] =	ssyncadd.s32 @!p1 $0xFFFFEC00;
	s4 =	simm.s32 @!p1 $0x1  }
0x16e: {  	_ =	swait.ge @!p1 [sflag:s4], $0x28  }
0x16f: {  	[sflag:s4] =	ssyncset.done @!p1 $0x0  }
0x170: {  	[sflag:s4] =	ssyncadd.s32 @!p1 $0xFFFFFFD8  }
0x171: {  	_ =	swait.ge @!p1 [sflag:s4], $0x28  }
0x172: {  	[sflag:s4] =	ssyncset.done @!p1 $0x0  }
0x173: {  	[sflag:s4] =	ssyncadd.s32 @!p1 $0xFFFFFFD8  }
0x174: {  	_ =	swait.ge @!p1 [sflag:s4], $0x1400  }
0x175: {  	[sflag:s4] =	ssyncset.done @!p1 $0x0  }
0x176: {  	s17 =	simm.s32 @!p1 $0x1500;
	[sflag:s4] =	ssyncadd.s32 @!p1 $0xFFFFEC00;
	s4 =	simm.s32 @!p1 $0x28  }
0x177: {  	[tilespmem:s17], [sflag:$0x3] =	stream.indirect.gather @!p1 [hbm4b:s7+s4], $0x80, s21, s4, $0xb8;
	[tilespmem:$0x1EF80] =	vst v63  }
0x178: {  	s17 =	simm.s32 @!p1 $0x2900  }
0x179: {  	[tilespmem:s17], [sflag:$0x3] =	stream.indirect.gather @!p1 [hbm4b:s8+s4], $0x80, s26, s4, $0xb8;
	[tilespmem:$0x1EF80] =	vst v63  }
0x17a: {  	s4 =	sadd.s32 s31, s19  }
0x17b: {  	s21 =	sshrl.u32 s4, $0x3  }
0x17c: {  	s26 =	simm.s32 $0x0;
	s17 =	sadd.s32 s5, s21  }
0x17d: {  	[tilespmem:s23], [sflag:$0x9] =	stream.linear.gather [hbm4b:s17+s26], $0x28, $0x38;
	[tilespmem:$0x1EF80] =	vst v63  }
0x17e: {  	_ =	swait.ge [sflag:s24], $0x1400  }
0x17f: {  	[sflag:s24] =	ssyncset.done $0x0  }
0x180: {  	[sflag:s24] =	ssyncadd.s32 $0xFFFFEC00  }
0x181: {  	_ =	swait.ge [sflag:s24], $0x1400  }
0x182: {  	[sflag:s24] =	ssyncset.done $0x0  }
0x183: {  	[sflag:s24] =	ssyncadd.s32 $0xFFFFEC00  }
0x184: {  	_ =	swait.ge [sflag:s25], $0x1400  }
0x185: {  	[sflag:s25] =	ssyncset.done $0x0  }
0x186: {  	s21 =	simm.s32 $0x0;
	[sflag:s25] =	ssyncadd.s32 $0xFFFFEC00  }
0x187: {  	v1 =	vld [tilespmem:s21+$0x5270]  }
0x188: {  	v2 =	vld [tilespmem:s21+$0x5260]  }
0x189: {  	v3 =	vld [tilespmem:s21+$0x5250]  }
0x18a: {  	v5 =	vld [tilespmem:s21+$0x5240]  }
0x18b: {  	v7 =	vld [tilespmem:s21+$0x5230]  }
0x18c: {  	v8 =	vld [tilespmem:s21+$0x5220]  }
0x18d: {  	v9 =	vld [tilespmem:s21+$0x5210]  }
0x18e: {  	v10 =	vld [tilespmem:s21+$0x5200]  }
0x18f: {  	v6 =	vld [tilespmem:s21+$0x7A30]  }
0x190: {  	v13 =	vld [tilespmem:s21+$0x6620]  }
0x191: {  	v4 =	vld [tilespmem:s21+$0x6610]  }
0x192: {  	v11 =	vld [tilespmem:s21+$0x6630]  }
0x193: {  	v14 =	vld [tilespmem:s21+$0x6650]  }
0x194: {  	v16 =	vld [tilespmem:s21+$0x6670]  }
0x195: {  	v15 =	vld [tilespmem:s21+$0x6660]  }
0x196: {  	v12 =	vld [tilespmem:s21+$0x6640]  }
0x197: {  	v17 =	vld [tilespmem:s21+$0x7A20]  }
0x198: {  	v19 =	vld [tilespmem:s21+$0x7A60]  }
0x199: {  	v18 =	vld [tilespmem:s21+$0x7A50];
	v21 =	vunpack.i.u.bf16.f32 v14;
	v24 =	vunpack.i.l.bf16.f32 v16  }
0x19a: {  	v22 =	vld [tilespmem:s21+$0x7A40];
	v25 =	vunpack.i.u.bf16.f32 v15;
	v7 =	vsub.f32 $0.0e+00, v7;
	v1 =	vsub.f32 $0.0e+00, v1  }
0x19b: {  	v20 =	vld [tilespmem:s21+$0x7A70];
	v15 =	vunpack.i.l.bf16.f32 v15;
	v8 =	vsub.f32 $0.0e+00, v8;
	v6 =	vadd.f32 v6, v21  }
0x19c: {  	v10 =	vsub.f32 $0.0e+00, v10;
	v5 =	vsub.f32 $0.0e+00, v5;
	v21 =	vld [tilespmem:s21+$0x7A00];
	v7 =	vmul.f32 $1.442695020e+00, v7  }
0x19d: {  	s17 =	simm.s32 $0x80;
	v23 =	vld [tilespmem:s21+$0x7A10];
	v9 =	vsub.f32 $0.0e+00, v9;
	v19 =	vadd.f32 v19, v24;
	v1 =	vmul.f32 $1.442695020e+00, v1;
	[tilespmem:s21+$0x8E30] =	vst v6  }
0x19e: {  	v18 =	vadd.f32 v18, v25;
	v8 =	vmul.f32 $1.442695020e+00, v8;
	v24 =	vld [tilespmem:s17+$0x5270];
	(erf) = vpow2.f32 v7  }
0x19f: {  	v15 =	vadd.f32 v22, v15;
	v10 =	vmul.f32 $1.442695020e+00, v10;
	v26 =	vld [tilespmem:s17+$0x5260];
	[tilespmem:s21+$0x8E60] =	vst v19;
	(erf) = vpow2.f32 v1  }
0x1a0: {  	v19 =	vld [tilespmem:s17+$0x5250];
	[tilespmem:s21+$0x8E50] =	vst v18;
	v18 =	vunpack.i.l.bf16.f32 v12;
	v1 =	vmul.f32 $1.442695020e+00, v5;
	(erf) = vpow2.f32 v8  }
0x1a1: {  	v6 =	vld [tilespmem:s21+$0x6600];
	v7 =	vadd.f32 v21, v18;
	(erf) = vpow2.f32 v10  }
0x1a2: {  	v3 =	vsub.f32 $0.0e+00, v3;
	v5 =	vmul.f32 $1.442695020e+00, v9;
	v22 =	vld [tilespmem:s17+$0x5240];
	[tilespmem:s21+$0x8E40] =	vst v15;
	(erf) = vpow2.f32 v1  }
0x1a3: {  	v2 =	vsub.f32 $0.0e+00, v2;
	v59 =	vunpack.i.u.bf16.f32 v11;
	v15 =	vld [tilespmem:s17+$0x5230];
	[tilespmem:s21+$0x8E00] =	vst v7  }
0x1a4: {  	v11 =	vunpack.i.l.bf16.f32 v11;
	v3 =	vmul.f32 $1.442695020e+00, v3;
	v21 =	vld [tilespmem:s17+$0x5220];
	(erf) = vpow2.f32 v5  }
0x1a5: {  	v1 =	vunpack.i.u.bf16.f32 v16;
	v7 =	vunpack.i.u.bf16.f32 v12;
	v12 =	vunpack.i.l.bf16.f32 v14;
	v10 =	vld [tilespmem:s17+$0x5210]  }
0x1a6: {  	v25 =	vld [tilespmem:s17+$0x5200];
	v5 =	vmul.f32 $1.442695020e+00, v2;
	v16 =	vadd.f32 v20, v1;
	v7 =	vadd.f32 v23, v7  }
0x1a7: {  	v29 =	vld [tilespmem:s17+$0x7A30];
	v12 =	vadd.f32 v17, v12;
	(erf) = vpow2.f32 v3;
	v19 =	vsub.f32 $0.0e+00, v19;
	v9 =	vpop (erf)  }
0x1a8: {  	v8 =	vunpack.i.l.bf16.f32 v13;
	v2 =	vld [tilespmem:s17+$0x6620];
	v17 =	vsub.f32 $0.0e+00, v22;
	v14 =	vadd.f32 $1.000000000e+00, v9;
	v18 =	vpop (erf)  }
0x1a9: {  	v1 =	vld [tilespmem:s17+$0x6610];
	(erf) = vpow2.f32 v5;
	v15 =	vsub.f32 $0.0e+00, v15;
	v18 =	vadd.f32 $1.000000000e+00, v18;
	v20 =	vpop (erf)  }
0x1aa: {  	v3 =	vld [tilespmem:s17+$0x6630];
	(erf) = vrcp.f32 v14;
	v14 =	vmul.f32 $1.442695020e+00, v17;
	v17 =	vadd.f32 $1.000000000e+00, v20;
	v20 =	vpop (erf)  }
0x1ab: {  	v13 =	vunpack.i.u.bf16.f32 v13;
	v22 =	vsub.f32 $0.0e+00, v26;
	v9 =	vld [tilespmem:s17+$0x6640];
	[tilespmem:s21+$0x8E10] =	vst v7;
	v23 =	vpop (erf);
	(erf) = vrcp.f32 v18  }
0x1ac: {  	v10 =	vsub.f32 $0.0e+00, v10;
	v7 =	vld [tilespmem:s17+$0x6650];
	[tilespmem:s21+$0x8E20] =	vst v12;
	v12 =	vmul.f32 $1.442695020e+00, v19;
	v19 =	vsub.f32 $0.0e+00, v24  }
0x1ad: {  	v31 =	vmul.f32 $1.442695020e+00, v15;
	v21 =	vsub.f32 $0.0e+00, v21;
	v18 =	vld [tilespmem:s17+$0x6660];
	v26 =	vadd.f32 $1.000000000e+00, v20;
	[tilespmem:s21+$0x8E70] =	vst v16;
	v15 =	vpop (erf)  }
0x1ae: {  	v24 =	vmul.f32 $1.442695020e+00, v19;
	v20 =	vmul.f32 $1.442695020e+00, v10;
	v10 =	vld [tilespmem:s17+$0x7A20];
	v19 =	vadd.f32 $1.000000000e+00, v15  }
0x1af: {  	v5 =	vunpack.i.u.bf16.f32 v6;
	v25 =	vsub.f32 $0.0e+00, v25;
	v27 =	vmul.f32 $1.442695020e+00, v21;
	v15 =	vld [tilespmem:s17+$0x6670]  }
0x1b0: {  	v16 =	vmul.f32 $1.442695020e+00, v22;
	v22 =	vadd.f32 $1.000000000e+00, v23;
	v60 =	vld [tilespmem:s17+$0x7A50];
	v23 =	vpop (erf);
	(erf) = vrcp.f32 v19  }
0x1b1: {  	v28 =	vld [tilespmem:s17+$0x7A60];
	v61 =	vunpack.i.u.bf16.f32 v7;
	v36 =	vadd.f32 $1.000000000e+00, v23;
	(erf) = vrcp.f32 v26  }
0x1b2: {  	v30 =	vld [tilespmem:s17+$0x7A40];
	v23 =	vunpack.i.u.bf16.f32 v4;
	v37 =	vadd.f32 v29, v61;
	v19 =	vpop (erf);
	(erf) = vrcp.f32 v22  }
0x1b3: {  	v26 =	vunpack.i.l.bf16.f32 v9;
	v62 =	vadd.f32 $1.000000000e+00, v19;
	v19 =	vld [tilespmem:s17+$0x7A70];
	(erf) = vpow2.f32 v31;
	v21 =	vpop (erf)  }
0x1b4: {  	v29 =	vld [tilespmem:s17+$0x7A00];
	v31 =	vunpack.i.u.bf16.f32 v18;
	v32 =	vunpack.i.l.bf16.f32 v15;
	(erf) = vrcp.f32 v36;
	v63 =	vpop (erf)  }
0x1b5: {  	s28 =	simm.s32 $0x400;
	v22 =	vld [tilespmem:s17+$0x7A10];
	[tilespmem:s17+$0x8E30] =	vst v37;
	v31 =	vadd.f32 v60, v31;
	(erf) = vrcp.f32 v62;
	v33 =	vmul.f32 v63, v59  }
.LBB2_9:
0x1b6: {  	s26 =	sshra.s32 s28, $0x2;
	p2 =	sne.s32 s28, $0x4E00;
	s28 =	sadd.s32 $0x200, s28;
	v34 =	vld [tilespmem:s17+$0x6600];
	v35 =	vmul.f32 $1.442695020e+00, v25;
	v28 =	vadd.f32 v28, v32;
	(erf) = vrcp.f32 v17  }
0x1b7: {  	v17 =	vunpack.i.l.bf16.f32 v18;
	v15 =	vunpack.i.u.bf16.f32 v15;
	v32 =	vld [tilespmem:s26+$0x5270];
	(erf) = vpow2.f32 v24;
	[tilespmem:s21+$0xA270] =	vst v33  }
0x1b8: {  	v15 =	vadd.f32 v19, v15;
	v18 =	vld [tilespmem:s26+$0x5260];
	v17 =	vadd.f32 v30, v17;
	[tilespmem:s17+$0x8E60] =	vst v28;
	(erf) = vpow2.f32 v27  }
0x1b9: {  	v9 =	vunpack.i.u.bf16.f32 v9;
	v19 =	vld [tilespmem:s26+$0x5250];
	v24 =	vadd.f32 v29, v26;
	[tilespmem:s17+$0x8E50] =	vst v31;
	(erf) = vpow2.f32 v35;
	v25 =	vpop (erf)  }
0x1ba: {  	v6 =	vunpack.i.l.bf16.f32 v6;
	v26 =	vld [tilespmem:s26+$0x5240];
	[tilespmem:s17+$0x8E40] =	vst v17;
	(erf) = vpow2.f32 v14;
	v5 =	vmul.f32 v25, v5;
	v14 =	vpop (erf)  }
0x1bb: {  	v25 =	vunpack.i.l.bf16.f32 v2;
	v17 =	vld [tilespmem:s26+$0x5230];
	[tilespmem:s17+$0x8E00] =	vst v24;
	(erf) = vpow2.f32 v20;
	v24 =	vmul.f32 v14, v6;
	v14 =	vpop (erf)  }
0x1bc: {  	v21 =	vmul.f32 v21, v23;
	v22 =	vadd.f32 v22, v9;
	v20 =	vld [tilespmem:s26+$0x5220];
	v9 =	vpop (erf);
	[tilespmem:s21+$0xA210] =	vst v5;
	v28 =	vmul.f32 v14, v8  }
0x1bd: {  	v4 =	vunpack.i.l.bf16.f32 v4;
	v5 =	vunpack.i.u.bf16.f32 v34;
	v14 =	vunpack.i.l.bf16.f32 v7;
	v23 =	vld [tilespmem:s26+$0x5210];
	[tilespmem:s21+$0xA200] =	vst v24;
	v6 =	vpop (erf)  }
0x1be: {  	v10 =	vadd.f32 v10, v14;
	v27 =	vld [tilespmem:s26+$0x5200];
	(erf) = vpow2.f32 v12;
	[tilespmem:s21+$0xA230] =	vst v21;
	v6 =	vmul.f32 v6, v13;
	v7 =	vpop (erf)  }
0x1bf: {  	v9 =	vadd.f32 $1.000000000e+00, v9;
	v29 =	vld [tilespmem:s26+$0x7A30];
	(erf) = vpow2.f32 v16;
	[tilespmem:s21+$0xA240] =	vst v28;
	v7 =	vmul.f32 v7, v11;
	v8 =	vpop (erf)  }
0x1c0: {  	v12 =	vsub.f32 $0.0e+00, v26;
	v11 =	vsub.f32 $0.0e+00, v17;
	v21 =	vld [tilespmem:s26+$0x6620];
	v13 =	vpop (erf);
	v4 =	vmul.f32 v8, v4;
	[tilespmem:s21+$0xA250] =	vst v6  }
0x1c1: {  	v24 =	vsub.f32 $0.0e+00, v19;
	v16 =	vld [tilespmem:s26+$0x6610];
	v8 =	vadd.f32 $1.000000000e+00, v13;
	v13 =	vpop (erf);
	(erf) = vrcp.f32 v9;
	[tilespmem:s21+$0xA260] =	vst v7  }
0x1c2: {  	v26 =	vsub.f32 $0.0e+00, v18;
	v14 =	vmul.f32 $1.442695020e+00, v12;
	v19 =	vld [tilespmem:s26+$0x6630];
	v17 =	vadd.f32 $1.000000000e+00, v13;
	v13 =	vpop (erf);
	[tilespmem:s21+$0xA220] =	vst v4;
	s21 =	smov.u32 s17;
	s17 =	smov.u32 s26  }
0x1c3: {  	v32 =	vsub.f32 $0.0e+00, v32;
	v12 =	vmul.f32 $1.442695020e+00, v24;
	v9 =	vld [tilespmem:s17+$0x6640];
	[tilespmem:s21+$0x8E10] =	vst v22;
	v22 =	vpop (erf);
	(erf) = vrcp.f32 v8  }
0x1c4: {  	v35 =	vsub.f32 $0.0e+00, v23;
	v31 =	vmul.f32 $1.442695020e+00, v11;
	v30 =	vadd.f32 $1.000000000e+00, v13;
	v7 =	vld [tilespmem:s17+$0x6650];
	[tilespmem:s21+$0x8E20] =	vst v10;
	v6 =	vpop (erf)  }
0x1c5: {  	v24 =	vmul.f32 $1.442695020e+00, v32;
	v13 =	vsub.f32 $0.0e+00, v20;
	v18 =	vld [tilespmem:s17+$0x6660];
	v28 =	vadd.f32 $1.000000000e+00, v6;
	[tilespmem:s21+$0x8E70] =	vst v15;
	v6 =	vmovc v34;
	v8 =	vmovc v25  }
0x1c6: {  	v33 =	vunpack.i.u.bf16.f32 v3;
	v20 =	vmul.f32 $1.442695020e+00, v35;
	v4 =	vmovc v1;
	v25 =	vsub.f32 $0.0e+00, v27;
	v15 =	vld [tilespmem:s17+$0x6670];
	v1 =	vmovc v16  }
0x1c7: {  	v11 =	vunpack.i.l.bf16.f32 v3;
	v22 =	vadd.f32 $1.000000000e+00, v22;
	v16 =	vmul.f32 $1.442695020e+00, v26;
	v10 =	vld [tilespmem:s17+$0x7A20];
	v23 =	vpop (erf)  }
0x1c8: {  	v27 =	vmul.f32 $1.442695020e+00, v13;
	v13 =	vunpack.i.u.bf16.f32 v2;
	v34 =	vld [tilespmem:s17+$0x7A50];
	(erf) = vrcp.f32 v28;
	v2 =	vpop (erf)  }
.Ltmp5:
0x1c9: {  	v3 =	vmovc v19;
	v32 =	vunpack.i.u.bf16.f32 v7;
	v28 =	vld [tilespmem:s17+$0x7A60];
	v35 =	vadd.f32 $1.000000000e+00, v2;
	(erf) = vrcp.f32 v30;
	v2 =	vmovc v21;
	(pc) =	sbr.rel @p2 .LBB2_9-.Ltmp5, $4  }
0x1ca: {  	v26 =	vunpack.i.l.bf16.f32 v9;
	v38 =	vadd.f32 $1.000000000e+00, v23;
	v19 =	vld [tilespmem:s17+$0x7A70];
	v21 =	vpop (erf);
	(erf) = vrcp.f32 v22  }
0x1cb: {  	v23 =	vunpack.i.u.bf16.f32 v4;
	v37 =	vadd.f32 v29, v32;
	v30 =	vld [tilespmem:s17+$0x7A40];
	(erf) = vpow2.f32 v31  }
0x1cc: {  	v31 =	vunpack.i.u.bf16.f32 v18;
	v32 =	vunpack.i.l.bf16.f32 v15;
	v29 =	vld [tilespmem:s17+$0x7A00];
	(erf) = vrcp.f32 v38;
	v36 =	vpop (erf)  }
0x1cd: {  	v22 =	vld [tilespmem:s17+$0x7A10];
	[tilespmem:s17+$0x8E30] =	vst v37;
	v31 =	vadd.f32 v34, v31;
	v33 =	vmul.f32 v36, v33;
	(erf) = vrcp.f32 v35  }
0x1ce: {  	(erf) = vrcp.f32 v17  }
0x1cf: {  	v53 =	vmul.f32 $1.442695020e+00, v25;
	(erf) = vpow2.f32 v24  }
0x1d0: {  	(erf) = vpow2.f32 v27  }
0x1d1: {  	(erf) = vpow2.f32 v53;
	v54 =	vpop (erf)  }
0x1d2: {  	(erf) = vpow2.f32 v14;
	v55 =	vpop (erf)  }
0x1d3: {  	(erf) = vpow2.f32 v20;
	v56 =	vpop (erf)  }
0x1d4: {  	v57 =	vpop (erf)  }
0x1d5: {  	v58 =	vpop (erf)  }
0x1d6: {  	v59 =	vpop (erf);
	(erf) = vpow2.f32 v12  }
0x1d7: {  	v60 =	vpop (erf);
	(erf) = vpow2.f32 v16  }
0x1d8: {  	v61 =	vpop (erf)  }
0x1d9: {  	v28 =	vadd.f32 v28, v32;
	v34 =	vpop (erf)  }
0x1da: {  	v35 =	vld [tilespmem:s17+$0x6600];
	v18 =	vunpack.i.l.bf16.f32 v18;
	[tilespmem:s21+$0xA270] =	vst v33;
	v62 =	vpop (erf)  }
0x1db: {  	v6 =	vunpack.i.l.bf16.f32 v6;
	v18 =	vadd.f32 v30, v18;
	[tilespmem:s17+$0x8E60] =	vst v28;
	v24 =	vadd.f32 $1.000000000e+00, v57;
	v63 =	vpop (erf)  }
0x1dc: {  	v38 =	vmul.f32 v21, v23;
	[tilespmem:s17+$0x8E50] =	vst v31;
	v26 =	vadd.f32 v29, v26;
	v16 =	vadd.f32 $1.000000000e+00, v61;
	v33 =	vpop (erf)  }
0x1dd: {  	[tilespmem:s17+$0x8E40] =	vst v18;
	v5 =	vmul.f32 v54, v5;
	(erf) = vrcp.f32 v24;
	v36 =	vadd.f32 $1.000000000e+00, v33  }
0x1de: {  	v4 =	vunpack.i.l.bf16.f32 v4;
	[tilespmem:s17+$0x8E00] =	vst v26;
	v37 =	vadd.f32 $1.000000000e+00, v62;
	(erf) = vrcp.f32 v16  }
0x1df: {  	v6 =	vmul.f32 v55, v6;
	[tilespmem:s21+$0xA210] =	vst v5;
	v39 =	vadd.f32 $1.000000000e+00, v63;
	(erf) = vrcp.f32 v36;
	v40 =	vpop (erf)  }
0x1e0: {  	v8 =	vmul.f32 v56, v8;
	[tilespmem:s21+$0xA230] =	vst v38;
	(erf) = vrcp.f32 v37;
	v41 =	vpop (erf);
	v42 =	vadd.f32 $1.000000000e+00, v40  }
0x1e1: {  	[tilespmem:s21+$0xA200] =	vst v6;
	v43 =	vmul.f32 v58, v13;
	v6 =	vadd.f32 $1.000000000e+00, v41;
	(erf) = vrcp.f32 v39  }
0x1e2: {  	[tilespmem:s21+$0xA240] =	vst v8;
	v44 =	vmul.f32 v59, v11;
	v45 =	vadd.f32 $1.000000000e+00, v34;
	(erf) = vrcp.f32 v42  }
0x1e3: {  	v9 =	vunpack.i.u.bf16.f32 v9;
	v4 =	vmul.f32 v60, v4;
	[tilespmem:s21+$0xA250] =	vst v43;
	(erf) = vrcp.f32 v6  }
0x1e4: {  	v48 =	vunpack.i.u.bf16.f32 v15;
	v46 =	vadd.f32 v22, v9;
	[tilespmem:s21+$0xA260] =	vst v44;
	(erf) = vrcp.f32 v45  }
0x1e5: {  	v47 =	vunpack.i.l.bf16.f32 v7;
	v7 =	vadd.f32 v19, v48;
	[tilespmem:s21+$0xA220] =	vst v4  }
0x1e6: {  	v56 =	vunpack.i.u.bf16.f32 v1;
	[tilespmem:s17+$0x8E10] =	vst v46;
	v6 =	vadd.f32 v10, v47;
	v49 =	vpop (erf)  }
0x1e7: {  	v50 =	vunpack.i.u.bf16.f32 v3;
	[tilespmem:s17+$0x8E70] =	vst v7;
	v51 =	vpop (erf);
	v4 =	vmul.f32 v49, v56  }
0x1e8: {  	v52 =	vunpack.i.u.bf16.f32 v35;
	[tilespmem:s17+$0x8E20] =	vst v6;
	v5 =	vmul.f32 v51, v50;
	v53 =	vpop (erf)  }
0x1e9: {  	v54 =	vunpack.i.l.bf16.f32 v35;
	[tilespmem:s17+$0xA230] =	vst v4;
	v6 =	vmul.f32 v53, v52;
	v55 =	vpop (erf)  }
0x1ea: {  	v58 =	vunpack.i.l.bf16.f32 v2;
	[tilespmem:s17+$0xA270] =	vst v5;
	v57 =	vmul.f32 v55, v54;
	v59 =	vpop (erf)  }
0x1eb: {  	v2 =	vunpack.i.u.bf16.f32 v2;
	[tilespmem:s17+$0xA210] =	vst v6;
	v60 =	vmul.f32 v59, v58;
	v61 =	vpop (erf)  }
0x1ec: {  	v3 =	vunpack.i.l.bf16.f32 v3;
	[tilespmem:s17+$0xA200] =	vst v57;
	v2 =	vmul.f32 v61, v2;
	v62 =	vpop (erf)  }
0x1ed: {  	v1 =	vunpack.i.l.bf16.f32 v1;
	[tilespmem:s17+$0xA240] =	vst v60;
	v3 =	vmul.f32 v62, v3;
	v63 =	vpop (erf)  }
0x1ee: {  	v1 =	vmul.f32 v63, v1;
	[tilespmem:s17+$0xA250] =	vst v2  }
0x1ef: {  	s4 =	sshll.u32 s4, $0x4;
	[tilespmem:s17+$0xA260] =	vst v3  }
0x1f0: {  	s28 =	simm.s32 $0x8E00;
	s4 =	sadd.s32 s9, s4;
	[tilespmem:s17+$0xA220] =	vst v1  }
0x1f1: {  	[hbm4b:s4+s3] =	stream.linear.scatter [tilespmem:s28], [sflag:$0x6], $0x1400, $0x38;
	[tilespmem:$0x1EF80] =	vst v63  }
.Ltmp6:
0x1f2: {  	_ = 	snop;
	(pc) =	sbr.rel @p1 .LBB2_12-.Ltmp6, $4  }
0x1f3: {  	_ =	swait.ge [sflag:s10], $0x28  }
0x1f4: {  	[sflag:s10] =	ssyncset.done $0x0  }
0x1f5: {  	[sflag:s10] =	ssyncadd.s32 $0xFFFFFFD8  }
0x1f6: {  	[spmem:s2] =	stream.indirect.scatter.add.f32 [tilespmem:s16], [sflag:$0x7], $0x80, s23, s12, $0xb8;
	[tilespmem:$0x1EF80] =	vst v63  }
0x1f7: {  	s4 =	sadd.s32 s31, s15  }
0x1f8: {  	s17 =	sshrl.u32 s4, $0x3  }
0x1f9: {  	s21 =	sadd.s32 s5, s17  }
0x1fa: {  	[tilespmem:s29], [sflag:$0x2] =	stream.linear.gather [hbm4b:s21+s3], $0x28, $0x38;
	[tilespmem:$0x1EF80] =	vst v63  }
.Ltmp7:
0x1fb: {  	_ = 	snop;
	(pc) =	sbr.rel .LBB2_6-.Ltmp7, $4  }
0x1fc: {  	s4 =	sshll.u32 s4, $0x4;
	s17 =	sadd.s32 s6, s17  }
0x1fd: {  	[tilespmem:s30], [sflag:$0x2] =	stream.linear.gather [hbm4b:s17+s3], $0x28, $0x38;
	[tilespmem:$0x1EF80] =	vst v63  }
0x1fe: {  	s31 =	simm.s32 $0x5200;
	s0 =	sadd.s32 $0x1, s0;
	s4 =	sadd.s32 s1, s4  }
0x1ff: {  	[tilespmem:s31], [sflag:$0x2] =	stream.linear.gather [hbm4b:s4+s3], $0x1400, $0x38;
	[tilespmem:$0x1EF80] =	vst v63  }
.LBB2_13:
0x200: {  	_ =	sfence.sel $0x180000  }
0x201: {  	[bflag:$0x0] =	sbarrier.arrive $0xFFFF  }
0x202: {  	_ =	strace $0x90000047  }
0x203: {  	s0 =	stileid.u32;
	[bflag:$0x2] =	sbarrier.arrive $0xFFFF  }
0x204: {  	p0 =	sne.s32 s0, $0x0;
	s0 =	rddreg [dreg:$0x4]  }
0x205: {  	s0 =	sadd.s32 @!p0 $0x100000, s0  }
0x206: {  	[sflag:s0] =	ssyncadd.tile.s32 @!p0 $0x1;
	_ =	shalt  }
.Lfunc_end2:
_tile_overlayer_lowered:
.L_overlay_start_2:
0x207: {  	(tag) =	ssettag $0x2  }
0x208: {  	s0 =	rddreg [dreg:$0x0];
	s2 =	stileid.u32  }
0x209: {  	s1 =	rddreg [dreg:$0x1];
	p0 =	sne.s32 s2, $0x0  }
0x20a: {  	s3 =	rddreg [dreg:$0x2];
	[bflag:$0x3] =	sbarrier.arrive $0xFFFF;
	s2 =	simm.s32 @!p0 $0x1C0A  }
0x20b: {  	[timem:s3], [sflag:s2] =	dma.local @!p0 [hbm:s0], s1  }
0x20c: {  	s0 =	simm.s32 @!p0 $0xA  }
0x20d: {  	_ =	swait.ge @!p0 [sflag:s0], s1  }
0x20e: {  	s1 =	ssub.s32 @!p0 $0x0, s1;
	[sflag:s0] =	ssyncset.done @!p0 $0x0  }
0x20f: {  	[sflag:s0] =	ssyncadd.s32 @!p0 s1  }
0x210: {  	[bflag:$0x3] =	sbarrier.arrive $0xFFFF  }
0x211: {  	_ =	shalt  }

</sc_bundles>
